<compile_context>
chip_gen: v7x
topology: tpu7x:2x2x1
jax: 0.10.2.dev20260603
libtpu: 0.0.44.dev20260713+nightly
codegen_flags: <defaults>
</compile_context>

<pallas_src>
import jax
import jax.numpy as jnp
from jax import lax
from jax.experimental import pallas as pl
from jax.experimental.pallas import tpu as pltpu
from jax.experimental.pallas import tpu_sc as plsc

K = 8192
B = 16384
L = 200

N = B * L
LANES = 16
NW = 32
PER_W = N // NW
CHUNK = 6400
NCHUNKS = PER_W // CHUNK
NVEC = CHUNK // LANES


def _body(a_hbm, b_hbm, sa_hbm, sba_hbm, out_hbm,
          a0, b0, i0, v0, a1, b1, i1, v1, sa_v,
          si0, si1, sg0, sg1, so0, so1):
    cid = lax.axis_index("c")
    sid = lax.axis_index("s")
    wid = sid * 2 + cid
    base = wid * PER_W

    bufs = ((a0, b0, i0, v0), (a1, b1, i1, v1))
    in_sems = (si0, si1)
    g_sems = (sg0, sg1)
    o_sems = (so0, so1)

    pltpu.sync_copy(sa_hbm, sa_v)

    def start_in(g, p):
        off = base + g * CHUNK
        a_p, b_p, _, _ = bufs[p]
        pltpu.async_copy(a_hbm.at[pl.ds(off, CHUNK)], a_p, in_sems[p])
        pltpu.async_copy(b_hbm.at[pl.ds(off, CHUNK)], b_p, in_sems[p])

    def wait_in(p):
        a_p, b_p, _, _ = bufs[p]
        pltpu.make_async_copy(a_hbm.at[pl.ds(0, CHUNK)], a_p, in_sems[p]).wait()
        pltpu.make_async_copy(b_hbm.at[pl.ds(0, CHUNK)], b_p, in_sems[p]).wait()

    def loop1(p):
        a_p, b_p, i_p, _ = bufs[p]

        def f(i, c):
            sl = pl.ds(i * LANES, LANES)
            i_p[sl] = a_p[sl] * K + b_p[sl]
            return c

        lax.fori_loop(0, NVEC, f, 0)

    def start_gather(p):
        _, _, i_p, v_p = bufs[p]
        pltpu.async_copy(sba_hbm.at[i_p], v_p, g_sems[p])

    def wait_gather(p):
        _, _, i_p, v_p = bufs[p]
        pltpu.make_async_copy(sba_hbm.at[i_p], v_p, g_sems[p]).wait()

    def loop2(p):
        a_p, _, _, v_p = bufs[p]

        def f(i, c):
            sl = pl.ds(i * LANES, LANES)
            v_p[sl] = v_p[sl] + plsc.load_gather(sa_v, [a_p[sl]])
            return c

        lax.fori_loop(0, NVEC, f, 0)

    def start_out(g, p):
        off = base + g * CHUNK
        _, _, _, v_p = bufs[p]
        pltpu.async_copy(v_p, out_hbm.at[pl.ds(off, CHUNK)], o_sems[p])

    def wait_out(p):
        _, _, _, v_p = bufs[p]
        pltpu.make_async_copy(v_p, out_hbm.at[pl.ds(0, CHUNK)], o_sems[p]).wait()

    start_in(0, 0)
    for g in range(NCHUNKS):
        p = g & 1
        q = 1 - p
        wait_in(p)
        loop1(p)
        if g >= 2:
            wait_out(p)
        start_gather(p)
        if g >= 1:
            wait_gather(q)
            loop2(q)
            start_out(g - 1, q)
        if g + 1 < NCHUNKS:
            start_in(g + 1, q)
    p = (NCHUNKS - 1) & 1
    wait_gather(p)
    loop2(p)
    start_out(NCHUNKS - 1, p)
    wait_out(1 - p)
    wait_out(p)


@jax.jit
def kernel(a, b, sa, sba):
    af = a.reshape(N)
    bf = b.reshape(N)
    sba_flat = sba.reshape(K * K)

    mesh = plsc.VectorSubcoreMesh(core_axis_name="c", subcore_axis_name="s")
    out = pl.kernel(
        _body,
        out_type=jax.ShapeDtypeStruct((N,), jnp.float32),
        mesh=mesh,
        compiler_params=pltpu.CompilerParams(needs_layout_passes=False),
        scratch_types=[
            pltpu.VMEM((CHUNK,), jnp.int32),
            pltpu.VMEM((CHUNK,), jnp.int32),
            pltpu.VMEM((CHUNK,), jnp.int32),
            pltpu.VMEM((CHUNK,), jnp.float32),
            pltpu.VMEM((CHUNK,), jnp.int32),
            pltpu.VMEM((CHUNK,), jnp.int32),
            pltpu.VMEM((CHUNK,), jnp.int32),
            pltpu.VMEM((CHUNK,), jnp.float32),
            pltpu.VMEM((K,), jnp.float32),
            pltpu.SemaphoreType.DMA,
            pltpu.SemaphoreType.DMA,
            pltpu.SemaphoreType.DMA,
            pltpu.SemaphoreType.DMA,
            pltpu.SemaphoreType.DMA,
            pltpu.SemaphoreType.DMA,
        ],
    )(af, bf, sa, sba_flat)
    return out.reshape(B, L)

# --- scband reference (transcript-rebuilt; emitter-appended) ---
"""Pipeline reference for scband-categorical-module-70506183131320 (READ-ONLY COPY).

The authoritative reference and input builder live on the scoring server;
editing this copy changes nothing except your own understanding.
"""

import jax, jax.numpy as jnp
import numpy as np

K = 8192  # number of categories
B = 16384
L = 200


def setup_inputs(seed: int = 0) -> dict:
    key = jax.random.key(seed)
    k1, k2, k3, k4 = jax.random.split(key, 4)
    a = jax.random.randint(k1, (B, L), 0, K, dtype=jnp.int32)
    b = jax.random.randint(k2, (B, L), 0, K, dtype=jnp.int32)
    # Learned logit parameters, mimicking proba2logit (zero-mean over last axis)
    sa = jax.random.normal(k3, (K,), dtype=jnp.float32)
    sa = sa - jnp.mean(sa, axis=-1, keepdims=True)
    sba = jax.random.normal(k4, (K, K), dtype=jnp.float32)
    sba = sba - jnp.mean(sba, axis=-1, keepdims=True)
    return {"a": a, "b": b, "sa": sa, "sba": sba}


def reference(a, b, sa, sba):
    # CategoricalModule.forward: sa[a] + sba[a, b]
    a_scores = jnp.take(sa, a, axis=0)
    cond_scores = sba[a, b]
    return a_scores + cond_scores

if __name__ == "__main__":
    import jax
    _d = setup_inputs()
    print(jax.jit(kernel)(*tuple(_d.values())))

</pallas_src>

<mosaic_0001>
#map = affine_map<(d0, d1) -> (0)>
module attributes {stable_mosaic.version = 14 : i64} {
  func.func @_body(%arg0: i32, %arg1: i32, %arg2: memref<3276800xi32, #tpu.memory_space<hbm>>, %arg3: memref<3276800xi32, #tpu.memory_space<hbm>>, %arg4: memref<8192xf32, #tpu.memory_space<hbm>>, %arg5: memref<67108864xf32, #tpu.memory_space<hbm>>, %arg6: memref<3276800xf32, #tpu.memory_space<hbm>>, %arg7: memref<6400xi32, #tpu.memory_space<vmem>>, %arg8: memref<6400xi32, #tpu.memory_space<vmem>>, %arg9: memref<6400xi32, #tpu.memory_space<vmem>>, %arg10: memref<6400xf32, #tpu.memory_space<vmem>>, %arg11: memref<6400xi32, #tpu.memory_space<vmem>>, %arg12: memref<6400xi32, #tpu.memory_space<vmem>>, %arg13: memref<6400xi32, #tpu.memory_space<vmem>>, %arg14: memref<6400xf32, #tpu.memory_space<vmem>>, %arg15: memref<8192xf32, #tpu.memory_space<vmem>>, %arg16: memref<!tpu.dma_semaphore, #tpu.memory_space<semaphore_mem>>, %arg17: memref<!tpu.dma_semaphore, #tpu.memory_space<semaphore_mem>>, %arg18: memref<!tpu.dma_semaphore, #tpu.memory_space<semaphore_mem>>, %arg19: memref<!tpu.dma_semaphore, #tpu.memory_space<semaphore_mem>>, %arg20: memref<!tpu.dma_semaphore, #tpu.memory_space<semaphore_mem>>, %arg21: memref<!tpu.dma_semaphore, #tpu.memory_space<semaphore_mem>>) attributes {dimension_semantics = [#tpu.dimension_semantics<core_parallel>, #tpu.dimension_semantics<subcore_parallel>], iteration_bounds = array<i64: 2, 16>, scalar_prefetch = 0 : i64, scratch_operands = 15 : i64, tpu.core_type = #tpu.core_type<sc_vector_subcore>, window_params = [{transform_indices = #map}, {transform_indices = #map}, {transform_indices = #map}, {transform_indices = #map}, {transform_indices = #map}]} {
    %mul3A = arith.constant 2 : i32
    %mul3A_0 = arith.muli %arg1, %mul3A : i32
    %add3A = arith.addi %mul3A_0, %arg0 : i32
    %mul3A_1 = arith.constant 102400 : i32
    %mul3A_2 = arith.muli %add3A, %mul3A_1 : i32
    "tpu.region"() ({
      %run_scoped3A = tpu.sem_alloc : memref<!tpu.dma_semaphore, #tpu.memory_space<semaphore_mem>>
      tpu.enqueue_dma source(%arg4 : memref<8192xf32, #tpu.memory_space<hbm>>) target(%arg15 : memref<8192xf32, #tpu.memory_space<vmem>>) target_semaphore(%run_scoped3A : memref<!tpu.dma_semaphore, #tpu.memory_space<semaphore_mem>>)
      tpu.wait_dma2 semaphore(%run_scoped3A : memref<!tpu.dma_semaphore, #tpu.memory_space<semaphore_mem>>) src(%arg4 : memref<8192xf32, #tpu.memory_space<hbm>>) dst(%arg15 : memref<8192xf32, #tpu.memory_space<vmem>>)
      tpu.yield
    }) : () -> ()
    %add3A_3 = arith.constant 0 : i32
    %add3A_4 = arith.addi %mul3A_2, %add3A_3 : i32
    %dma_start3A = tpu.memref_slice %arg2[%add3A_4] : memref<3276800xi32, #tpu.memory_space<hbm>> -> memref<6400xi32, #tpu.memory_space<hbm>>
    %dma_start3A_5 = tpu.memref_slice %arg2[%add3A_4] : memref<3276800xi32, #tpu.memory_space<hbm>> -> memref<6400xi32, #tpu.memory_space<hbm>>
    tpu.enqueue_dma source(%dma_start3A_5 : memref<6400xi32, #tpu.memory_space<hbm>>) target(%arg7 : memref<6400xi32, #tpu.memory_space<vmem>>) target_semaphore(%arg16 : memref<!tpu.dma_semaphore, #tpu.memory_space<semaphore_mem>>)
    %dma_start3A_6 = tpu.memref_slice %arg3[%add3A_4] : memref<3276800xi32, #tpu.memory_space<hbm>> -> memref<6400xi32, #tpu.memory_space<hbm>>
    %dma_start3A_7 = tpu.memref_slice %arg3[%add3A_4] : memref<3276800xi32, #tpu.memory_space<hbm>> -> memref<6400xi32, #tpu.memory_space<hbm>>
    tpu.enqueue_dma source(%dma_start3A_7 : memref<6400xi32, #tpu.memory_space<hbm>>) target(%arg8 : memref<6400xi32, #tpu.memory_space<vmem>>) target_semaphore(%arg16 : memref<!tpu.dma_semaphore, #tpu.memory_space<semaphore_mem>>)
    %dma_wait3A = arith.constant 0 : i32
    %dma_wait3A_8 = tpu.memref_slice %arg2[%dma_wait3A] : memref<3276800xi32, #tpu.memory_space<hbm>> -> memref<6400xi32, #tpu.memory_space<hbm>>
    %dma_wait3A_9 = arith.constant 0 : i32
    %dma_wait3A_10 = tpu.memref_slice %arg2[%dma_wait3A_9] : memref<3276800xi32, #tpu.memory_space<hbm>> -> memref<6400xi32, #tpu.memory_space<hbm>>
    tpu.wait_dma2 semaphore(%arg16 : memref<!tpu.dma_semaphore, #tpu.memory_space<semaphore_mem>>) src(%dma_wait3A_10 : memref<6400xi32, #tpu.memory_space<hbm>>) dst(%arg7 : memref<6400xi32, #tpu.memory_space<vmem>>)
    %dma_wait3A_11 = arith.constant 0 : i32
    %dma_wait3A_12 = tpu.memref_slice %arg3[%dma_wait3A_11] : memref<3276800xi32, #tpu.memory_space<hbm>> -> memref<6400xi32, #tpu.memory_space<hbm>>
    %dma_wait3A_13 = arith.constant 0 : i32
    %dma_wait3A_14 = tpu.memref_slice %arg3[%dma_wait3A_13] : memref<3276800xi32, #tpu.memory_space<hbm>> -> memref<6400xi32, #tpu.memory_space<hbm>>
    tpu.wait_dma2 semaphore(%arg16 : memref<!tpu.dma_semaphore, #tpu.memory_space<semaphore_mem>>) src(%dma_wait3A_14 : memref<6400xi32, #tpu.memory_space<hbm>>) dst(%arg8 : memref<6400xi32, #tpu.memory_space<vmem>>)
    %scan3A = arith.constant 0 : i32
    %scan3A_15 = arith.constant 0 : i32
    %scan3A_16 = arith.constant 400 : i32
    %scan3A_17 = arith.addi %scan3A_15, %scan3A_16 : i32
    %scan3A_18 = arith.constant 1 : i32
    scf.for %scan3A_608 = %scan3A_15 to %scan3A_17 step %scan3A_18  : i32 {
      %mul3A_609 = arith.constant 16 : i32
      %mul3A_610 = arith.muli %scan3A_608, %mul3A_609 : i32
      %get3A = arith.index_cast %mul3A_610 : i32 to index
      %get3A_611 = tpu.vector_load %arg7[%get3A] {strides = array<i32>} : memref<6400xi32, #tpu.memory_space<vmem>>, vector<16xi32>,
      %mul3A_612 = arith.constant 8192 : i32
      %mul3A_613 = vector.broadcast %mul3A_612 : i32 to vector<16xi32>
      %mul3A_614 = arith.muli %get3A_611, %mul3A_613 : vector<16xi32>
      %get3A_615 = arith.index_cast %mul3A_610 : i32 to index
      %get3A_616 = tpu.vector_load %arg8[%get3A_615] {strides = array<i32>} : memref<6400xi32, #tpu.memory_space<vmem>>, vector<16xi32>,
      %add3A_617 = arith.addi %mul3A_614, %get3A_616 : vector<16xi32>
      %swap3A = arith.index_cast %mul3A_610 : i32 to index
      %swap3A_618 = tpu.vector_load %arg9[%swap3A] {strides = array<i32>} : memref<6400xi32, #tpu.memory_space<vmem>>, vector<16xi32>,
      tpu.vector_store %arg9[%swap3A], %add3A_617 {strides = array<i32>} : memref<6400xi32, #tpu.memory_space<vmem>>, vector<16xi32>,
    }
    %scan3A_19 = arith.constant 400 : i32
    %dma_start3A_20 = arith.constant 0 : i32
    %dma_start3A_21 = tpu.memref_slice %arg5[%dma_start3A_20] : memref<67108864xf32, #tpu.memory_space<hbm>> -> memref<67108864xf32, #tpu.memory_space<hbm>>
    tpu.enqueue_indirect_dma source(%dma_start3A_21 : memref<67108864xf32, #tpu.memory_space<hbm>>) target(%arg10 : memref<6400xf32, #tpu.memory_space<vmem>>) offsets(%arg9 : memref<6400xi32, #tpu.memory_space<vmem>>) semaphore(%arg18 : memref<!tpu.dma_semaphore, #tpu.memory_space<semaphore_mem>>)
    %add3A_22 = arith.constant 6400 : i32
    %add3A_23 = arith.addi %mul3A_2, %add3A_22 : i32
    %dma_start3A_24 = tpu.memref_slice %arg2[%add3A_23] : memref<3276800xi32, #tpu.memory_space<hbm>> -> memref<6400xi32, #tpu.memory_space<hbm>>
    %dma_start3A_25 = tpu.memref_slice %arg2[%add3A_23] : memref<3276800xi32, #tpu.memory_space<hbm>> -> memref<6400xi32, #tpu.memory_space<hbm>>
    tpu.enqueue_dma source(%dma_start3A_25 : memref<6400xi32, #tpu.memory_space<hbm>>) target(%arg11 : memref<6400xi32, #tpu.memory_space<vmem>>) target_semaphore(%arg17 : memref<!tpu.dma_semaphore, #tpu.memory_space<semaphore_mem>>)
    %dma_start3A_26 = tpu.memref_slice %arg3[%add3A_23] : memref<3276800xi32, #tpu.memory_space<hbm>> -> memref<6400xi32, #tpu.memory_space<hbm>>
    %dma_start3A_27 = tpu.memref_slice %arg3[%add3A_23] : memref<3276800xi32, #tpu.memory_space<hbm>> -> memref<6400xi32, #tpu.memory_space<hbm>>
    tpu.enqueue_dma source(%dma_start3A_27 : memref<6400xi32, #tpu.memory_space<hbm>>) target(%arg12 : memref<6400xi32, #tpu.memory_space<vmem>>) target_semaphore(%arg17 : memref<!tpu.dma_semaphore, #tpu.memory_space<semaphore_mem>>)
    %dma_wait3A_28 = arith.constant 0 : i32
    %dma_wait3A_29 = tpu.memref_slice %arg2[%dma_wait3A_28] : memref<3276800xi32, #tpu.memory_space<hbm>> -> memref<6400xi32, #tpu.memory_space<hbm>>
    %dma_wait3A_30 = arith.constant 0 : i32
    %dma_wait3A_31 = tpu.memref_slice %arg2[%dma_wait3A_30] : memref<3276800xi32, #tpu.memory_space<hbm>> -> memref<6400xi32, #tpu.memory_space<hbm>>
    tpu.wait_dma2 semaphore(%arg17 : memref<!tpu.dma_semaphore, #tpu.memory_space<semaphore_mem>>) src(%dma_wait3A_31 : memref<6400xi32, #tpu.memory_space<hbm>>) dst(%arg11 : memref<6400xi32, #tpu.memory_space<vmem>>)
    %dma_wait3A_32 = arith.constant 0 : i32
    %dma_wait3A_33 = tpu.memref_slice %arg3[%dma_wait3A_32] : memref<3276800xi32, #tpu.memory_space<hbm>> -> memref<6400xi32, #tpu.memory_space<hbm>>
    %dma_wait3A_34 = arith.constant 0 : i32
    %dma_wait3A_35 = tpu.memref_slice %arg3[%dma_wait3A_34] : memref<3276800xi32, #tpu.memory_space<hbm>> -> memref<6400xi32, #tpu.memory_space<hbm>>
    tpu.wait_dma2 semaphore(%arg17 : memref<!tpu.dma_semaphore, #tpu.memory_space<semaphore_mem>>) src(%dma_wait3A_35 : memref<6400xi32, #tpu.memory_space<hbm>>) dst(%arg12 : memref<6400xi32, #tpu.memory_space<vmem>>)
    %scan3A_36 = arith.constant 0 : i32
    %scan3A_37 = arith.constant 0 : i32
    %scan3A_38 = arith.constant 400 : i32
    %scan3A_39 = arith.addi %scan3A_37, %scan3A_38 : i32
    %scan3A_40 = arith.constant 1 : i32
    scf.for %scan3A_608 = %scan3A_37 to %scan3A_39 step %scan3A_40  : i32 {
      %mul3A_609 = arith.constant 16 : i32
      %mul3A_610 = arith.muli %scan3A_608, %mul3A_609 : i32
      %get3A = arith.index_cast %mul3A_610 : i32 to index
      %get3A_611 = tpu.vector_load %arg11[%get3A] {strides = array<i32>} : memref<6400xi32, #tpu.memory_space<vmem>>, vector<16xi32>,
      %mul3A_612 = arith.constant 8192 : i32
      %mul3A_613 = vector.broadcast %mul3A_612 : i32 to vector<16xi32>
      %mul3A_614 = arith.muli %get3A_611, %mul3A_613 : vector<16xi32>
      %get3A_615 = arith.index_cast %mul3A_610 : i32 to index
      %get3A_616 = tpu.vector_load %arg12[%get3A_615] {strides = array<i32>} : memref<6400xi32, #tpu.memory_space<vmem>>, vector<16xi32>,
      %add3A_617 = arith.addi %mul3A_614, %get3A_616 : vector<16xi32>
      %swap3A = arith.index_cast %mul3A_610 : i32 to index
      %swap3A_618 = tpu.vector_load %arg13[%swap3A] {strides = array<i32>} : memref<6400xi32, #tpu.memory_space<vmem>>, vector<16xi32>,
      tpu.vector_store %arg13[%swap3A], %add3A_617 {strides = array<i32>} : memref<6400xi32, #tpu.memory_space<vmem>>, vector<16xi32>,
    }
    %scan3A_41 = arith.constant 400 : i32
    %dma_start3A_42 = arith.constant 0 : i32
    %dma_start3A_43 = tpu.memref_slice %arg5[%dma_start3A_42] : memref<67108864xf32, #tpu.memory_space<hbm>> -> memref<67108864xf32, #tpu.memory_space<hbm>>
    tpu.enqueue_indirect_dma source(%dma_start3A_43 : memref<67108864xf32, #tpu.memory_space<hbm>>) target(%arg14 : memref<6400xf32, #tpu.memory_space<vmem>>) offsets(%arg13 : memref<6400xi32, #tpu.memory_space<vmem>>) semaphore(%arg19 : memref<!tpu.dma_semaphore, #tpu.memory_space<semaphore_mem>>)
    %dma_wait3A_44 = arith.constant 0 : i32
    %dma_wait3A_45 = tpu.memref_slice %arg5[%dma_wait3A_44] : memref<67108864xf32, #tpu.memory_space<hbm>> -> memref<67108864xf32, #tpu.memory_space<hbm>>
    tpu.wait_indirect_dma semaphore(%arg18 : memref<!tpu.dma_semaphore, #tpu.memory_space<semaphore_mem>>) src(%dma_wait3A_45 : memref<67108864xf32, #tpu.memory_space<hbm>>) dst(%arg10 : memref<6400xf32, #tpu.memory_space<vmem>>)
    %scan3A_46 = arith.constant 0 : i32
    %scan3A_47 = arith.constant 0 : i32
    %scan3A_48 = arith.constant 400 : i32
    %scan3A_49 = arith.addi %scan3A_47, %scan3A_48 : i32
    %scan3A_50 = arith.constant 1 : i32
    scf.for %scan3A_608 = %scan3A_47 to %scan3A_49 step %scan3A_50  : i32 {
      %mul3A_609 = arith.constant 16 : i32
      %mul3A_610 = arith.muli %scan3A_608, %mul3A_609 : i32
      %get3A = arith.index_cast %mul3A_610 : i32 to index
      %get3A_611 = tpu.vector_load %arg10[%get3A] {strides = array<i32>} : memref<6400xf32, #tpu.memory_space<vmem>>, vector<16xf32>,
      %get3A_612 = arith.index_cast %mul3A_610 : i32 to index
      %get3A_613 = tpu.vector_load %arg7[%get3A_612] {strides = array<i32>} : memref<6400xi32, #tpu.memory_space<vmem>>, vector<16xi32>,
      %gather3A = tpu.vector_load_idx %arg15[%get3A_613] : memref<8192xf32, #tpu.memory_space<vmem>>[vector<16xi32>], vector<16xf32>,
      %add3A_614 = arith.addf %get3A_611, %gather3A : vector<16xf32>
      %swap3A = arith.index_cast %mul3A_610 : i32 to index
      %swap3A_615 = tpu.vector_load %arg10[%swap3A] {strides = array<i32>} : memref<6400xf32, #tpu.memory_space<vmem>>, vector<16xf32>,
      tpu.vector_store %arg10[%swap3A], %add3A_614 {strides = array<i32>} : memref<6400xf32, #tpu.memory_space<vmem>>, vector<16xf32>,
    }
    %scan3A_51 = arith.constant 400 : i32
    %add3A_52 = arith.constant 0 : i32
    %add3A_53 = arith.addi %mul3A_2, %add3A_52 : i32
    %dma_start3A_54 = tpu.memref_slice %arg6[%add3A_53] : memref<3276800xf32, #tpu.memory_space<hbm>> -> memref<6400xf32, #tpu.memory_space<hbm>>
    %dma_start3A_55 = tpu.memref_slice %arg6[%add3A_53] : memref<3276800xf32, #tpu.memory_space<hbm>> -> memref<6400xf32, #tpu.memory_space<hbm>>
    tpu.enqueue_dma source(%arg10 : memref<6400xf32, #tpu.memory_space<vmem>>) target(%dma_start3A_55 : memref<6400xf32, #tpu.memory_space<hbm>>) target_semaphore(%arg20 : memref<!tpu.dma_semaphore, #tpu.memory_space<semaphore_mem>>)
    %add3A_56 = arith.constant 12800 : i32
    %add3A_57 = arith.addi %mul3A_2, %add3A_56 : i32
    %dma_start3A_58 = tpu.memref_slice %arg2[%add3A_57] : memref<3276800xi32, #tpu.memory_space<hbm>> -> memref<6400xi32, #tpu.memory_space<hbm>>
    %dma_start3A_59 = tpu.memref_slice %arg2[%add3A_57] : memref<3276800xi32, #tpu.memory_space<hbm>> -> memref<6400xi32, #tpu.memory_space<hbm>>
    tpu.enqueue_dma source(%dma_start3A_59 : memref<6400xi32, #tpu.memory_space<hbm>>) target(%arg7 : memref<6400xi32, #tpu.memory_space<vmem>>) target_semaphore(%arg16 : memref<!tpu.dma_semaphore, #tpu.memory_space<semaphore_mem>>)
    %dma_start3A_60 = tpu.memref_slice %arg3[%add3A_57] : memref<3276800xi32, #tpu.memory_space<hbm>> -> memref<6400xi32, #tpu.memory_space<hbm>>
    %dma_start3A_61 = tpu.memref_slice %arg3[%add3A_57] : memref<3276800xi32, #tpu.memory_space<hbm>> -> memref<6400xi32, #tpu.memory_space<hbm>>
    tpu.enqueue_dma source(%dma_start3A_61 : memref<6400xi32, #tpu.memory_space<hbm>>) target(%arg8 : memref<6400xi32, #tpu.memory_space<vmem>>) target_semaphore(%arg16 : memref<!tpu.dma_semaphore, #tpu.memory_space<semaphore_mem>>)
    %dma_wait3A_62 = arith.constant 0 : i32
    %dma_wait3A_63 = tpu.memref_slice %arg2[%dma_wait3A_62] : memref<3276800xi32, #tpu.memory_space<hbm>> -> memref<6400xi32, #tpu.memory_space<hbm>>
    %dma_wait3A_64 = arith.constant 0 : i32
    %dma_wait3A_65 = tpu.memref_slice %arg2[%dma_wait3A_64] : memref<3276800xi32, #tpu.memory_space<hbm>> -> memref<6400xi32, #tpu.memory_space<hbm>>
    tpu.wait_dma2 semaphore(%arg16 : memref<!tpu.dma_semaphore, #tpu.memory_space<semaphore_mem>>) src(%dma_wait3A_65 : memref<6400xi32, #tpu.memory_space<hbm>>) dst(%arg7 : memref<6400xi32, #tpu.memory_space<vmem>>)
    %dma_wait3A_66 = arith.constant 0 : i32
    %dma_wait3A_67 = tpu.memref_slice %arg3[%dma_wait3A_66] : memref<3276800xi32, #tpu.memory_space<hbm>> -> memref<6400xi32, #tpu.memory_space<hbm>>
    %dma_wait3A_68 = arith.constant 0 : i32
    %dma_wait3A_69 = tpu.memref_slice %arg3[%dma_wait3A_68] : memref<3276800xi32, #tpu.memory_space<hbm>> -> memref<6400xi32, #tpu.memory_space<hbm>>
    tpu.wait_dma2 semaphore(%arg16 : memref<!tpu.dma_semaphore, #tpu.memory_space<semaphore_mem>>) src(%dma_wait3A_69 : memref<6400xi32, #tpu.memory_space<hbm>>) dst(%arg8 : memref<6400xi32, #tpu.memory_space<vmem>>)
    %scan3A_70 = arith.constant 0 : i32
    %scan3A_71 = arith.constant 0 : i32
    %scan3A_72 = arith.constant 400 : i32
    %scan3A_73 = arith.addi %scan3A_71, %scan3A_72 : i32
    %scan3A_74 = arith.constant 1 : i32
    scf.for %scan3A_608 = %scan3A_71 to %scan3A_73 step %scan3A_74  : i32 {
      %mul3A_609 = arith.constant 16 : i32
      %mul3A_610 = arith.muli %scan3A_608, %mul3A_609 : i32
      %get3A = arith.index_cast %mul3A_610 : i32 to index
      %get3A_611 = tpu.vector_load %arg7[%get3A] {strides = array<i32>} : memref<6400xi32, #tpu.memory_space<vmem>>, vector<16xi32>,
      %mul3A_612 = arith.constant 8192 : i32
      %mul3A_613 = vector.broadcast %mul3A_612 : i32 to vector<16xi32>
      %mul3A_614 = arith.muli %get3A_611, %mul3A_613 : vector<16xi32>
      %get3A_615 = arith.index_cast %mul3A_610 : i32 to index
      %get3A_616 = tpu.vector_load %arg8[%get3A_615] {strides = array<i32>} : memref<6400xi32, #tpu.memory_space<vmem>>, vector<16xi32>,
      %add3A_617 = arith.addi %mul3A_614, %get3A_616 : vector<16xi32>
      %swap3A = arith.index_cast %mul3A_610 : i32 to index
      %swap3A_618 = tpu.vector_load %arg9[%swap3A] {strides = array<i32>} : memref<6400xi32, #tpu.memory_space<vmem>>, vector<16xi32>,
      tpu.vector_store %arg9[%swap3A], %add3A_617 {strides = array<i32>} : memref<6400xi32, #tpu.memory_space<vmem>>, vector<16xi32>,
    }
    %scan3A_75 = arith.constant 400 : i32
    %dma_wait3A_76 = arith.constant 0 : i32
    %dma_wait3A_77 = tpu.memref_slice %arg6[%dma_wait3A_76] : memref<3276800xf32, #tpu.memory_space<hbm>> -> memref<6400xf32, #tpu.memory_space<hbm>>
    %dma_wait3A_78 = arith.constant 0 : i32
    %dma_wait3A_79 = tpu.memref_slice %arg6[%dma_wait3A_78] : memref<3276800xf32, #tpu.memory_space<hbm>> -> memref<6400xf32, #tpu.memory_space<hbm>>
    tpu.wait_dma2 semaphore(%arg20 : memref<!tpu.dma_semaphore, #tpu.memory_space<semaphore_mem>>) src(%arg10 : memref<6400xf32, #tpu.memory_space<vmem>>) dst(%dma_wait3A_79 : memref<6400xf32, #tpu.memory_space<hbm>>)
    %dma_start3A_80 = arith.constant 0 : i32
    %dma_start3A_81 = tpu.memref_slice %arg5[%dma_start3A_80] : memref<67108864xf32, #tpu.memory_space<hbm>> -> memref<67108864xf32, #tpu.memory_space<hbm>>
    tpu.enqueue_indirect_dma source(%dma_start3A_81 : memref<67108864xf32, #tpu.memory_space<hbm>>) target(%arg10 : memref<6400xf32, #tpu.memory_space<vmem>>) offsets(%arg9 : memref<6400xi32, #tpu.memory_space<vmem>>) semaphore(%arg18 : memref<!tpu.dma_semaphore, #tpu.memory_space<semaphore_mem>>)
    %dma_wait3A_82 = arith.constant 0 : i32
    %dma_wait3A_83 = tpu.memref_slice %arg5[%dma_wait3A_82] : memref<67108864xf32, #tpu.memory_space<hbm>> -> memref<67108864xf32, #tpu.memory_space<hbm>>
    tpu.wait_indirect_dma semaphore(%arg19 : memref<!tpu.dma_semaphore, #tpu.memory_space<semaphore_mem>>) src(%dma_wait3A_83 : memref<67108864xf32, #tpu.memory_space<hbm>>) dst(%arg14 : memref<6400xf32, #tpu.memory_space<vmem>>)
    %scan3A_84 = arith.constant 0 : i32
    %scan3A_85 = arith.constant 0 : i32
    %scan3A_86 = arith.constant 400 : i32
    %scan3A_87 = arith.addi %scan3A_85, %scan3A_86 : i32
    %scan3A_88 = arith.constant 1 : i32
    scf.for %scan3A_608 = %scan3A_85 to %scan3A_87 step %scan3A_88  : i32 {
      %mul3A_609 = arith.constant 16 : i32
      %mul3A_610 = arith.muli %scan3A_608, %mul3A_609 : i32
      %get3A = arith.index_cast %mul3A_610 : i32 to index
      %get3A_611 = tpu.vector_load %arg14[%get3A] {strides = array<i32>} : memref<6400xf32, #tpu.memory_space<vmem>>, vector<16xf32>,
      %get3A_612 = arith.index_cast %mul3A_610 : i32 to index
      %get3A_613 = tpu.vector_load %arg11[%get3A_612] {strides = array<i32>} : memref<6400xi32, #tpu.memory_space<vmem>>, vector<16xi32>,
      %gather3A = tpu.vector_load_idx %arg15[%get3A_613] : memref<8192xf32, #tpu.memory_space<vmem>>[vector<16xi32>], vector<16xf32>,
      %add3A_614 = arith.addf %get3A_611, %gather3A : vector<16xf32>
      %swap3A = arith.index_cast %mul3A_610 : i32 to index
      %swap3A_615 = tpu.vector_load %arg14[%swap3A] {strides = array<i32>} : memref<6400xf32, #tpu.memory_space<vmem>>, vector<16xf32>,
      tpu.vector_store %arg14[%swap3A], %add3A_614 {strides = array<i32>} : memref<6400xf32, #tpu.memory_space<vmem>>, vector<16xf32>,
    }
    %scan3A_89 = arith.constant 400 : i32
    %add3A_90 = arith.constant 6400 : i32
    %add3A_91 = arith.addi %mul3A_2, %add3A_90 : i32
    %dma_start3A_92 = tpu.memref_slice %arg6[%add3A_91] : memref<3276800xf32, #tpu.memory_space<hbm>> -> memref<6400xf32, #tpu.memory_space<hbm>>
    %dma_start3A_93 = tpu.memref_slice %arg6[%add3A_91] : memref<3276800xf32, #tpu.memory_space<hbm>> -> memref<6400xf32, #tpu.memory_space<hbm>>
    tpu.enqueue_dma source(%arg14 : memref<6400xf32, #tpu.memory_space<vmem>>) target(%dma_start3A_93 : memref<6400xf32, #tpu.memory_space<hbm>>) target_semaphore(%arg21 : memref<!tpu.dma_semaphore, #tpu.memory_space<semaphore_mem>>)
    %add3A_94 = arith.constant 19200 : i32
    %add3A_95 = arith.addi %mul3A_2, %add3A_94 : i32
    %dma_start3A_96 = tpu.memref_slice %arg2[%add3A_95] : memref<3276800xi32, #tpu.memory_space<hbm>> -> memref<6400xi32, #tpu.memory_space<hbm>>
    %dma_start3A_97 = tpu.memref_slice %arg2[%add3A_95] : memref<3276800xi32, #tpu.memory_space<hbm>> -> memref<6400xi32, #tpu.memory_space<hbm>>
    tpu.enqueue_dma source(%dma_start3A_97 : memref<6400xi32, #tpu.memory_space<hbm>>) target(%arg11 : memref<6400xi32, #tpu.memory_space<vmem>>) target_semaphore(%arg17 : memref<!tpu.dma_semaphore, #tpu.memory_space<semaphore_mem>>)
    %dma_start3A_98 = tpu.memref_slice %arg3[%add3A_95] : memref<3276800xi32, #tpu.memory_space<hbm>> -> memref<6400xi32, #tpu.memory_space<hbm>>
    %dma_start3A_99 = tpu.memref_slice %arg3[%add3A_95] : memref<3276800xi32, #tpu.memory_space<hbm>> -> memref<6400xi32, #tpu.memory_space<hbm>>
    tpu.enqueue_dma source(%dma_start3A_99 : memref<6400xi32, #tpu.memory_space<hbm>>) target(%arg12 : memref<6400xi32, #tpu.memory_space<vmem>>) target_semaphore(%arg17 : memref<!tpu.dma_semaphore, #tpu.memory_space<semaphore_mem>>)
    %dma_wait3A_100 = arith.constant 0 : i32
    %dma_wait3A_101 = tpu.memref_slice %arg2[%dma_wait3A_100] : memref<3276800xi32, #tpu.memory_space<hbm>> -> memref<6400xi32, #tpu.memory_space<hbm>>
    %dma_wait3A_102 = arith.constant 0 : i32
    %dma_wait3A_103 = tpu.memref_slice %arg2[%dma_wait3A_102] : memref<3276800xi32, #tpu.memory_space<hbm>> -> memref<6400xi32, #tpu.memory_space<hbm>>
    tpu.wait_dma2 semaphore(%arg17 : memref<!tpu.dma_semaphore, #tpu.memory_space<semaphore_mem>>) src(%dma_wait3A_103 : memref<6400xi32, #tpu.memory_space<hbm>>) dst(%arg11 : memref<6400xi32, #tpu.memory_space<vmem>>)
    %dma_wait3A_104 = arith.constant 0 : i32
    %dma_wait3A_105 = tpu.memref_slice %arg3[%dma_wait3A_104] : memref<3276800xi32, #tpu.memory_space<hbm>> -> memref<6400xi32, #tpu.memory_space<hbm>>
    %dma_wait3A_106 = arith.constant 0 : i32
    %dma_wait3A_107 = tpu.memref_slice %arg3[%dma_wait3A_106] : memref<3276800xi32, #tpu.memory_space<hbm>> -> memref<6400xi32, #tpu.memory_space<hbm>>
    tpu.wait_dma2 semaphore(%arg17 : memref<!tpu.dma_semaphore, #tpu.memory_space<semaphore_mem>>) src(%dma_wait3A_107 : memref<6400xi32, #tpu.memory_space<hbm>>) dst(%arg12 : memref<6400xi32, #tpu.memory_space<vmem>>)
    %scan3A_108 = arith.constant 0 : i32
    %scan3A_109 = arith.constant 0 : i32
    %scan3A_110 = arith.constant 400 : i32
    %scan3A_111 = arith.addi %scan3A_109, %scan3A_110 : i32
    %scan3A_112 = arith.constant 1 : i32
    scf.for %scan3A_608 = %scan3A_109 to %scan3A_111 step %scan3A_112  : i32 {
      %mul3A_609 = arith.constant 16 : i32
      %mul3A_610 = arith.muli %scan3A_608, %mul3A_609 : i32
      %get3A = arith.index_cast %mul3A_610 : i32 to index
      %get3A_611 = tpu.vector_load %arg11[%get3A] {strides = array<i32>} : memref<6400xi32, #tpu.memory_space<vmem>>, vector<16xi32>,
      %mul3A_612 = arith.constant 8192 : i32
      %mul3A_613 = vector.broadcast %mul3A_612 : i32 to vector<16xi32>
      %mul3A_614 = arith.muli %get3A_611, %mul3A_613 : vector<16xi32>
      %get3A_615 = arith.index_cast %mul3A_610 : i32 to index
      %get3A_616 = tpu.vector_load %arg12[%get3A_615] {strides = array<i32>} : memref<6400xi32, #tpu.memory_space<vmem>>, vector<16xi32>,
      %add3A_617 = arith.addi %mul3A_614, %get3A_616 : vector<16xi32>
      %swap3A = arith.index_cast %mul3A_610 : i32 to index
      %swap3A_618 = tpu.vector_load %arg13[%swap3A] {strides = array<i32>} : memref<6400xi32, #tpu.memory_space<vmem>>, vector<16xi32>,
      tpu.vector_store %arg13[%swap3A], %add3A_617 {strides = array<i32>} : memref<6400xi32, #tpu.memory_space<vmem>>, vector<16xi32>,
    }
    %scan3A_113 = arith.constant 400 : i32
    %dma_wait3A_114 = arith.constant 0 : i32
    %dma_wait3A_115 = tpu.memref_slice %arg6[%dma_wait3A_114] : memref<3276800xf32, #tpu.memory_space<hbm>> -> memref<6400xf32, #tpu.memory_space<hbm>>
    %dma_wait3A_116 = arith.constant 0 : i32
    %dma_wait3A_117 = tpu.memref_slice %arg6[%dma_wait3A_116] : memref<3276800xf32, #tpu.memory_space<hbm>> -> memref<6400xf32, #tpu.memory_space<hbm>>
    tpu.wait_dma2 semaphore(%arg21 : memref<!tpu.dma_semaphore, #tpu.memory_space<semaphore_mem>>) src(%arg14 : memref<6400xf32, #tpu.memory_space<vmem>>) dst(%dma_wait3A_117 : memref<6400xf32, #tpu.memory_space<hbm>>)
    %dma_start3A_118 = arith.constant 0 : i32
    %dma_start3A_119 = tpu.memref_slice %arg5[%dma_start3A_118] : memref<67108864xf32, #tpu.memory_space<hbm>> -> memref<67108864xf32, #tpu.memory_space<hbm>>
    tpu.enqueue_indirect_dma source(%dma_start3A_119 : memref<67108864xf32, #tpu.memory_space<hbm>>) target(%arg14 : memref<6400xf32, #tpu.memory_space<vmem>>) offsets(%arg13 : memref<6400xi32, #tpu.memory_space<vmem>>) semaphore(%arg19 : memref<!tpu.dma_semaphore, #tpu.memory_space<semaphore_mem>>)
    %dma_wait3A_120 = arith.constant 0 : i32
    %dma_wait3A_121 = tpu.memref_slice %arg5[%dma_wait3A_120] : memref<67108864xf32, #tpu.memory_space<hbm>> -> memref<67108864xf32, #tpu.memory_space<hbm>>
    tpu.wait_indirect_dma semaphore(%arg18 : memref<!tpu.dma_semaphore, #tpu.memory_space<semaphore_mem>>) src(%dma_wait3A_121 : memref<67108864xf32, #tpu.memory_space<hbm>>) dst(%arg10 : memref<6400xf32, #tpu.memory_space<vmem>>)
    %scan3A_122 = arith.constant 0 : i32
    %scan3A_123 = arith.constant 0 : i32
    %scan3A_124 = arith.constant 400 : i32
    %scan3A_125 = arith.addi %scan3A_123, %scan3A_124 : i32
    %scan3A_126 = arith.constant 1 : i32
    scf.for %scan3A_608 = %scan3A_123 to %scan3A_125 step %scan3A_126  : i32 {
      %mul3A_609 = arith.constant 16 : i32
      %mul3A_610 = arith.muli %scan3A_608, %mul3A_609 : i32
      %get3A = arith.index_cast %mul3A_610 : i32 to index
      %get3A_611 = tpu.vector_load %arg10[%get3A] {strides = array<i32>} : memref<6400xf32, #tpu.memory_space<vmem>>, vector<16xf32>,
      %get3A_612 = arith.index_cast %mul3A_610 : i32 to index
      %get3A_613 = tpu.vector_load %arg7[%get3A_612] {strides = array<i32>} : memref<6400xi32, #tpu.memory_space<vmem>>, vector<16xi32>,
      %gather3A = tpu.vector_load_idx %arg15[%get3A_613] : memref<8192xf32, #tpu.memory_space<vmem>>[vector<16xi32>], vector<16xf32>,
      %add3A_614 = arith.addf %get3A_611, %gather3A : vector<16xf32>
      %swap3A = arith.index_cast %mul3A_610 : i32 to index
      %swap3A_615 = tpu.vector_load %arg10[%swap3A] {strides = array<i32>} : memref<6400xf32, #tpu.memory_space<vmem>>, vector<16xf32>,
      tpu.vector_store %arg10[%swap3A], %add3A_614 {strides = array<i32>} : memref<6400xf32, #tpu.memory_space<vmem>>, vector<16xf32>,
    }
    %scan3A_127 = arith.constant 400 : i32
    %add3A_128 = arith.constant 12800 : i32
    %add3A_129 = arith.addi %mul3A_2, %add3A_128 : i32
    %dma_start3A_130 = tpu.memref_slice %arg6[%add3A_129] : memref<3276800xf32, #tpu.memory_space<hbm>> -> memref<6400xf32, #tpu.memory_space<hbm>>
    %dma_start3A_131 = tpu.memref_slice %arg6[%add3A_129] : memref<3276800xf32, #tpu.memory_space<hbm>> -> memref<6400xf32, #tpu.memory_space<hbm>>
    tpu.enqueue_dma source(%arg10 : memref<6400xf32, #tpu.memory_space<vmem>>) target(%dma_start3A_131 : memref<6400xf32, #tpu.memory_space<hbm>>) target_semaphore(%arg20 : memref<!tpu.dma_semaphore, #tpu.memory_space<semaphore_mem>>)
    %add3A_132 = arith.constant 25600 : i32
    %add3A_133 = arith.addi %mul3A_2, %add3A_132 : i32
    %dma_start3A_134 = tpu.memref_slice %arg2[%add3A_133] : memref<3276800xi32, #tpu.memory_space<hbm>> -> memref<6400xi32, #tpu.memory_space<hbm>>
    %dma_start3A_135 = tpu.memref_slice %arg2[%add3A_133] : memref<3276800xi32, #tpu.memory_space<hbm>> -> memref<6400xi32, #tpu.memory_space<hbm>>
    tpu.enqueue_dma source(%dma_start3A_135 : memref<6400xi32, #tpu.memory_space<hbm>>) target(%arg7 : memref<6400xi32, #tpu.memory_space<vmem>>) target_semaphore(%arg16 : memref<!tpu.dma_semaphore, #tpu.memory_space<semaphore_mem>>)
    %dma_start3A_136 = tpu.memref_slice %arg3[%add3A_133] : memref<3276800xi32, #tpu.memory_space<hbm>> -> memref<6400xi32, #tpu.memory_space<hbm>>
    %dma_start3A_137 = tpu.memref_slice %arg3[%add3A_133] : memref<3276800xi32, #tpu.memory_space<hbm>> -> memref<6400xi32, #tpu.memory_space<hbm>>
    tpu.enqueue_dma source(%dma_start3A_137 : memref<6400xi32, #tpu.memory_space<hbm>>) target(%arg8 : memref<6400xi32, #tpu.memory_space<vmem>>) target_semaphore(%arg16 : memref<!tpu.dma_semaphore, #tpu.memory_space<semaphore_mem>>)
    %dma_wait3A_138 = arith.constant 0 : i32
    %dma_wait3A_139 = tpu.memref_slice %arg2[%dma_wait3A_138] : memref<3276800xi32, #tpu.memory_space<hbm>> -> memref<6400xi32, #tpu.memory_space<hbm>>
    %dma_wait3A_140 = arith.constant 0 : i32
    %dma_wait3A_141 = tpu.memref_slice %arg2[%dma_wait3A_140] : memref<3276800xi32, #tpu.memory_space<hbm>> -> memref<6400xi32, #tpu.memory_space<hbm>>
    tpu.wait_dma2 semaphore(%arg16 : memref<!tpu.dma_semaphore, #tpu.memory_space<semaphore_mem>>) src(%dma_wait3A_141 : memref<6400xi32, #tpu.memory_space<hbm>>) dst(%arg7 : memref<6400xi32, #tpu.memory_space<vmem>>)
    %dma_wait3A_142 = arith.constant 0 : i32
    %dma_wait3A_143 = tpu.memref_slice %arg3[%dma_wait3A_142] : memref<3276800xi32, #tpu.memory_space<hbm>> -> memref<6400xi32, #tpu.memory_space<hbm>>
    %dma_wait3A_144 = arith.constant 0 : i32
    %dma_wait3A_145 = tpu.memref_slice %arg3[%dma_wait3A_144] : memref<3276800xi32, #tpu.memory_space<hbm>> -> memref<6400xi32, #tpu.memory_space<hbm>>
    tpu.wait_dma2 semaphore(%arg16 : memref<!tpu.dma_semaphore, #tpu.memory_space<semaphore_mem>>) src(%dma_wait3A_145 : memref<6400xi32, #tpu.memory_space<hbm>>) dst(%arg8 : memref<6400xi32, #tpu.memory_space<vmem>>)
    %scan3A_146 = arith.constant 0 : i32
    %scan3A_147 = arith.constant 0 : i32
    %scan3A_148 = arith.constant 400 : i32
    %scan3A_149 = arith.addi %scan3A_147, %scan3A_148 : i32
    %scan3A_150 = arith.constant 1 : i32
    scf.for %scan3A_608 = %scan3A_147 to %scan3A_149 step %scan3A_150  : i32 {
      %mul3A_609 = arith.constant 16 : i32
      %mul3A_610 = arith.muli %scan3A_608, %mul3A_609 : i32
      %get3A = arith.index_cast %mul3A_610 : i32 to index
      %get3A_611 = tpu.vector_load %arg7[%get3A] {strides = array<i32>} : memref<6400xi32, #tpu.memory_space<vmem>>, vector<16xi32>,
      %mul3A_612 = arith.constant 8192 : i32
      %mul3A_613 = vector.broadcast %mul3A_612 : i32 to vector<16xi32>
      %mul3A_614 = arith.muli %get3A_611, %mul3A_613 : vector<16xi32>
      %get3A_615 = arith.index_cast %mul3A_610 : i32 to index
      %get3A_616 = tpu.vector_load %arg8[%get3A_615] {strides = array<i32>} : memref<6400xi32, #tpu.memory_space<vmem>>, vector<16xi32>,
      %add3A_617 = arith.addi %mul3A_614, %get3A_616 : vector<16xi32>
      %swap3A = arith.index_cast %mul3A_610 : i32 to index
      %swap3A_618 = tpu.vector_load %arg9[%swap3A] {strides = array<i32>} : memref<6400xi32, #tpu.memory_space<vmem>>, vector<16xi32>,
      tpu.vector_store %arg9[%swap3A], %add3A_617 {strides = array<i32>} : memref<6400xi32, #tpu.memory_space<vmem>>, vector<16xi32>,
    }
    %scan3A_151 = arith.constant 400 : i32
    %dma_wait3A_152 = arith.constant 0 : i32
    %dma_wait3A_153 = tpu.memref_slice %arg6[%dma_wait3A_152] : memref<3276800xf32, #tpu.memory_space<hbm>> -> memref<6400xf32, #tpu.memory_space<hbm>>
    %dma_wait3A_154 = arith.constant 0 : i32
    %dma_wait3A_155 = tpu.memref_slice %arg6[%dma_wait3A_154] : memref<3276800xf32, #tpu.memory_space<hbm>> -> memref<6400xf32, #tpu.memory_space<hbm>>
    tpu.wait_dma2 semaphore(%arg20 : memref<!tpu.dma_semaphore, #tpu.memory_space<semaphore_mem>>) src(%arg10 : memref<6400xf32, #tpu.memory_space<vmem>>) dst(%dma_wait3A_155 : memref<6400xf32, #tpu.memory_space<hbm>>)
    %dma_start3A_156 = arith.constant 0 : i32
    %dma_start3A_157 = tpu.memref_slice %arg5[%dma_start3A_156] : memref<67108864xf32, #tpu.memory_space<hbm>> -> memref<67108864xf32, #tpu.memory_space<hbm>>
    tpu.enqueue_indirect_dma source(%dma_start3A_157 : memref<67108864xf32, #tpu.memory_space<hbm>>) target(%arg10 : memref<6400xf32, #tpu.memory_space<vmem>>) offsets(%arg9 : memref<6400xi32, #tpu.memory_space<vmem>>) semaphore(%arg18 : memref<!tpu.dma_semaphore, #tpu.memory_space<semaphore_mem>>)
    %dma_wait3A_158 = arith.constant 0 : i32
    %dma_wait3A_159 = tpu.memref_slice %arg5[%dma_wait3A_158] : memref<67108864xf32, #tpu.memory_space<hbm>> -> memref<67108864xf32, #tpu.memory_space<hbm>>
    tpu.wait_indirect_dma semaphore(%arg19 : memref<!tpu.dma_semaphore, #tpu.memory_space<semaphore_mem>>) src(%dma_wait3A_159 : memref<67108864xf32, #tpu.memory_space<hbm>>) dst(%arg14 : memref<6400xf32, #tpu.memory_space<vmem>>)
    %scan3A_160 = arith.constant 0 : i32
    %scan3A_161 = arith.constant 0 : i32
    %scan3A_162 = arith.constant 400 : i32
    %scan3A_163 = arith.addi %scan3A_161, %scan3A_162 : i32
    %scan3A_164 = arith.constant 1 : i32
    scf.for %scan3A_608 = %scan3A_161 to %scan3A_163 step %scan3A_164  : i32 {
      %mul3A_609 = arith.constant 16 : i32
      %mul3A_610 = arith.muli %scan3A_608, %mul3A_609 : i32
      %get3A = arith.index_cast %mul3A_610 : i32 to index
      %get3A_611 = tpu.vector_load %arg14[%get3A] {strides = array<i32>} : memref<6400xf32, #tpu.memory_space<vmem>>, vector<16xf32>,
      %get3A_612 = arith.index_cast %mul3A_610 : i32 to index
      %get3A_613 = tpu.vector_load %arg11[%get3A_612] {strides = array<i32>} : memref<6400xi32, #tpu.memory_space<vmem>>, vector<16xi32>,
      %gather3A = tpu.vector_load_idx %arg15[%get3A_613] : memref<8192xf32, #tpu.memory_space<vmem>>[vector<16xi32>], vector<16xf32>,
      %add3A_614 = arith.addf %get3A_611, %gather3A : vector<16xf32>
      %swap3A = arith.index_cast %mul3A_610 : i32 to index
      %swap3A_615 = tpu.vector_load %arg14[%swap3A] {strides = array<i32>} : memref<6400xf32, #tpu.memory_space<vmem>>, vector<16xf32>,
      tpu.vector_store %arg14[%swap3A], %add3A_614 {strides = array<i32>} : memref<6400xf32, #tpu.memory_space<vmem>>, vector<16xf32>,
    }
    %scan3A_165 = arith.constant 400 : i32
    %add3A_166 = arith.constant 19200 : i32
    %add3A_167 = arith.addi %mul3A_2, %add3A_166 : i32
    %dma_start3A_168 = tpu.memref_slice %arg6[%add3A_167] : memref<3276800xf32, #tpu.memory_space<hbm>> -> memref<6400xf32, #tpu.memory_space<hbm>>
    %dma_start3A_169 = tpu.memref_slice %arg6[%add3A_167] : memref<3276800xf32, #tpu.memory_space<hbm>> -> memref<6400xf32, #tpu.memory_space<hbm>>
    tpu.enqueue_dma source(%arg14 : memref<6400xf32, #tpu.memory_space<vmem>>) target(%dma_start3A_169 : memref<6400xf32, #tpu.memory_space<hbm>>) target_semaphore(%arg21 : memref<!tpu.dma_semaphore, #tpu.memory_space<semaphore_mem>>)
    %add3A_170 = arith.constant 32000 : i32
    %add3A_171 = arith.addi %mul3A_2, %add3A_170 : i32
    %dma_start3A_172 = tpu.memref_slice %arg2[%add3A_171] : memref<3276800xi32, #tpu.memory_space<hbm>> -> memref<6400xi32, #tpu.memory_space<hbm>>
    %dma_start3A_173 = tpu.memref_slice %arg2[%add3A_171] : memref<3276800xi32, #tpu.memory_space<hbm>> -> memref<6400xi32, #tpu.memory_space<hbm>>
    tpu.enqueue_dma source(%dma_start3A_173 : memref<6400xi32, #tpu.memory_space<hbm>>) target(%arg11 : memref<6400xi32, #tpu.memory_space<vmem>>) target_semaphore(%arg17 : memref<!tpu.dma_semaphore, #tpu.memory_space<semaphore_mem>>)
    %dma_start3A_174 = tpu.memref_slice %arg3[%add3A_171] : memref<3276800xi32, #tpu.memory_space<hbm>> -> memref<6400xi32, #tpu.memory_space<hbm>>
    %dma_start3A_175 = tpu.memref_slice %arg3[%add3A_171] : memref<3276800xi32, #tpu.memory_space<hbm>> -> memref<6400xi32, #tpu.memory_space<hbm>>
    tpu.enqueue_dma source(%dma_start3A_175 : memref<6400xi32, #tpu.memory_space<hbm>>) target(%arg12 : memref<6400xi32, #tpu.memory_space<vmem>>) target_semaphore(%arg17 : memref<!tpu.dma_semaphore, #tpu.memory_space<semaphore_mem>>)
    %dma_wait3A_176 = arith.constant 0 : i32
    %dma_wait3A_177 = tpu.memref_slice %arg2[%dma_wait3A_176] : memref<3276800xi32, #tpu.memory_space<hbm>> -> memref<6400xi32, #tpu.memory_space<hbm>>
    %dma_wait3A_178 = arith.constant 0 : i32
    %dma_wait3A_179 = tpu.memref_slice %arg2[%dma_wait3A_178] : memref<3276800xi32, #tpu.memory_space<hbm>> -> memref<6400xi32, #tpu.memory_space<hbm>>
    tpu.wait_dma2 semaphore(%arg17 : memref<!tpu.dma_semaphore, #tpu.memory_space<semaphore_mem>>) src(%dma_wait3A_179 : memref<6400xi32, #tpu.memory_space<hbm>>) dst(%arg11 : memref<6400xi32, #tpu.memory_space<vmem>>)
    %dma_wait3A_180 = arith.constant 0 : i32
    %dma_wait3A_181 = tpu.memref_slice %arg3[%dma_wait3A_180] : memref<3276800xi32, #tpu.memory_space<hbm>> -> memref<6400xi32, #tpu.memory_space<hbm>>
    %dma_wait3A_182 = arith.constant 0 : i32
    %dma_wait3A_183 = tpu.memref_slice %arg3[%dma_wait3A_182] : memref<3276800xi32, #tpu.memory_space<hbm>> -> memref<6400xi32, #tpu.memory_space<hbm>>
    tpu.wait_dma2 semaphore(%arg17 : memref<!tpu.dma_semaphore, #tpu.memory_space<semaphore_mem>>) src(%dma_wait3A_183 : memref<6400xi32, #tpu.memory_space<hbm>>) dst(%arg12 : memref<6400xi32, #tpu.memory_space<vmem>>)
    %scan3A_184 = arith.constant 0 : i32
    %scan3A_185 = arith.constant 0 : i32
    %scan3A_186 = arith.constant 400 : i32
    %scan3A_187 = arith.addi %scan3A_185, %scan3A_186 : i32
    %scan3A_188 = arith.constant 1 : i32
    scf.for %scan3A_608 = %scan3A_185 to %scan3A_187 step %scan3A_188  : i32 {
      %mul3A_609 = arith.constant 16 : i32
      %mul3A_610 = arith.muli %scan3A_608, %mul3A_609 : i32
      %get3A = arith.index_cast %mul3A_610 : i32 to index
      %get3A_611 = tpu.vector_load %arg11[%get3A] {strides = array<i32>} : memref<6400xi32, #tpu.memory_space<vmem>>, vector<16xi32>,
      %mul3A_612 = arith.constant 8192 : i32
      %mul3A_613 = vector.broadcast %mul3A_612 : i32 to vector<16xi32>
      %mul3A_614 = arith.muli %get3A_611, %mul3A_613 : vector<16xi32>
      %get3A_615 = arith.index_cast %mul3A_610 : i32 to index
      %get3A_616 = tpu.vector_load %arg12[%get3A_615] {strides = array<i32>} : memref<6400xi32, #tpu.memory_space<vmem>>, vector<16xi32>,
      %add3A_617 = arith.addi %mul3A_614, %get3A_616 : vector<16xi32>
      %swap3A = arith.index_cast %mul3A_610 : i32 to index
      %swap3A_618 = tpu.vector_load %arg13[%swap3A] {strides = array<i32>} : memref<6400xi32, #tpu.memory_space<vmem>>, vector<16xi32>,
      tpu.vector_store %arg13[%swap3A], %add3A_617 {strides = array<i32>} : memref<6400xi32, #tpu.memory_space<vmem>>, vector<16xi32>,
    }
    %scan3A_189 = arith.constant 400 : i32
    %dma_wait3A_190 = arith.constant 0 : i32
    %dma_wait3A_191 = tpu.memref_slice %arg6[%dma_wait3A_190] : memref<3276800xf32, #tpu.memory_space<hbm>> -> memref<6400xf32, #tpu.memory_space<hbm>>
    %dma_wait3A_192 = arith.constant 0 : i32
    %dma_wait3A_193 = tpu.memref_slice %arg6[%dma_wait3A_192] : memref<3276800xf32, #tpu.memory_space<hbm>> -> memref<6400xf32, #tpu.memory_space<hbm>>
    tpu.wait_dma2 semaphore(%arg21 : memref<!tpu.dma_semaphore, #tpu.memory_space<semaphore_mem>>) src(%arg14 : memref<6400xf32, #tpu.memory_space<vmem>>) dst(%dma_wait3A_193 : memref<6400xf32, #tpu.memory_space<hbm>>)
    %dma_start3A_194 = arith.constant 0 : i32
    %dma_start3A_195 = tpu.memref_slice %arg5[%dma_start3A_194] : memref<67108864xf32, #tpu.memory_space<hbm>> -> memref<67108864xf32, #tpu.memory_space<hbm>>
    tpu.enqueue_indirect_dma source(%dma_start3A_195 : memref<67108864xf32, #tpu.memory_space<hbm>>) target(%arg14 : memref<6400xf32, #tpu.memory_space<vmem>>) offsets(%arg13 : memref<6400xi32, #tpu.memory_space<vmem>>) semaphore(%arg19 : memref<!tpu.dma_semaphore, #tpu.memory_space<semaphore_mem>>)
    %dma_wait3A_196 = arith.constant 0 : i32
    %dma_wait3A_197 = tpu.memref_slice %arg5[%dma_wait3A_196] : memref<67108864xf32, #tpu.memory_space<hbm>> -> memref<67108864xf32, #tpu.memory_space<hbm>>
    tpu.wait_indirect_dma semaphore(%arg18 : memref<!tpu.dma_semaphore, #tpu.memory_space<semaphore_mem>>) src(%dma_wait3A_197 : memref<67108864xf32, #tpu.memory_space<hbm>>) dst(%arg10 : memref<6400xf32, #tpu.memory_space<vmem>>)
    %scan3A_198 = arith.constant 0 : i32
    %scan3A_199 = arith.constant 0 : i32
    %scan3A_200 = arith.constant 400 : i32
    %scan3A_201 = arith.addi %scan3A_199, %scan3A_200 : i32
    %scan3A_202 = arith.constant 1 : i32
    scf.for %scan3A_608 = %scan3A_199 to %scan3A_201 step %scan3A_202  : i32 {
      %mul3A_609 = arith.constant 16 : i32
      %mul3A_610 = arith.muli %scan3A_608, %mul3A_609 : i32
      %get3A = arith.index_cast %mul3A_610 : i32 to index
      %get3A_611 = tpu.vector_load %arg10[%get3A] {strides = array<i32>} : memref<6400xf32, #tpu.memory_space<vmem>>, vector<16xf32>,
      %get3A_612 = arith.index_cast %mul3A_610 : i32 to index
      %get3A_613 = tpu.vector_load %arg7[%get3A_612] {strides = array<i32>} : memref<6400xi32, #tpu.memory_space<vmem>>, vector<16xi32>,
      %gather3A = tpu.vector_load_idx %arg15[%get3A_613] : memref<8192xf32, #tpu.memory_space<vmem>>[vector<16xi32>], vector<16xf32>,
      %add3A_614 = arith.addf %get3A_611, %gather3A : vector<16xf32>
      %swap3A = arith.index_cast %mul3A_610 : i32 to index
      %swap3A_615 = tpu.vector_load %arg10[%swap3A] {strides = array<i32>} : memref<6400xf32, #tpu.memory_space<vmem>>, vector<16xf32>,
      tpu.vector_store %arg10[%swap3A], %add3A_614 {strides = array<i32>} : memref<6400xf32, #tpu.memory_space<vmem>>, vector<16xf32>,
    }
    %scan3A_203 = arith.constant 400 : i32
    %add3A_204 = arith.constant 25600 : i32
    %add3A_205 = arith.addi %mul3A_2, %add3A_204 : i32
    %dma_start3A_206 = tpu.memref_slice %arg6[%add3A_205] : memref<3276800xf32, #tpu.memory_space<hbm>> -> memref<6400xf32, #tpu.memory_space<hbm>>
    %dma_start3A_207 = tpu.memref_slice %arg6[%add3A_205] : memref<3276800xf32, #tpu.memory_space<hbm>> -> memref<6400xf32, #tpu.memory_space<hbm>>
    tpu.enqueue_dma source(%arg10 : memref<6400xf32, #tpu.memory_space<vmem>>) target(%dma_start3A_207 : memref<6400xf32, #tpu.memory_space<hbm>>) target_semaphore(%arg20 : memref<!tpu.dma_semaphore, #tpu.memory_space<semaphore_mem>>)
    %add3A_208 = arith.constant 38400 : i32
    %add3A_209 = arith.addi %mul3A_2, %add3A_208 : i32
    %dma_start3A_210 = tpu.memref_slice %arg2[%add3A_209] : memref<3276800xi32, #tpu.memory_space<hbm>> -> memref<6400xi32, #tpu.memory_space<hbm>>
    %dma_start3A_211 = tpu.memref_slice %arg2[%add3A_209] : memref<3276800xi32, #tpu.memory_space<hbm>> -> memref<6400xi32, #tpu.memory_space<hbm>>
    tpu.enqueue_dma source(%dma_start3A_211 : memref<6400xi32, #tpu.memory_space<hbm>>) target(%arg7 : memref<6400xi32, #tpu.memory_space<vmem>>) target_semaphore(%arg16 : memref<!tpu.dma_semaphore, #tpu.memory_space<semaphore_mem>>)
    %dma_start3A_212 = tpu.memref_slice %arg3[%add3A_209] : memref<3276800xi32, #tpu.memory_space<hbm>> -> memref<6400xi32, #tpu.memory_space<hbm>>
    %dma_start3A_213 = tpu.memref_slice %arg3[%add3A_209] : memref<3276800xi32, #tpu.memory_space<hbm>> -> memref<6400xi32, #tpu.memory_space<hbm>>
    tpu.enqueue_dma source(%dma_start3A_213 : memref<6400xi32, #tpu.memory_space<hbm>>) target(%arg8 : memref<6400xi32, #tpu.memory_space<vmem>>) target_semaphore(%arg16 : memref<!tpu.dma_semaphore, #tpu.memory_space<semaphore_mem>>)
    %dma_wait3A_214 = arith.constant 0 : i32
    %dma_wait3A_215 = tpu.memref_slice %arg2[%dma_wait3A_214] : memref<3276800xi32, #tpu.memory_space<hbm>> -> memref<6400xi32, #tpu.memory_space<hbm>>
    %dma_wait3A_216 = arith.constant 0 : i32
    %dma_wait3A_217 = tpu.memref_slice %arg2[%dma_wait3A_216] : memref<3276800xi32, #tpu.memory_space<hbm>> -> memref<6400xi32, #tpu.memory_space<hbm>>
    tpu.wait_dma2 semaphore(%arg16 : memref<!tpu.dma_semaphore, #tpu.memory_space<semaphore_mem>>) src(%dma_wait3A_217 : memref<6400xi32, #tpu.memory_space<hbm>>) dst(%arg7 : memref<6400xi32, #tpu.memory_space<vmem>>)
    %dma_wait3A_218 = arith.constant 0 : i32
    %dma_wait3A_219 = tpu.memref_slice %arg3[%dma_wait3A_218] : memref<3276800xi32, #tpu.memory_space<hbm>> -> memref<6400xi32, #tpu.memory_space<hbm>>
    %dma_wait3A_220 = arith.constant 0 : i32
    %dma_wait3A_221 = tpu.memref_slice %arg3[%dma_wait3A_220] : memref<3276800xi32, #tpu.memory_space<hbm>> -> memref<6400xi32, #tpu.memory_space<hbm>>
    tpu.wait_dma2 semaphore(%arg16 : memref<!tpu.dma_semaphore, #tpu.memory_space<semaphore_mem>>) src(%dma_wait3A_221 : memref<6400xi32, #tpu.memory_space<hbm>>) dst(%arg8 : memref<6400xi32, #tpu.memory_space<vmem>>)
    %scan3A_222 = arith.constant 0 : i32
    %scan3A_223 = arith.constant 0 : i32
    %scan3A_224 = arith.constant 400 : i32
    %scan3A_225 = arith.addi %scan3A_223, %scan3A_224 : i32
    %scan3A_226 = arith.constant 1 : i32
    scf.for %scan3A_608 = %scan3A_223 to %scan3A_225 step %scan3A_226  : i32 {
      %mul3A_609 = arith.constant 16 : i32
      %mul3A_610 = arith.muli %scan3A_608, %mul3A_609 : i32
      %get3A = arith.index_cast %mul3A_610 : i32 to index
      %get3A_611 = tpu.vector_load %arg7[%get3A] {strides = array<i32>} : memref<6400xi32, #tpu.memory_space<vmem>>, vector<16xi32>,
      %mul3A_612 = arith.constant 8192 : i32
      %mul3A_613 = vector.broadcast %mul3A_612 : i32 to vector<16xi32>
      %mul3A_614 = arith.muli %get3A_611, %mul3A_613 : vector<16xi32>
      %get3A_615 = arith.index_cast %mul3A_610 : i32 to index
      %get3A_616 = tpu.vector_load %arg8[%get3A_615] {strides = array<i32>} : memref<6400xi32, #tpu.memory_space<vmem>>, vector<16xi32>,
      %add3A_617 = arith.addi %mul3A_614, %get3A_616 : vector<16xi32>
      %swap3A = arith.index_cast %mul3A_610 : i32 to index
      %swap3A_618 = tpu.vector_load %arg9[%swap3A] {strides = array<i32>} : memref<6400xi32, #tpu.memory_space<vmem>>, vector<16xi32>,
      tpu.vector_store %arg9[%swap3A], %add3A_617 {strides = array<i32>} : memref<6400xi32, #tpu.memory_space<vmem>>, vector<16xi32>,
    }
    %scan3A_227 = arith.constant 400 : i32
    %dma_wait3A_228 = arith.constant 0 : i32
    %dma_wait3A_229 = tpu.memref_slice %arg6[%dma_wait3A_228] : memref<3276800xf32, #tpu.memory_space<hbm>> -> memref<6400xf32, #tpu.memory_space<hbm>>
    %dma_wait3A_230 = arith.constant 0 : i32
    %dma_wait3A_231 = tpu.memref_slice %arg6[%dma_wait3A_230] : memref<3276800xf32, #tpu.memory_space<hbm>> -> memref<6400xf32, #tpu.memory_space<hbm>>
    tpu.wait_dma2 semaphore(%arg20 : memref<!tpu.dma_semaphore, #tpu.memory_space<semaphore_mem>>) src(%arg10 : memref<6400xf32, #tpu.memory_space<vmem>>) dst(%dma_wait3A_231 : memref<6400xf32, #tpu.memory_space<hbm>>)
    %dma_start3A_232 = arith.constant 0 : i32
    %dma_start3A_233 = tpu.memref_slice %arg5[%dma_start3A_232] : memref<67108864xf32, #tpu.memory_space<hbm>> -> memref<67108864xf32, #tpu.memory_space<hbm>>
    tpu.enqueue_indirect_dma source(%dma_start3A_233 : memref<67108864xf32, #tpu.memory_space<hbm>>) target(%arg10 : memref<6400xf32, #tpu.memory_space<vmem>>) offsets(%arg9 : memref<6400xi32, #tpu.memory_space<vmem>>) semaphore(%arg18 : memref<!tpu.dma_semaphore, #tpu.memory_space<semaphore_mem>>)
    %dma_wait3A_234 = arith.constant 0 : i32
    %dma_wait3A_235 = tpu.memref_slice %arg5[%dma_wait3A_234] : memref<67108864xf32, #tpu.memory_space<hbm>> -> memref<67108864xf32, #tpu.memory_space<hbm>>
    tpu.wait_indirect_dma semaphore(%arg19 : memref<!tpu.dma_semaphore, #tpu.memory_space<semaphore_mem>>) src(%dma_wait3A_235 : memref<67108864xf32, #tpu.memory_space<hbm>>) dst(%arg14 : memref<6400xf32, #tpu.memory_space<vmem>>)
    %scan3A_236 = arith.constant 0 : i32
    %scan3A_237 = arith.constant 0 : i32
    %scan3A_238 = arith.constant 400 : i32
    %scan3A_239 = arith.addi %scan3A_237, %scan3A_238 : i32
    %scan3A_240 = arith.constant 1 : i32
    scf.for %scan3A_608 = %scan3A_237 to %scan3A_239 step %scan3A_240  : i32 {
      %mul3A_609 = arith.constant 16 : i32
      %mul3A_610 = arith.muli %scan3A_608, %mul3A_609 : i32
      %get3A = arith.index_cast %mul3A_610 : i32 to index
      %get3A_611 = tpu.vector_load %arg14[%get3A] {strides = array<i32>} : memref<6400xf32, #tpu.memory_space<vmem>>, vector<16xf32>,
      %get3A_612 = arith.index_cast %mul3A_610 : i32 to index
      %get3A_613 = tpu.vector_load %arg11[%get3A_612] {strides = array<i32>} : memref<6400xi32, #tpu.memory_space<vmem>>, vector<16xi32>,
      %gather3A = tpu.vector_load_idx %arg15[%get3A_613] : memref<8192xf32, #tpu.memory_space<vmem>>[vector<16xi32>], vector<16xf32>,
      %add3A_614 = arith.addf %get3A_611, %gather3A : vector<16xf32>
      %swap3A = arith.index_cast %mul3A_610 : i32 to index
      %swap3A_615 = tpu.vector_load %arg14[%swap3A] {strides = array<i32>} : memref<6400xf32, #tpu.memory_space<vmem>>, vector<16xf32>,
      tpu.vector_store %arg14[%swap3A], %add3A_614 {strides = array<i32>} : memref<6400xf32, #tpu.memory_space<vmem>>, vector<16xf32>,
    }
    %scan3A_241 = arith.constant 400 : i32
    %add3A_242 = arith.constant 32000 : i32
    %add3A_243 = arith.addi %mul3A_2, %add3A_242 : i32
    %dma_start3A_244 = tpu.memref_slice %arg6[%add3A_243] : memref<3276800xf32, #tpu.memory_space<hbm>> -> memref<6400xf32, #tpu.memory_space<hbm>>
    %dma_start3A_245 = tpu.memref_slice %arg6[%add3A_243] : memref<3276800xf32, #tpu.memory_space<hbm>> -> memref<6400xf32, #tpu.memory_space<hbm>>
    tpu.enqueue_dma source(%arg14 : memref<6400xf32, #tpu.memory_space<vmem>>) target(%dma_start3A_245 : memref<6400xf32, #tpu.memory_space<hbm>>) target_semaphore(%arg21 : memref<!tpu.dma_semaphore, #tpu.memory_space<semaphore_mem>>)
    %add3A_246 = arith.constant 44800 : i32
    %add3A_247 = arith.addi %mul3A_2, %add3A_246 : i32
    %dma_start3A_248 = tpu.memref_slice %arg2[%add3A_247] : memref<3276800xi32, #tpu.memory_space<hbm>> -> memref<6400xi32, #tpu.memory_space<hbm>>
    %dma_start3A_249 = tpu.memref_slice %arg2[%add3A_247] : memref<3276800xi32, #tpu.memory_space<hbm>> -> memref<6400xi32, #tpu.memory_space<hbm>>
    tpu.enqueue_dma source(%dma_start3A_249 : memref<6400xi32, #tpu.memory_space<hbm>>) target(%arg11 : memref<6400xi32, #tpu.memory_space<vmem>>) target_semaphore(%arg17 : memref<!tpu.dma_semaphore, #tpu.memory_space<semaphore_mem>>)
    %dma_start3A_250 = tpu.memref_slice %arg3[%add3A_247] : memref<3276800xi32, #tpu.memory_space<hbm>> -> memref<6400xi32, #tpu.memory_space<hbm>>
    %dma_start3A_251 = tpu.memref_slice %arg3[%add3A_247] : memref<3276800xi32, #tpu.memory_space<hbm>> -> memref<6400xi32, #tpu.memory_space<hbm>>
    tpu.enqueue_dma source(%dma_start3A_251 : memref<6400xi32, #tpu.memory_space<hbm>>) target(%arg12 : memref<6400xi32, #tpu.memory_space<vmem>>) target_semaphore(%arg17 : memref<!tpu.dma_semaphore, #tpu.memory_space<semaphore_mem>>)
    %dma_wait3A_252 = arith.constant 0 : i32
    %dma_wait3A_253 = tpu.memref_slice %arg2[%dma_wait3A_252] : memref<3276800xi32, #tpu.memory_space<hbm>> -> memref<6400xi32, #tpu.memory_space<hbm>>
    %dma_wait3A_254 = arith.constant 0 : i32
    %dma_wait3A_255 = tpu.memref_slice %arg2[%dma_wait3A_254] : memref<3276800xi32, #tpu.memory_space<hbm>> -> memref<6400xi32, #tpu.memory_space<hbm>>
    tpu.wait_dma2 semaphore(%arg17 : memref<!tpu.dma_semaphore, #tpu.memory_space<semaphore_mem>>) src(%dma_wait3A_255 : memref<6400xi32, #tpu.memory_space<hbm>>) dst(%arg11 : memref<6400xi32, #tpu.memory_space<vmem>>)
    %dma_wait3A_256 = arith.constant 0 : i32
    %dma_wait3A_257 = tpu.memref_slice %arg3[%dma_wait3A_256] : memref<3276800xi32, #tpu.memory_space<hbm>> -> memref<6400xi32, #tpu.memory_space<hbm>>
    %dma_wait3A_258 = arith.constant 0 : i32
    %dma_wait3A_259 = tpu.memref_slice %arg3[%dma_wait3A_258] : memref<3276800xi32, #tpu.memory_space<hbm>> -> memref<6400xi32, #tpu.memory_space<hbm>>
    tpu.wait_dma2 semaphore(%arg17 : memref<!tpu.dma_semaphore, #tpu.memory_space<semaphore_mem>>) src(%dma_wait3A_259 : memref<6400xi32, #tpu.memory_space<hbm>>) dst(%arg12 : memref<6400xi32, #tpu.memory_space<vmem>>)
    %scan3A_260 = arith.constant 0 : i32
    %scan3A_261 = arith.constant 0 : i32
    %scan3A_262 = arith.constant 400 : i32
    %scan3A_263 = arith.addi %scan3A_261, %scan3A_262 : i32
    %scan3A_264 = arith.constant 1 : i32
    scf.for %scan3A_608 = %scan3A_261 to %scan3A_263 step %scan3A_264  : i32 {
      %mul3A_609 = arith.constant 16 : i32
      %mul3A_610 = arith.muli %scan3A_608, %mul3A_609 : i32
      %get3A = arith.index_cast %mul3A_610 : i32 to index
      %get3A_611 = tpu.vector_load %arg11[%get3A] {strides = array<i32>} : memref<6400xi32, #tpu.memory_space<vmem>>, vector<16xi32>,
      %mul3A_612 = arith.constant 8192 : i32
      %mul3A_613 = vector.broadcast %mul3A_612 : i32 to vector<16xi32>
      %mul3A_614 = arith.muli %get3A_611, %mul3A_613 : vector<16xi32>
      %get3A_615 = arith.index_cast %mul3A_610 : i32 to index
      %get3A_616 = tpu.vector_load %arg12[%get3A_615] {strides = array<i32>} : memref<6400xi32, #tpu.memory_space<vmem>>, vector<16xi32>,
      %add3A_617 = arith.addi %mul3A_614, %get3A_616 : vector<16xi32>
      %swap3A = arith.index_cast %mul3A_610 : i32 to index
      %swap3A_618 = tpu.vector_load %arg13[%swap3A] {strides = array<i32>} : memref<6400xi32, #tpu.memory_space<vmem>>, vector<16xi32>,
      tpu.vector_store %arg13[%swap3A], %add3A_617 {strides = array<i32>} : memref<6400xi32, #tpu.memory_space<vmem>>, vector<16xi32>,
    }
    %scan3A_265 = arith.constant 400 : i32
    %dma_wait3A_266 = arith.constant 0 : i32
    %dma_wait3A_267 = tpu.memref_slice %arg6[%dma_wait3A_266] : memref<3276800xf32, #tpu.memory_space<hbm>> -> memref<6400xf32, #tpu.memory_space<hbm>>
    %dma_wait3A_268 = arith.constant 0 : i32
    %dma_wait3A_269 = tpu.memref_slice %arg6[%dma_wait3A_268] : memref<3276800xf32, #tpu.memory_space<hbm>> -> memref<6400xf32, #tpu.memory_space<hbm>>
    tpu.wait_dma2 semaphore(%arg21 : memref<!tpu.dma_semaphore, #tpu.memory_space<semaphore_mem>>) src(%arg14 : memref<6400xf32, #tpu.memory_space<vmem>>) dst(%dma_wait3A_269 : memref<6400xf32, #tpu.memory_space<hbm>>)
    %dma_start3A_270 = arith.constant 0 : i32
    %dma_start3A_271 = tpu.memref_slice %arg5[%dma_start3A_270] : memref<67108864xf32, #tpu.memory_space<hbm>> -> memref<67108864xf32, #tpu.memory_space<hbm>>
    tpu.enqueue_indirect_dma source(%dma_start3A_271 : memref<67108864xf32, #tpu.memory_space<hbm>>) target(%arg14 : memref<6400xf32, #tpu.memory_space<vmem>>) offsets(%arg13 : memref<6400xi32, #tpu.memory_space<vmem>>) semaphore(%arg19 : memref<!tpu.dma_semaphore, #tpu.memory_space<semaphore_mem>>)
    %dma_wait3A_272 = arith.constant 0 : i32
    %dma_wait3A_273 = tpu.memref_slice %arg5[%dma_wait3A_272] : memref<67108864xf32, #tpu.memory_space<hbm>> -> memref<67108864xf32, #tpu.memory_space<hbm>>
    tpu.wait_indirect_dma semaphore(%arg18 : memref<!tpu.dma_semaphore, #tpu.memory_space<semaphore_mem>>) src(%dma_wait3A_273 : memref<67108864xf32, #tpu.memory_space<hbm>>) dst(%arg10 : memref<6400xf32, #tpu.memory_space<vmem>>)
    %scan3A_274 = arith.constant 0 : i32
    %scan3A_275 = arith.constant 0 : i32
    %scan3A_276 = arith.constant 400 : i32
    %scan3A_277 = arith.addi %scan3A_275, %scan3A_276 : i32
    %scan3A_278 = arith.constant 1 : i32
    scf.for %scan3A_608 = %scan3A_275 to %scan3A_277 step %scan3A_278  : i32 {
      %mul3A_609 = arith.constant 16 : i32
      %mul3A_610 = arith.muli %scan3A_608, %mul3A_609 : i32
      %get3A = arith.index_cast %mul3A_610 : i32 to index
      %get3A_611 = tpu.vector_load %arg10[%get3A] {strides = array<i32>} : memref<6400xf32, #tpu.memory_space<vmem>>, vector<16xf32>,
      %get3A_612 = arith.index_cast %mul3A_610 : i32 to index
      %get3A_613 = tpu.vector_load %arg7[%get3A_612] {strides = array<i32>} : memref<6400xi32, #tpu.memory_space<vmem>>, vector<16xi32>,
      %gather3A = tpu.vector_load_idx %arg15[%get3A_613] : memref<8192xf32, #tpu.memory_space<vmem>>[vector<16xi32>], vector<16xf32>,
      %add3A_614 = arith.addf %get3A_611, %gather3A : vector<16xf32>
      %swap3A = arith.index_cast %mul3A_610 : i32 to index
      %swap3A_615 = tpu.vector_load %arg10[%swap3A] {strides = array<i32>} : memref<6400xf32, #tpu.memory_space<vmem>>, vector<16xf32>,
      tpu.vector_store %arg10[%swap3A], %add3A_614 {strides = array<i32>} : memref<6400xf32, #tpu.memory_space<vmem>>, vector<16xf32>,
    }
    %scan3A_279 = arith.constant 400 : i32
    %add3A_280 = arith.constant 38400 : i32
    %add3A_281 = arith.addi %mul3A_2, %add3A_280 : i32
    %dma_start3A_282 = tpu.memref_slice %arg6[%add3A_281] : memref<3276800xf32, #tpu.memory_space<hbm>> -> memref<6400xf32, #tpu.memory_space<hbm>>
    %dma_start3A_283 = tpu.memref_slice %arg6[%add3A_281] : memref<3276800xf32, #tpu.memory_space<hbm>> -> memref<6400xf32, #tpu.memory_space<hbm>>
    tpu.enqueue_dma source(%arg10 : memref<6400xf32, #tpu.memory_space<vmem>>) target(%dma_start3A_283 : memref<6400xf32, #tpu.memory_space<hbm>>) target_semaphore(%arg20 : memref<!tpu.dma_semaphore, #tpu.memory_space<semaphore_mem>>)
    %add3A_284 = arith.constant 51200 : i32
    %add3A_285 = arith.addi %mul3A_2, %add3A_284 : i32
    %dma_start3A_286 = tpu.memref_slice %arg2[%add3A_285] : memref<3276800xi32, #tpu.memory_space<hbm>> -> memref<6400xi32, #tpu.memory_space<hbm>>
    %dma_start3A_287 = tpu.memref_slice %arg2[%add3A_285] : memref<3276800xi32, #tpu.memory_space<hbm>> -> memref<6400xi32, #tpu.memory_space<hbm>>
    tpu.enqueue_dma source(%dma_start3A_287 : memref<6400xi32, #tpu.memory_space<hbm>>) target(%arg7 : memref<6400xi32, #tpu.memory_space<vmem>>) target_semaphore(%arg16 : memref<!tpu.dma_semaphore, #tpu.memory_space<semaphore_mem>>)
    %dma_start3A_288 = tpu.memref_slice %arg3[%add3A_285] : memref<3276800xi32, #tpu.memory_space<hbm>> -> memref<6400xi32, #tpu.memory_space<hbm>>
    %dma_start3A_289 = tpu.memref_slice %arg3[%add3A_285] : memref<3276800xi32, #tpu.memory_space<hbm>> -> memref<6400xi32, #tpu.memory_space<hbm>>
    tpu.enqueue_dma source(%dma_start3A_289 : memref<6400xi32, #tpu.memory_space<hbm>>) target(%arg8 : memref<6400xi32, #tpu.memory_space<vmem>>) target_semaphore(%arg16 : memref<!tpu.dma_semaphore, #tpu.memory_space<semaphore_mem>>)
    %dma_wait3A_290 = arith.constant 0 : i32
    %dma_wait3A_291 = tpu.memref_slice %arg2[%dma_wait3A_290] : memref<3276800xi32, #tpu.memory_space<hbm>> -> memref<6400xi32, #tpu.memory_space<hbm>>
    %dma_wait3A_292 = arith.constant 0 : i32
    %dma_wait3A_293 = tpu.memref_slice %arg2[%dma_wait3A_292] : memref<3276800xi32, #tpu.memory_space<hbm>> -> memref<6400xi32, #tpu.memory_space<hbm>>
    tpu.wait_dma2 semaphore(%arg16 : memref<!tpu.dma_semaphore, #tpu.memory_space<semaphore_mem>>) src(%dma_wait3A_293 : memref<6400xi32, #tpu.memory_space<hbm>>) dst(%arg7 : memref<6400xi32, #tpu.memory_space<vmem>>)
    %dma_wait3A_294 = arith.constant 0 : i32
    %dma_wait3A_295 = tpu.memref_slice %arg3[%dma_wait3A_294] : memref<3276800xi32, #tpu.memory_space<hbm>> -> memref<6400xi32, #tpu.memory_space<hbm>>
    %dma_wait3A_296 = arith.constant 0 : i32
    %dma_wait3A_297 = tpu.memref_slice %arg3[%dma_wait3A_296] : memref<3276800xi32, #tpu.memory_space<hbm>> -> memref<6400xi32, #tpu.memory_space<hbm>>
    tpu.wait_dma2 semaphore(%arg16 : memref<!tpu.dma_semaphore, #tpu.memory_space<semaphore_mem>>) src(%dma_wait3A_297 : memref<6400xi32, #tpu.memory_space<hbm>>) dst(%arg8 : memref<6400xi32, #tpu.memory_space<vmem>>)
    %scan3A_298 = arith.constant 0 : i32
    %scan3A_299 = arith.constant 0 : i32
    %scan3A_300 = arith.constant 400 : i32
    %scan3A_301 = arith.addi %scan3A_299, %scan3A_300 : i32
    %scan3A_302 = arith.constant 1 : i32
    scf.for %scan3A_608 = %scan3A_299 to %scan3A_301 step %scan3A_302  : i32 {
      %mul3A_609 = arith.constant 16 : i32
      %mul3A_610 = arith.muli %scan3A_608, %mul3A_609 : i32
      %get3A = arith.index_cast %mul3A_610 : i32 to index
      %get3A_611 = tpu.vector_load %arg7[%get3A] {strides = array<i32>} : memref<6400xi32, #tpu.memory_space<vmem>>, vector<16xi32>,
      %mul3A_612 = arith.constant 8192 : i32
      %mul3A_613 = vector.broadcast %mul3A_612 : i32 to vector<16xi32>
      %mul3A_614 = arith.muli %get3A_611, %mul3A_613 : vector<16xi32>
      %get3A_615 = arith.index_cast %mul3A_610 : i32 to index
      %get3A_616 = tpu.vector_load %arg8[%get3A_615] {strides = array<i32>} : memref<6400xi32, #tpu.memory_space<vmem>>, vector<16xi32>,
      %add3A_617 = arith.addi %mul3A_614, %get3A_616 : vector<16xi32>
      %swap3A = arith.index_cast %mul3A_610 : i32 to index
      %swap3A_618 = tpu.vector_load %arg9[%swap3A] {strides = array<i32>} : memref<6400xi32, #tpu.memory_space<vmem>>, vector<16xi32>,
      tpu.vector_store %arg9[%swap3A], %add3A_617 {strides = array<i32>} : memref<6400xi32, #tpu.memory_space<vmem>>, vector<16xi32>,
    }
    %scan3A_303 = arith.constant 400 : i32
    %dma_wait3A_304 = arith.constant 0 : i32
    %dma_wait3A_305 = tpu.memref_slice %arg6[%dma_wait3A_304] : memref<3276800xf32, #tpu.memory_space<hbm>> -> memref<6400xf32, #tpu.memory_space<hbm>>
    %dma_wait3A_306 = arith.constant 0 : i32
    %dma_wait3A_307 = tpu.memref_slice %arg6[%dma_wait3A_306] : memref<3276800xf32, #tpu.memory_space<hbm>> -> memref<6400xf32, #tpu.memory_space<hbm>>
    tpu.wait_dma2 semaphore(%arg20 : memref<!tpu.dma_semaphore, #tpu.memory_space<semaphore_mem>>) src(%arg10 : memref<6400xf32, #tpu.memory_space<vmem>>) dst(%dma_wait3A_307 : memref<6400xf32, #tpu.memory_space<hbm>>)
    %dma_start3A_308 = arith.constant 0 : i32
    %dma_start3A_309 = tpu.memref_slice %arg5[%dma_start3A_308] : memref<67108864xf32, #tpu.memory_space<hbm>> -> memref<67108864xf32, #tpu.memory_space<hbm>>
    tpu.enqueue_indirect_dma source(%dma_start3A_309 : memref<67108864xf32, #tpu.memory_space<hbm>>) target(%arg10 : memref<6400xf32, #tpu.memory_space<vmem>>) offsets(%arg9 : memref<6400xi32, #tpu.memory_space<vmem>>) semaphore(%arg18 : memref<!tpu.dma_semaphore, #tpu.memory_space<semaphore_mem>>)
    %dma_wait3A_310 = arith.constant 0 : i32
    %dma_wait3A_311 = tpu.memref_slice %arg5[%dma_wait3A_310] : memref<67108864xf32, #tpu.memory_space<hbm>> -> memref<67108864xf32, #tpu.memory_space<hbm>>
    tpu.wait_indirect_dma semaphore(%arg19 : memref<!tpu.dma_semaphore, #tpu.memory_space<semaphore_mem>>) src(%dma_wait3A_311 : memref<67108864xf32, #tpu.memory_space<hbm>>) dst(%arg14 : memref<6400xf32, #tpu.memory_space<vmem>>)
    %scan3A_312 = arith.constant 0 : i32
    %scan3A_313 = arith.constant 0 : i32
    %scan3A_314 = arith.constant 400 : i32
    %scan3A_315 = arith.addi %scan3A_313, %scan3A_314 : i32
    %scan3A_316 = arith.constant 1 : i32
    scf.for %scan3A_608 = %scan3A_313 to %scan3A_315 step %scan3A_316  : i32 {
      %mul3A_609 = arith.constant 16 : i32
      %mul3A_610 = arith.muli %scan3A_608, %mul3A_609 : i32
      %get3A = arith.index_cast %mul3A_610 : i32 to index
      %get3A_611 = tpu.vector_load %arg14[%get3A] {strides = array<i32>} : memref<6400xf32, #tpu.memory_space<vmem>>, vector<16xf32>,
      %get3A_612 = arith.index_cast %mul3A_610 : i32 to index
      %get3A_613 = tpu.vector_load %arg11[%get3A_612] {strides = array<i32>} : memref<6400xi32, #tpu.memory_space<vmem>>, vector<16xi32>,
      %gather3A = tpu.vector_load_idx %arg15[%get3A_613] : memref<8192xf32, #tpu.memory_space<vmem>>[vector<16xi32>], vector<16xf32>,
      %add3A_614 = arith.addf %get3A_611, %gather3A : vector<16xf32>
      %swap3A = arith.index_cast %mul3A_610 : i32 to index
      %swap3A_615 = tpu.vector_load %arg14[%swap3A] {strides = array<i32>} : memref<6400xf32, #tpu.memory_space<vmem>>, vector<16xf32>,
      tpu.vector_store %arg14[%swap3A], %add3A_614 {strides = array<i32>} : memref<6400xf32, #tpu.memory_space<vmem>>, vector<16xf32>,
    }
    %scan3A_317 = arith.constant 400 : i32
    %add3A_318 = arith.constant 44800 : i32
    %add3A_319 = arith.addi %mul3A_2, %add3A_318 : i32
    %dma_start3A_320 = tpu.memref_slice %arg6[%add3A_319] : memref<3276800xf32, #tpu.memory_space<hbm>> -> memref<6400xf32, #tpu.memory_space<hbm>>
    %dma_start3A_321 = tpu.memref_slice %arg6[%add3A_319] : memref<3276800xf32, #tpu.memory_space<hbm>> -> memref<6400xf32, #tpu.memory_space<hbm>>
    tpu.enqueue_dma source(%arg14 : memref<6400xf32, #tpu.memory_space<vmem>>) target(%dma_start3A_321 : memref<6400xf32, #tpu.memory_space<hbm>>) target_semaphore(%arg21 : memref<!tpu.dma_semaphore, #tpu.memory_space<semaphore_mem>>)
    %add3A_322 = arith.constant 57600 : i32
    %add3A_323 = arith.addi %mul3A_2, %add3A_322 : i32
    %dma_start3A_324 = tpu.memref_slice %arg2[%add3A_323] : memref<3276800xi32, #tpu.memory_space<hbm>> -> memref<6400xi32, #tpu.memory_space<hbm>>
    %dma_start3A_325 = tpu.memref_slice %arg2[%add3A_323] : memref<3276800xi32, #tpu.memory_space<hbm>> -> memref<6400xi32, #tpu.memory_space<hbm>>
    tpu.enqueue_dma source(%dma_start3A_325 : memref<6400xi32, #tpu.memory_space<hbm>>) target(%arg11 : memref<6400xi32, #tpu.memory_space<vmem>>) target_semaphore(%arg17 : memref<!tpu.dma_semaphore, #tpu.memory_space<semaphore_mem>>)
    %dma_start3A_326 = tpu.memref_slice %arg3[%add3A_323] : memref<3276800xi32, #tpu.memory_space<hbm>> -> memref<6400xi32, #tpu.memory_space<hbm>>
    %dma_start3A_327 = tpu.memref_slice %arg3[%add3A_323] : memref<3276800xi32, #tpu.memory_space<hbm>> -> memref<6400xi32, #tpu.memory_space<hbm>>
    tpu.enqueue_dma source(%dma_start3A_327 : memref<6400xi32, #tpu.memory_space<hbm>>) target(%arg12 : memref<6400xi32, #tpu.memory_space<vmem>>) target_semaphore(%arg17 : memref<!tpu.dma_semaphore, #tpu.memory_space<semaphore_mem>>)
    %dma_wait3A_328 = arith.constant 0 : i32
    %dma_wait3A_329 = tpu.memref_slice %arg2[%dma_wait3A_328] : memref<3276800xi32, #tpu.memory_space<hbm>> -> memref<6400xi32, #tpu.memory_space<hbm>>
    %dma_wait3A_330 = arith.constant 0 : i32
    %dma_wait3A_331 = tpu.memref_slice %arg2[%dma_wait3A_330] : memref<3276800xi32, #tpu.memory_space<hbm>> -> memref<6400xi32, #tpu.memory_space<hbm>>
    tpu.wait_dma2 semaphore(%arg17 : memref<!tpu.dma_semaphore, #tpu.memory_space<semaphore_mem>>) src(%dma_wait3A_331 : memref<6400xi32, #tpu.memory_space<hbm>>) dst(%arg11 : memref<6400xi32, #tpu.memory_space<vmem>>)
    %dma_wait3A_332 = arith.constant 0 : i32
    %dma_wait3A_333 = tpu.memref_slice %arg3[%dma_wait3A_332] : memref<3276800xi32, #tpu.memory_space<hbm>> -> memref<6400xi32, #tpu.memory_space<hbm>>
    %dma_wait3A_334 = arith.constant 0 : i32
    %dma_wait3A_335 = tpu.memref_slice %arg3[%dma_wait3A_334] : memref<3276800xi32, #tpu.memory_space<hbm>> -> memref<6400xi32, #tpu.memory_space<hbm>>
    tpu.wait_dma2 semaphore(%arg17 : memref<!tpu.dma_semaphore, #tpu.memory_space<semaphore_mem>>) src(%dma_wait3A_335 : memref<6400xi32, #tpu.memory_space<hbm>>) dst(%arg12 : memref<6400xi32, #tpu.memory_space<vmem>>)
    %scan3A_336 = arith.constant 0 : i32
    %scan3A_337 = arith.constant 0 : i32
    %scan3A_338 = arith.constant 400 : i32
    %scan3A_339 = arith.addi %scan3A_337, %scan3A_338 : i32
    %scan3A_340 = arith.constant 1 : i32
    scf.for %scan3A_608 = %scan3A_337 to %scan3A_339 step %scan3A_340  : i32 {
      %mul3A_609 = arith.constant 16 : i32
      %mul3A_610 = arith.muli %scan3A_608, %mul3A_609 : i32
      %get3A = arith.index_cast %mul3A_610 : i32 to index
      %get3A_611 = tpu.vector_load %arg11[%get3A] {strides = array<i32>} : memref<6400xi32, #tpu.memory_space<vmem>>, vector<16xi32>,
      %mul3A_612 = arith.constant 8192 : i32
      %mul3A_613 = vector.broadcast %mul3A_612 : i32 to vector<16xi32>
      %mul3A_614 = arith.muli %get3A_611, %mul3A_613 : vector<16xi32>
      %get3A_615 = arith.index_cast %mul3A_610 : i32 to index
      %get3A_616 = tpu.vector_load %arg12[%get3A_615] {strides = array<i32>} : memref<6400xi32, #tpu.memory_space<vmem>>, vector<16xi32>,
      %add3A_617 = arith.addi %mul3A_614, %get3A_616 : vector<16xi32>
      %swap3A = arith.index_cast %mul3A_610 : i32 to index
      %swap3A_618 = tpu.vector_load %arg13[%swap3A] {strides = array<i32>} : memref<6400xi32, #tpu.memory_space<vmem>>, vector<16xi32>,
      tpu.vector_store %arg13[%swap3A], %add3A_617 {strides = array<i32>} : memref<6400xi32, #tpu.memory_space<vmem>>, vector<16xi32>,
    }
    %scan3A_341 = arith.constant 400 : i32
    %dma_wait3A_342 = arith.constant 0 : i32
    %dma_wait3A_343 = tpu.memref_slice %arg6[%dma_wait3A_342] : memref<3276800xf32, #tpu.memory_space<hbm>> -> memref<6400xf32, #tpu.memory_space<hbm>>
    %dma_wait3A_344 = arith.constant 0 : i32
    %dma_wait3A_345 = tpu.memref_slice %arg6[%dma_wait3A_344] : memref<3276800xf32, #tpu.memory_space<hbm>> -> memref<6400xf32, #tpu.memory_space<hbm>>
    tpu.wait_dma2 semaphore(%arg21 : memref<!tpu.dma_semaphore, #tpu.memory_space<semaphore_mem>>) src(%arg14 : memref<6400xf32, #tpu.memory_space<vmem>>) dst(%dma_wait3A_345 : memref<6400xf32, #tpu.memory_space<hbm>>)
    %dma_start3A_346 = arith.constant 0 : i32
    %dma_start3A_347 = tpu.memref_slice %arg5[%dma_start3A_346] : memref<67108864xf32, #tpu.memory_space<hbm>> -> memref<67108864xf32, #tpu.memory_space<hbm>>
    tpu.enqueue_indirect_dma source(%dma_start3A_347 : memref<67108864xf32, #tpu.memory_space<hbm>>) target(%arg14 : memref<6400xf32, #tpu.memory_space<vmem>>) offsets(%arg13 : memref<6400xi32, #tpu.memory_space<vmem>>) semaphore(%arg19 : memref<!tpu.dma_semaphore, #tpu.memory_space<semaphore_mem>>)
    %dma_wait3A_348 = arith.constant 0 : i32
    %dma_wait3A_349 = tpu.memref_slice %arg5[%dma_wait3A_348] : memref<67108864xf32, #tpu.memory_space<hbm>> -> memref<67108864xf32, #tpu.memory_space<hbm>>
    tpu.wait_indirect_dma semaphore(%arg18 : memref<!tpu.dma_semaphore, #tpu.memory_space<semaphore_mem>>) src(%dma_wait3A_349 : memref<67108864xf32, #tpu.memory_space<hbm>>) dst(%arg10 : memref<6400xf32, #tpu.memory_space<vmem>>)
    %scan3A_350 = arith.constant 0 : i32
    %scan3A_351 = arith.constant 0 : i32
    %scan3A_352 = arith.constant 400 : i32
    %scan3A_353 = arith.addi %scan3A_351, %scan3A_352 : i32
    %scan3A_354 = arith.constant 1 : i32
    scf.for %scan3A_608 = %scan3A_351 to %scan3A_353 step %scan3A_354  : i32 {
      %mul3A_609 = arith.constant 16 : i32
      %mul3A_610 = arith.muli %scan3A_608, %mul3A_609 : i32
      %get3A = arith.index_cast %mul3A_610 : i32 to index
      %get3A_611 = tpu.vector_load %arg10[%get3A] {strides = array<i32>} : memref<6400xf32, #tpu.memory_space<vmem>>, vector<16xf32>,
      %get3A_612 = arith.index_cast %mul3A_610 : i32 to index
      %get3A_613 = tpu.vector_load %arg7[%get3A_612] {strides = array<i32>} : memref<6400xi32, #tpu.memory_space<vmem>>, vector<16xi32>,
      %gather3A = tpu.vector_load_idx %arg15[%get3A_613] : memref<8192xf32, #tpu.memory_space<vmem>>[vector<16xi32>], vector<16xf32>,
      %add3A_614 = arith.addf %get3A_611, %gather3A : vector<16xf32>
      %swap3A = arith.index_cast %mul3A_610 : i32 to index
      %swap3A_615 = tpu.vector_load %arg10[%swap3A] {strides = array<i32>} : memref<6400xf32, #tpu.memory_space<vmem>>, vector<16xf32>,
      tpu.vector_store %arg10[%swap3A], %add3A_614 {strides = array<i32>} : memref<6400xf32, #tpu.memory_space<vmem>>, vector<16xf32>,
    }
    %scan3A_355 = arith.constant 400 : i32
    %add3A_356 = arith.constant 51200 : i32
    %add3A_357 = arith.addi %mul3A_2, %add3A_356 : i32
    %dma_start3A_358 = tpu.memref_slice %arg6[%add3A_357] : memref<3276800xf32, #tpu.memory_space<hbm>> -> memref<6400xf32, #tpu.memory_space<hbm>>
    %dma_start3A_359 = tpu.memref_slice %arg6[%add3A_357] : memref<3276800xf32, #tpu.memory_space<hbm>> -> memref<6400xf32, #tpu.memory_space<hbm>>
    tpu.enqueue_dma source(%arg10 : memref<6400xf32, #tpu.memory_space<vmem>>) target(%dma_start3A_359 : memref<6400xf32, #tpu.memory_space<hbm>>) target_semaphore(%arg20 : memref<!tpu.dma_semaphore, #tpu.memory_space<semaphore_mem>>)
    %add3A_360 = arith.constant 64000 : i32
    %add3A_361 = arith.addi %mul3A_2, %add3A_360 : i32
    %dma_start3A_362 = tpu.memref_slice %arg2[%add3A_361] : memref<3276800xi32, #tpu.memory_space<hbm>> -> memref<6400xi32, #tpu.memory_space<hbm>>
    %dma_start3A_363 = tpu.memref_slice %arg2[%add3A_361] : memref<3276800xi32, #tpu.memory_space<hbm>> -> memref<6400xi32, #tpu.memory_space<hbm>>
    tpu.enqueue_dma source(%dma_start3A_363 : memref<6400xi32, #tpu.memory_space<hbm>>) target(%arg7 : memref<6400xi32, #tpu.memory_space<vmem>>) target_semaphore(%arg16 : memref<!tpu.dma_semaphore, #tpu.memory_space<semaphore_mem>>)
    %dma_start3A_364 = tpu.memref_slice %arg3[%add3A_361] : memref<3276800xi32, #tpu.memory_space<hbm>> -> memref<6400xi32, #tpu.memory_space<hbm>>
    %dma_start3A_365 = tpu.memref_slice %arg3[%add3A_361] : memref<3276800xi32, #tpu.memory_space<hbm>> -> memref<6400xi32, #tpu.memory_space<hbm>>
    tpu.enqueue_dma source(%dma_start3A_365 : memref<6400xi32, #tpu.memory_space<hbm>>) target(%arg8 : memref<6400xi32, #tpu.memory_space<vmem>>) target_semaphore(%arg16 : memref<!tpu.dma_semaphore, #tpu.memory_space<semaphore_mem>>)
    %dma_wait3A_366 = arith.constant 0 : i32
    %dma_wait3A_367 = tpu.memref_slice %arg2[%dma_wait3A_366] : memref<3276800xi32, #tpu.memory_space<hbm>> -> memref<6400xi32, #tpu.memory_space<hbm>>
    %dma_wait3A_368 = arith.constant 0 : i32
    %dma_wait3A_369 = tpu.memref_slice %arg2[%dma_wait3A_368] : memref<3276800xi32, #tpu.memory_space<hbm>> -> memref<6400xi32, #tpu.memory_space<hbm>>
    tpu.wait_dma2 semaphore(%arg16 : memref<!tpu.dma_semaphore, #tpu.memory_space<semaphore_mem>>) src(%dma_wait3A_369 : memref<6400xi32, #tpu.memory_space<hbm>>) dst(%arg7 : memref<6400xi32, #tpu.memory_space<vmem>>)
    %dma_wait3A_370 = arith.constant 0 : i32
    %dma_wait3A_371 = tpu.memref_slice %arg3[%dma_wait3A_370] : memref<3276800xi32, #tpu.memory_space<hbm>> -> memref<6400xi32, #tpu.memory_space<hbm>>
    %dma_wait3A_372 = arith.constant 0 : i32
    %dma_wait3A_373 = tpu.memref_slice %arg3[%dma_wait3A_372] : memref<3276800xi32, #tpu.memory_space<hbm>> -> memref<6400xi32, #tpu.memory_space<hbm>>
    tpu.wait_dma2 semaphore(%arg16 : memref<!tpu.dma_semaphore, #tpu.memory_space<semaphore_mem>>) src(%dma_wait3A_373 : memref<6400xi32, #tpu.memory_space<hbm>>) dst(%arg8 : memref<6400xi32, #tpu.memory_space<vmem>>)
    %scan3A_374 = arith.constant 0 : i32
    %scan3A_375 = arith.constant 0 : i32
    %scan3A_376 = arith.constant 400 : i32
    %scan3A_377 = arith.addi %scan3A_375, %scan3A_376 : i32
    %scan3A_378 = arith.constant 1 : i32
    scf.for %scan3A_608 = %scan3A_375 to %scan3A_377 step %scan3A_378  : i32 {
      %mul3A_609 = arith.constant 16 : i32
      %mul3A_610 = arith.muli %scan3A_608, %mul3A_609 : i32
      %get3A = arith.index_cast %mul3A_610 : i32 to index
      %get3A_611 = tpu.vector_load %arg7[%get3A] {strides = array<i32>} : memref<6400xi32, #tpu.memory_space<vmem>>, vector<16xi32>,
      %mul3A_612 = arith.constant 8192 : i32
      %mul3A_613 = vector.broadcast %mul3A_612 : i32 to vector<16xi32>
      %mul3A_614 = arith.muli %get3A_611, %mul3A_613 : vector<16xi32>
      %get3A_615 = arith.index_cast %mul3A_610 : i32 to index
      %get3A_616 = tpu.vector_load %arg8[%get3A_615] {strides = array<i32>} : memref<6400xi32, #tpu.memory_space<vmem>>, vector<16xi32>,
      %add3A_617 = arith.addi %mul3A_614, %get3A_616 : vector<16xi32>
      %swap3A = arith.index_cast %mul3A_610 : i32 to index
      %swap3A_618 = tpu.vector_load %arg9[%swap3A] {strides = array<i32>} : memref<6400xi32, #tpu.memory_space<vmem>>, vector<16xi32>,
      tpu.vector_store %arg9[%swap3A], %add3A_617 {strides = array<i32>} : memref<6400xi32, #tpu.memory_space<vmem>>, vector<16xi32>,
    }
    %scan3A_379 = arith.constant 400 : i32
    %dma_wait3A_380 = arith.constant 0 : i32
    %dma_wait3A_381 = tpu.memref_slice %arg6[%dma_wait3A_380] : memref<3276800xf32, #tpu.memory_space<hbm>> -> memref<6400xf32, #tpu.memory_space<hbm>>
    %dma_wait3A_382 = arith.constant 0 : i32
    %dma_wait3A_383 = tpu.memref_slice %arg6[%dma_wait3A_382] : memref<3276800xf32, #tpu.memory_space<hbm>> -> memref<6400xf32, #tpu.memory_space<hbm>>
    tpu.wait_dma2 semaphore(%arg20 : memref<!tpu.dma_semaphore, #tpu.memory_space<semaphore_mem>>) src(%arg10 : memref<6400xf32, #tpu.memory_space<vmem>>) dst(%dma_wait3A_383 : memref<6400xf32, #tpu.memory_space<hbm>>)
    %dma_start3A_384 = arith.constant 0 : i32
    %dma_start3A_385 = tpu.memref_slice %arg5[%dma_start3A_384] : memref<67108864xf32, #tpu.memory_space<hbm>> -> memref<67108864xf32, #tpu.memory_space<hbm>>
    tpu.enqueue_indirect_dma source(%dma_start3A_385 : memref<67108864xf32, #tpu.memory_space<hbm>>) target(%arg10 : memref<6400xf32, #tpu.memory_space<vmem>>) offsets(%arg9 : memref<6400xi32, #tpu.memory_space<vmem>>) semaphore(%arg18 : memref<!tpu.dma_semaphore, #tpu.memory_space<semaphore_mem>>)
    %dma_wait3A_386 = arith.constant 0 : i32
    %dma_wait3A_387 = tpu.memref_slice %arg5[%dma_wait3A_386] : memref<67108864xf32, #tpu.memory_space<hbm>> -> memref<67108864xf32, #tpu.memory_space<hbm>>
    tpu.wait_indirect_dma semaphore(%arg19 : memref<!tpu.dma_semaphore, #tpu.memory_space<semaphore_mem>>) src(%dma_wait3A_387 : memref<67108864xf32, #tpu.memory_space<hbm>>) dst(%arg14 : memref<6400xf32, #tpu.memory_space<vmem>>)
    %scan3A_388 = arith.constant 0 : i32
    %scan3A_389 = arith.constant 0 : i32
    %scan3A_390 = arith.constant 400 : i32
    %scan3A_391 = arith.addi %scan3A_389, %scan3A_390 : i32
    %scan3A_392 = arith.constant 1 : i32
    scf.for %scan3A_608 = %scan3A_389 to %scan3A_391 step %scan3A_392  : i32 {
      %mul3A_609 = arith.constant 16 : i32
      %mul3A_610 = arith.muli %scan3A_608, %mul3A_609 : i32
      %get3A = arith.index_cast %mul3A_610 : i32 to index
      %get3A_611 = tpu.vector_load %arg14[%get3A] {strides = array<i32>} : memref<6400xf32, #tpu.memory_space<vmem>>, vector<16xf32>,
      %get3A_612 = arith.index_cast %mul3A_610 : i32 to index
      %get3A_613 = tpu.vector_load %arg11[%get3A_612] {strides = array<i32>} : memref<6400xi32, #tpu.memory_space<vmem>>, vector<16xi32>,
      %gather3A = tpu.vector_load_idx %arg15[%get3A_613] : memref<8192xf32, #tpu.memory_space<vmem>>[vector<16xi32>], vector<16xf32>,
      %add3A_614 = arith.addf %get3A_611, %gather3A : vector<16xf32>
      %swap3A = arith.index_cast %mul3A_610 : i32 to index
      %swap3A_615 = tpu.vector_load %arg14[%swap3A] {strides = array<i32>} : memref<6400xf32, #tpu.memory_space<vmem>>, vector<16xf32>,
      tpu.vector_store %arg14[%swap3A], %add3A_614 {strides = array<i32>} : memref<6400xf32, #tpu.memory_space<vmem>>, vector<16xf32>,
    }
    %scan3A_393 = arith.constant 400 : i32
    %add3A_394 = arith.constant 57600 : i32
    %add3A_395 = arith.addi %mul3A_2, %add3A_394 : i32
    %dma_start3A_396 = tpu.memref_slice %arg6[%add3A_395] : memref<3276800xf32, #tpu.memory_space<hbm>> -> memref<6400xf32, #tpu.memory_space<hbm>>
    %dma_start3A_397 = tpu.memref_slice %arg6[%add3A_395] : memref<3276800xf32, #tpu.memory_space<hbm>> -> memref<6400xf32, #tpu.memory_space<hbm>>
    tpu.enqueue_dma source(%arg14 : memref<6400xf32, #tpu.memory_space<vmem>>) target(%dma_start3A_397 : memref<6400xf32, #tpu.memory_space<hbm>>) target_semaphore(%arg21 : memref<!tpu.dma_semaphore, #tpu.memory_space<semaphore_mem>>)
    %add3A_398 = arith.constant 70400 : i32
    %add3A_399 = arith.addi %mul3A_2, %add3A_398 : i32
    %dma_start3A_400 = tpu.memref_slice %arg2[%add3A_399] : memref<3276800xi32, #tpu.memory_space<hbm>> -> memref<6400xi32, #tpu.memory_space<hbm>>
    %dma_start3A_401 = tpu.memref_slice %arg2[%add3A_399] : memref<3276800xi32, #tpu.memory_space<hbm>> -> memref<6400xi32, #tpu.memory_space<hbm>>
    tpu.enqueue_dma source(%dma_start3A_401 : memref<6400xi32, #tpu.memory_space<hbm>>) target(%arg11 : memref<6400xi32, #tpu.memory_space<vmem>>) target_semaphore(%arg17 : memref<!tpu.dma_semaphore, #tpu.memory_space<semaphore_mem>>)
    %dma_start3A_402 = tpu.memref_slice %arg3[%add3A_399] : memref<3276800xi32, #tpu.memory_space<hbm>> -> memref<6400xi32, #tpu.memory_space<hbm>>
    %dma_start3A_403 = tpu.memref_slice %arg3[%add3A_399] : memref<3276800xi32, #tpu.memory_space<hbm>> -> memref<6400xi32, #tpu.memory_space<hbm>>
    tpu.enqueue_dma source(%dma_start3A_403 : memref<6400xi32, #tpu.memory_space<hbm>>) target(%arg12 : memref<6400xi32, #tpu.memory_space<vmem>>) target_semaphore(%arg17 : memref<!tpu.dma_semaphore, #tpu.memory_space<semaphore_mem>>)
    %dma_wait3A_404 = arith.constant 0 : i32
    %dma_wait3A_405 = tpu.memref_slice %arg2[%dma_wait3A_404] : memref<3276800xi32, #tpu.memory_space<hbm>> -> memref<6400xi32, #tpu.memory_space<hbm>>
    %dma_wait3A_406 = arith.constant 0 : i32
    %dma_wait3A_407 = tpu.memref_slice %arg2[%dma_wait3A_406] : memref<3276800xi32, #tpu.memory_space<hbm>> -> memref<6400xi32, #tpu.memory_space<hbm>>
    tpu.wait_dma2 semaphore(%arg17 : memref<!tpu.dma_semaphore, #tpu.memory_space<semaphore_mem>>) src(%dma_wait3A_407 : memref<6400xi32, #tpu.memory_space<hbm>>) dst(%arg11 : memref<6400xi32, #tpu.memory_space<vmem>>)
    %dma_wait3A_408 = arith.constant 0 : i32
    %dma_wait3A_409 = tpu.memref_slice %arg3[%dma_wait3A_408] : memref<3276800xi32, #tpu.memory_space<hbm>> -> memref<6400xi32, #tpu.memory_space<hbm>>
    %dma_wait3A_410 = arith.constant 0 : i32
    %dma_wait3A_411 = tpu.memref_slice %arg3[%dma_wait3A_410] : memref<3276800xi32, #tpu.memory_space<hbm>> -> memref<6400xi32, #tpu.memory_space<hbm>>
    tpu.wait_dma2 semaphore(%arg17 : memref<!tpu.dma_semaphore, #tpu.memory_space<semaphore_mem>>) src(%dma_wait3A_411 : memref<6400xi32, #tpu.memory_space<hbm>>) dst(%arg12 : memref<6400xi32, #tpu.memory_space<vmem>>)
    %scan3A_412 = arith.constant 0 : i32
    %scan3A_413 = arith.constant 0 : i32
    %scan3A_414 = arith.constant 400 : i32
    %scan3A_415 = arith.addi %scan3A_413, %scan3A_414 : i32
    %scan3A_416 = arith.constant 1 : i32
    scf.for %scan3A_608 = %scan3A_413 to %scan3A_415 step %scan3A_416  : i32 {
      %mul3A_609 = arith.constant 16 : i32
      %mul3A_610 = arith.muli %scan3A_608, %mul3A_609 : i32
      %get3A = arith.index_cast %mul3A_610 : i32 to index
      %get3A_611 = tpu.vector_load %arg11[%get3A] {strides = array<i32>} : memref<6400xi32, #tpu.memory_space<vmem>>, vector<16xi32>,
      %mul3A_612 = arith.constant 8192 : i32
      %mul3A_613 = vector.broadcast %mul3A_612 : i32 to vector<16xi32>
      %mul3A_614 = arith.muli %get3A_611, %mul3A_613 : vector<16xi32>
      %get3A_615 = arith.index_cast %mul3A_610 : i32 to index
      %get3A_616 = tpu.vector_load %arg12[%get3A_615] {strides = array<i32>} : memref<6400xi32, #tpu.memory_space<vmem>>, vector<16xi32>,
      %add3A_617 = arith.addi %mul3A_614, %get3A_616 : vector<16xi32>
      %swap3A = arith.index_cast %mul3A_610 : i32 to index
      %swap3A_618 = tpu.vector_load %arg13[%swap3A] {strides = array<i32>} : memref<6400xi32, #tpu.memory_space<vmem>>, vector<16xi32>,
      tpu.vector_store %arg13[%swap3A], %add3A_617 {strides = array<i32>} : memref<6400xi32, #tpu.memory_space<vmem>>, vector<16xi32>,
    }
    %scan3A_417 = arith.constant 400 : i32
    %dma_wait3A_418 = arith.constant 0 : i32
    %dma_wait3A_419 = tpu.memref_slice %arg6[%dma_wait3A_418] : memref<3276800xf32, #tpu.memory_space<hbm>> -> memref<6400xf32, #tpu.memory_space<hbm>>
    %dma_wait3A_420 = arith.constant 0 : i32
    %dma_wait3A_421 = tpu.memref_slice %arg6[%dma_wait3A_420] : memref<3276800xf32, #tpu.memory_space<hbm>> -> memref<6400xf32, #tpu.memory_space<hbm>>
    tpu.wait_dma2 semaphore(%arg21 : memref<!tpu.dma_semaphore, #tpu.memory_space<semaphore_mem>>) src(%arg14 : memref<6400xf32, #tpu.memory_space<vmem>>) dst(%dma_wait3A_421 : memref<6400xf32, #tpu.memory_space<hbm>>)
    %dma_start3A_422 = arith.constant 0 : i32
    %dma_start3A_423 = tpu.memref_slice %arg5[%dma_start3A_422] : memref<67108864xf32, #tpu.memory_space<hbm>> -> memref<67108864xf32, #tpu.memory_space<hbm>>
    tpu.enqueue_indirect_dma source(%dma_start3A_423 : memref<67108864xf32, #tpu.memory_space<hbm>>) target(%arg14 : memref<6400xf32, #tpu.memory_space<vmem>>) offsets(%arg13 : memref<6400xi32, #tpu.memory_space<vmem>>) semaphore(%arg19 : memref<!tpu.dma_semaphore, #tpu.memory_space<semaphore_mem>>)
    %dma_wait3A_424 = arith.constant 0 : i32
    %dma_wait3A_425 = tpu.memref_slice %arg5[%dma_wait3A_424] : memref<67108864xf32, #tpu.memory_space<hbm>> -> memref<67108864xf32, #tpu.memory_space<hbm>>
    tpu.wait_indirect_dma semaphore(%arg18 : memref<!tpu.dma_semaphore, #tpu.memory_space<semaphore_mem>>) src(%dma_wait3A_425 : memref<67108864xf32, #tpu.memory_space<hbm>>) dst(%arg10 : memref<6400xf32, #tpu.memory_space<vmem>>)
    %scan3A_426 = arith.constant 0 : i32
    %scan3A_427 = arith.constant 0 : i32
    %scan3A_428 = arith.constant 400 : i32
    %scan3A_429 = arith.addi %scan3A_427, %scan3A_428 : i32
    %scan3A_430 = arith.constant 1 : i32
    scf.for %scan3A_608 = %scan3A_427 to %scan3A_429 step %scan3A_430  : i32 {
      %mul3A_609 = arith.constant 16 : i32
      %mul3A_610 = arith.muli %scan3A_608, %mul3A_609 : i32
      %get3A = arith.index_cast %mul3A_610 : i32 to index
      %get3A_611 = tpu.vector_load %arg10[%get3A] {strides = array<i32>} : memref<6400xf32, #tpu.memory_space<vmem>>, vector<16xf32>,
      %get3A_612 = arith.index_cast %mul3A_610 : i32 to index
      %get3A_613 = tpu.vector_load %arg7[%get3A_612] {strides = array<i32>} : memref<6400xi32, #tpu.memory_space<vmem>>, vector<16xi32>,
      %gather3A = tpu.vector_load_idx %arg15[%get3A_613] : memref<8192xf32, #tpu.memory_space<vmem>>[vector<16xi32>], vector<16xf32>,
      %add3A_614 = arith.addf %get3A_611, %gather3A : vector<16xf32>
      %swap3A = arith.index_cast %mul3A_610 : i32 to index
      %swap3A_615 = tpu.vector_load %arg10[%swap3A] {strides = array<i32>} : memref<6400xf32, #tpu.memory_space<vmem>>, vector<16xf32>,
      tpu.vector_store %arg10[%swap3A], %add3A_614 {strides = array<i32>} : memref<6400xf32, #tpu.memory_space<vmem>>, vector<16xf32>,
    }
    %scan3A_431 = arith.constant 400 : i32
    %add3A_432 = arith.constant 64000 : i32
    %add3A_433 = arith.addi %mul3A_2, %add3A_432 : i32
    %dma_start3A_434 = tpu.memref_slice %arg6[%add3A_433] : memref<3276800xf32, #tpu.memory_space<hbm>> -> memref<6400xf32, #tpu.memory_space<hbm>>
    %dma_start3A_435 = tpu.memref_slice %arg6[%add3A_433] : memref<3276800xf32, #tpu.memory_space<hbm>> -> memref<6400xf32, #tpu.memory_space<hbm>>
    tpu.enqueue_dma source(%arg10 : memref<6400xf32, #tpu.memory_space<vmem>>) target(%dma_start3A_435 : memref<6400xf32, #tpu.memory_space<hbm>>) target_semaphore(%arg20 : memref<!tpu.dma_semaphore, #tpu.memory_space<semaphore_mem>>)
    %add3A_436 = arith.constant 76800 : i32
    %add3A_437 = arith.addi %mul3A_2, %add3A_436 : i32
    %dma_start3A_438 = tpu.memref_slice %arg2[%add3A_437] : memref<3276800xi32, #tpu.memory_space<hbm>> -> memref<6400xi32, #tpu.memory_space<hbm>>
    %dma_start3A_439 = tpu.memref_slice %arg2[%add3A_437] : memref<3276800xi32, #tpu.memory_space<hbm>> -> memref<6400xi32, #tpu.memory_space<hbm>>
    tpu.enqueue_dma source(%dma_start3A_439 : memref<6400xi32, #tpu.memory_space<hbm>>) target(%arg7 : memref<6400xi32, #tpu.memory_space<vmem>>) target_semaphore(%arg16 : memref<!tpu.dma_semaphore, #tpu.memory_space<semaphore_mem>>)
    %dma_start3A_440 = tpu.memref_slice %arg3[%add3A_437] : memref<3276800xi32, #tpu.memory_space<hbm>> -> memref<6400xi32, #tpu.memory_space<hbm>>
    %dma_start3A_441 = tpu.memref_slice %arg3[%add3A_437] : memref<3276800xi32, #tpu.memory_space<hbm>> -> memref<6400xi32, #tpu.memory_space<hbm>>
    tpu.enqueue_dma source(%dma_start3A_441 : memref<6400xi32, #tpu.memory_space<hbm>>) target(%arg8 : memref<6400xi32, #tpu.memory_space<vmem>>) target_semaphore(%arg16 : memref<!tpu.dma_semaphore, #tpu.memory_space<semaphore_mem>>)
    %dma_wait3A_442 = arith.constant 0 : i32
    %dma_wait3A_443 = tpu.memref_slice %arg2[%dma_wait3A_442] : memref<3276800xi32, #tpu.memory_space<hbm>> -> memref<6400xi32, #tpu.memory_space<hbm>>
    %dma_wait3A_444 = arith.constant 0 : i32
    %dma_wait3A_445 = tpu.memref_slice %arg2[%dma_wait3A_444] : memref<3276800xi32, #tpu.memory_space<hbm>> -> memref<6400xi32, #tpu.memory_space<hbm>>
    tpu.wait_dma2 semaphore(%arg16 : memref<!tpu.dma_semaphore, #tpu.memory_space<semaphore_mem>>) src(%dma_wait3A_445 : memref<6400xi32, #tpu.memory_space<hbm>>) dst(%arg7 : memref<6400xi32, #tpu.memory_space<vmem>>)
    %dma_wait3A_446 = arith.constant 0 : i32
    %dma_wait3A_447 = tpu.memref_slice %arg3[%dma_wait3A_446] : memref<3276800xi32, #tpu.memory_space<hbm>> -> memref<6400xi32, #tpu.memory_space<hbm>>
    %dma_wait3A_448 = arith.constant 0 : i32
    %dma_wait3A_449 = tpu.memref_slice %arg3[%dma_wait3A_448] : memref<3276800xi32, #tpu.memory_space<hbm>> -> memref<6400xi32, #tpu.memory_space<hbm>>
    tpu.wait_dma2 semaphore(%arg16 : memref<!tpu.dma_semaphore, #tpu.memory_space<semaphore_mem>>) src(%dma_wait3A_449 : memref<6400xi32, #tpu.memory_space<hbm>>) dst(%arg8 : memref<6400xi32, #tpu.memory_space<vmem>>)
    %scan3A_450 = arith.constant 0 : i32
    %scan3A_451 = arith.constant 0 : i32
    %scan3A_452 = arith.constant 400 : i32
    %scan3A_453 = arith.addi %scan3A_451, %scan3A_452 : i32
    %scan3A_454 = arith.constant 1 : i32
    scf.for %scan3A_608 = %scan3A_451 to %scan3A_453 step %scan3A_454  : i32 {
      %mul3A_609 = arith.constant 16 : i32
      %mul3A_610 = arith.muli %scan3A_608, %mul3A_609 : i32
      %get3A = arith.index_cast %mul3A_610 : i32 to index
      %get3A_611 = tpu.vector_load %arg7[%get3A] {strides = array<i32>} : memref<6400xi32, #tpu.memory_space<vmem>>, vector<16xi32>,
      %mul3A_612 = arith.constant 8192 : i32
      %mul3A_613 = vector.broadcast %mul3A_612 : i32 to vector<16xi32>
      %mul3A_614 = arith.muli %get3A_611, %mul3A_613 : vector<16xi32>
      %get3A_615 = arith.index_cast %mul3A_610 : i32 to index
      %get3A_616 = tpu.vector_load %arg8[%get3A_615] {strides = array<i32>} : memref<6400xi32, #tpu.memory_space<vmem>>, vector<16xi32>,
      %add3A_617 = arith.addi %mul3A_614, %get3A_616 : vector<16xi32>
      %swap3A = arith.index_cast %mul3A_610 : i32 to index
      %swap3A_618 = tpu.vector_load %arg9[%swap3A] {strides = array<i32>} : memref<6400xi32, #tpu.memory_space<vmem>>, vector<16xi32>,
      tpu.vector_store %arg9[%swap3A], %add3A_617 {strides = array<i32>} : memref<6400xi32, #tpu.memory_space<vmem>>, vector<16xi32>,
    }
    %scan3A_455 = arith.constant 400 : i32
    %dma_wait3A_456 = arith.constant 0 : i32
    %dma_wait3A_457 = tpu.memref_slice %arg6[%dma_wait3A_456] : memref<3276800xf32, #tpu.memory_space<hbm>> -> memref<6400xf32, #tpu.memory_space<hbm>>
    %dma_wait3A_458 = arith.constant 0 : i32
    %dma_wait3A_459 = tpu.memref_slice %arg6[%dma_wait3A_458] : memref<3276800xf32, #tpu.memory_space<hbm>> -> memref<6400xf32, #tpu.memory_space<hbm>>
    tpu.wait_dma2 semaphore(%arg20 : memref<!tpu.dma_semaphore, #tpu.memory_space<semaphore_mem>>) src(%arg10 : memref<6400xf32, #tpu.memory_space<vmem>>) dst(%dma_wait3A_459 : memref<6400xf32, #tpu.memory_space<hbm>>)
    %dma_start3A_460 = arith.constant 0 : i32
    %dma_start3A_461 = tpu.memref_slice %arg5[%dma_start3A_460] : memref<67108864xf32, #tpu.memory_space<hbm>> -> memref<67108864xf32, #tpu.memory_space<hbm>>
    tpu.enqueue_indirect_dma source(%dma_start3A_461 : memref<67108864xf32, #tpu.memory_space<hbm>>) target(%arg10 : memref<6400xf32, #tpu.memory_space<vmem>>) offsets(%arg9 : memref<6400xi32, #tpu.memory_space<vmem>>) semaphore(%arg18 : memref<!tpu.dma_semaphore, #tpu.memory_space<semaphore_mem>>)
    %dma_wait3A_462 = arith.constant 0 : i32
    %dma_wait3A_463 = tpu.memref_slice %arg5[%dma_wait3A_462] : memref<67108864xf32, #tpu.memory_space<hbm>> -> memref<67108864xf32, #tpu.memory_space<hbm>>
    tpu.wait_indirect_dma semaphore(%arg19 : memref<!tpu.dma_semaphore, #tpu.memory_space<semaphore_mem>>) src(%dma_wait3A_463 : memref<67108864xf32, #tpu.memory_space<hbm>>) dst(%arg14 : memref<6400xf32, #tpu.memory_space<vmem>>)
    %scan3A_464 = arith.constant 0 : i32
    %scan3A_465 = arith.constant 0 : i32
    %scan3A_466 = arith.constant 400 : i32
    %scan3A_467 = arith.addi %scan3A_465, %scan3A_466 : i32
    %scan3A_468 = arith.constant 1 : i32
    scf.for %scan3A_608 = %scan3A_465 to %scan3A_467 step %scan3A_468  : i32 {
      %mul3A_609 = arith.constant 16 : i32
      %mul3A_610 = arith.muli %scan3A_608, %mul3A_609 : i32
      %get3A = arith.index_cast %mul3A_610 : i32 to index
      %get3A_611 = tpu.vector_load %arg14[%get3A] {strides = array<i32>} : memref<6400xf32, #tpu.memory_space<vmem>>, vector<16xf32>,
      %get3A_612 = arith.index_cast %mul3A_610 : i32 to index
      %get3A_613 = tpu.vector_load %arg11[%get3A_612] {strides = array<i32>} : memref<6400xi32, #tpu.memory_space<vmem>>, vector<16xi32>,
      %gather3A = tpu.vector_load_idx %arg15[%get3A_613] : memref<8192xf32, #tpu.memory_space<vmem>>[vector<16xi32>], vector<16xf32>,
      %add3A_614 = arith.addf %get3A_611, %gather3A : vector<16xf32>
      %swap3A = arith.index_cast %mul3A_610 : i32 to index
      %swap3A_615 = tpu.vector_load %arg14[%swap3A] {strides = array<i32>} : memref<6400xf32, #tpu.memory_space<vmem>>, vector<16xf32>,
      tpu.vector_store %arg14[%swap3A], %add3A_614 {strides = array<i32>} : memref<6400xf32, #tpu.memory_space<vmem>>, vector<16xf32>,
    }
    %scan3A_469 = arith.constant 400 : i32
    %add3A_470 = arith.constant 70400 : i32
    %add3A_471 = arith.addi %mul3A_2, %add3A_470 : i32
    %dma_start3A_472 = tpu.memref_slice %arg6[%add3A_471] : memref<3276800xf32, #tpu.memory_space<hbm>> -> memref<6400xf32, #tpu.memory_space<hbm>>
    %dma_start3A_473 = tpu.memref_slice %arg6[%add3A_471] : memref<3276800xf32, #tpu.memory_space<hbm>> -> memref<6400xf32, #tpu.memory_space<hbm>>
    tpu.enqueue_dma source(%arg14 : memref<6400xf32, #tpu.memory_space<vmem>>) target(%dma_start3A_473 : memref<6400xf32, #tpu.memory_space<hbm>>) target_semaphore(%arg21 : memref<!tpu.dma_semaphore, #tpu.memory_space<semaphore_mem>>)
    %add3A_474 = arith.constant 83200 : i32
    %add3A_475 = arith.addi %mul3A_2, %add3A_474 : i32
    %dma_start3A_476 = tpu.memref_slice %arg2[%add3A_475] : memref<3276800xi32, #tpu.memory_space<hbm>> -> memref<6400xi32, #tpu.memory_space<hbm>>
    %dma_start3A_477 = tpu.memref_slice %arg2[%add3A_475] : memref<3276800xi32, #tpu.memory_space<hbm>> -> memref<6400xi32, #tpu.memory_space<hbm>>
    tpu.enqueue_dma source(%dma_start3A_477 : memref<6400xi32, #tpu.memory_space<hbm>>) target(%arg11 : memref<6400xi32, #tpu.memory_space<vmem>>) target_semaphore(%arg17 : memref<!tpu.dma_semaphore, #tpu.memory_space<semaphore_mem>>)
    %dma_start3A_478 = tpu.memref_slice %arg3[%add3A_475] : memref<3276800xi32, #tpu.memory_space<hbm>> -> memref<6400xi32, #tpu.memory_space<hbm>>
    %dma_start3A_479 = tpu.memref_slice %arg3[%add3A_475] : memref<3276800xi32, #tpu.memory_space<hbm>> -> memref<6400xi32, #tpu.memory_space<hbm>>
    tpu.enqueue_dma source(%dma_start3A_479 : memref<6400xi32, #tpu.memory_space<hbm>>) target(%arg12 : memref<6400xi32, #tpu.memory_space<vmem>>) target_semaphore(%arg17 : memref<!tpu.dma_semaphore, #tpu.memory_space<semaphore_mem>>)
    %dma_wait3A_480 = arith.constant 0 : i32
    %dma_wait3A_481 = tpu.memref_slice %arg2[%dma_wait3A_480] : memref<3276800xi32, #tpu.memory_space<hbm>> -> memref<6400xi32, #tpu.memory_space<hbm>>
    %dma_wait3A_482 = arith.constant 0 : i32
    %dma_wait3A_483 = tpu.memref_slice %arg2[%dma_wait3A_482] : memref<3276800xi32, #tpu.memory_space<hbm>> -> memref<6400xi32, #tpu.memory_space<hbm>>
    tpu.wait_dma2 semaphore(%arg17 : memref<!tpu.dma_semaphore, #tpu.memory_space<semaphore_mem>>) src(%dma_wait3A_483 : memref<6400xi32, #tpu.memory_space<hbm>>) dst(%arg11 : memref<6400xi32, #tpu.memory_space<vmem>>)
    %dma_wait3A_484 = arith.constant 0 : i32
    %dma_wait3A_485 = tpu.memref_slice %arg3[%dma_wait3A_484] : memref<3276800xi32, #tpu.memory_space<hbm>> -> memref<6400xi32, #tpu.memory_space<hbm>>
    %dma_wait3A_486 = arith.constant 0 : i32
    %dma_wait3A_487 = tpu.memref_slice %arg3[%dma_wait3A_486] : memref<3276800xi32, #tpu.memory_space<hbm>> -> memref<6400xi32, #tpu.memory_space<hbm>>
    tpu.wait_dma2 semaphore(%arg17 : memref<!tpu.dma_semaphore, #tpu.memory_space<semaphore_mem>>) src(%dma_wait3A_487 : memref<6400xi32, #tpu.memory_space<hbm>>) dst(%arg12 : memref<6400xi32, #tpu.memory_space<vmem>>)
    %scan3A_488 = arith.constant 0 : i32
    %scan3A_489 = arith.constant 0 : i32
    %scan3A_490 = arith.constant 400 : i32
    %scan3A_491 = arith.addi %scan3A_489, %scan3A_490 : i32
    %scan3A_492 = arith.constant 1 : i32
    scf.for %scan3A_608 = %scan3A_489 to %scan3A_491 step %scan3A_492  : i32 {
      %mul3A_609 = arith.constant 16 : i32
      %mul3A_610 = arith.muli %scan3A_608, %mul3A_609 : i32
      %get3A = arith.index_cast %mul3A_610 : i32 to index
      %get3A_611 = tpu.vector_load %arg11[%get3A] {strides = array<i32>} : memref<6400xi32, #tpu.memory_space<vmem>>, vector<16xi32>,
      %mul3A_612 = arith.constant 8192 : i32
      %mul3A_613 = vector.broadcast %mul3A_612 : i32 to vector<16xi32>
      %mul3A_614 = arith.muli %get3A_611, %mul3A_613 : vector<16xi32>
      %get3A_615 = arith.index_cast %mul3A_610 : i32 to index
      %get3A_616 = tpu.vector_load %arg12[%get3A_615] {strides = array<i32>} : memref<6400xi32, #tpu.memory_space<vmem>>, vector<16xi32>,
      %add3A_617 = arith.addi %mul3A_614, %get3A_616 : vector<16xi32>
      %swap3A = arith.index_cast %mul3A_610 : i32 to index
      %swap3A_618 = tpu.vector_load %arg13[%swap3A] {strides = array<i32>} : memref<6400xi32, #tpu.memory_space<vmem>>, vector<16xi32>,
      tpu.vector_store %arg13[%swap3A], %add3A_617 {strides = array<i32>} : memref<6400xi32, #tpu.memory_space<vmem>>, vector<16xi32>,
    }
    %scan3A_493 = arith.constant 400 : i32
    %dma_wait3A_494 = arith.constant 0 : i32
    %dma_wait3A_495 = tpu.memref_slice %arg6[%dma_wait3A_494] : memref<3276800xf32, #tpu.memory_space<hbm>> -> memref<6400xf32, #tpu.memory_space<hbm>>
    %dma_wait3A_496 = arith.constant 0 : i32
    %dma_wait3A_497 = tpu.memref_slice %arg6[%dma_wait3A_496] : memref<3276800xf32, #tpu.memory_space<hbm>> -> memref<6400xf32, #tpu.memory_space<hbm>>
    tpu.wait_dma2 semaphore(%arg21 : memref<!tpu.dma_semaphore, #tpu.memory_space<semaphore_mem>>) src(%arg14 : memref<6400xf32, #tpu.memory_space<vmem>>) dst(%dma_wait3A_497 : memref<6400xf32, #tpu.memory_space<hbm>>)
    %dma_start3A_498 = arith.constant 0 : i32
    %dma_start3A_499 = tpu.memref_slice %arg5[%dma_start3A_498] : memref<67108864xf32, #tpu.memory_space<hbm>> -> memref<67108864xf32, #tpu.memory_space<hbm>>
    tpu.enqueue_indirect_dma source(%dma_start3A_499 : memref<67108864xf32, #tpu.memory_space<hbm>>) target(%arg14 : memref<6400xf32, #tpu.memory_space<vmem>>) offsets(%arg13 : memref<6400xi32, #tpu.memory_space<vmem>>) semaphore(%arg19 : memref<!tpu.dma_semaphore, #tpu.memory_space<semaphore_mem>>)
    %dma_wait3A_500 = arith.constant 0 : i32
    %dma_wait3A_501 = tpu.memref_slice %arg5[%dma_wait3A_500] : memref<67108864xf32, #tpu.memory_space<hbm>> -> memref<67108864xf32, #tpu.memory_space<hbm>>
    tpu.wait_indirect_dma semaphore(%arg18 : memref<!tpu.dma_semaphore, #tpu.memory_space<semaphore_mem>>) src(%dma_wait3A_501 : memref<67108864xf32, #tpu.memory_space<hbm>>) dst(%arg10 : memref<6400xf32, #tpu.memory_space<vmem>>)
    %scan3A_502 = arith.constant 0 : i32
    %scan3A_503 = arith.constant 0 : i32
    %scan3A_504 = arith.constant 400 : i32
    %scan3A_505 = arith.addi %scan3A_503, %scan3A_504 : i32
    %scan3A_506 = arith.constant 1 : i32
    scf.for %scan3A_608 = %scan3A_503 to %scan3A_505 step %scan3A_506  : i32 {
      %mul3A_609 = arith.constant 16 : i32
      %mul3A_610 = arith.muli %scan3A_608, %mul3A_609 : i32
      %get3A = arith.index_cast %mul3A_610 : i32 to index
      %get3A_611 = tpu.vector_load %arg10[%get3A] {strides = array<i32>} : memref<6400xf32, #tpu.memory_space<vmem>>, vector<16xf32>,
      %get3A_612 = arith.index_cast %mul3A_610 : i32 to index
      %get3A_613 = tpu.vector_load %arg7[%get3A_612] {strides = array<i32>} : memref<6400xi32, #tpu.memory_space<vmem>>, vector<16xi32>,
      %gather3A = tpu.vector_load_idx %arg15[%get3A_613] : memref<8192xf32, #tpu.memory_space<vmem>>[vector<16xi32>], vector<16xf32>,
      %add3A_614 = arith.addf %get3A_611, %gather3A : vector<16xf32>
      %swap3A = arith.index_cast %mul3A_610 : i32 to index
      %swap3A_615 = tpu.vector_load %arg10[%swap3A] {strides = array<i32>} : memref<6400xf32, #tpu.memory_space<vmem>>, vector<16xf32>,
      tpu.vector_store %arg10[%swap3A], %add3A_614 {strides = array<i32>} : memref<6400xf32, #tpu.memory_space<vmem>>, vector<16xf32>,
    }
    %scan3A_507 = arith.constant 400 : i32
    %add3A_508 = arith.constant 76800 : i32
    %add3A_509 = arith.addi %mul3A_2, %add3A_508 : i32
    %dma_start3A_510 = tpu.memref_slice %arg6[%add3A_509] : memref<3276800xf32, #tpu.memory_space<hbm>> -> memref<6400xf32, #tpu.memory_space<hbm>>
    %dma_start3A_511 = tpu.memref_slice %arg6[%add3A_509] : memref<3276800xf32, #tpu.memory_space<hbm>> -> memref<6400xf32, #tpu.memory_space<hbm>>
    tpu.enqueue_dma source(%arg10 : memref<6400xf32, #tpu.memory_space<vmem>>) target(%dma_start3A_511 : memref<6400xf32, #tpu.memory_space<hbm>>) target_semaphore(%arg20 : memref<!tpu.dma_semaphore, #tpu.memory_space<semaphore_mem>>)
    %add3A_512 = arith.constant 89600 : i32
    %add3A_513 = arith.addi %mul3A_2, %add3A_512 : i32
    %dma_start3A_514 = tpu.memref_slice %arg2[%add3A_513] : memref<3276800xi32, #tpu.memory_space<hbm>> -> memref<6400xi32, #tpu.memory_space<hbm>>
    %dma_start3A_515 = tpu.memref_slice %arg2[%add3A_513] : memref<3276800xi32, #tpu.memory_space<hbm>> -> memref<6400xi32, #tpu.memory_space<hbm>>
    tpu.enqueue_dma source(%dma_start3A_515 : memref<6400xi32, #tpu.memory_space<hbm>>) target(%arg7 : memref<6400xi32, #tpu.memory_space<vmem>>) target_semaphore(%arg16 : memref<!tpu.dma_semaphore, #tpu.memory_space<semaphore_mem>>)
    %dma_start3A_516 = tpu.memref_slice %arg3[%add3A_513] : memref<3276800xi32, #tpu.memory_space<hbm>> -> memref<6400xi32, #tpu.memory_space<hbm>>
    %dma_start3A_517 = tpu.memref_slice %arg3[%add3A_513] : memref<3276800xi32, #tpu.memory_space<hbm>> -> memref<6400xi32, #tpu.memory_space<hbm>>
    tpu.enqueue_dma source(%dma_start3A_517 : memref<6400xi32, #tpu.memory_space<hbm>>) target(%arg8 : memref<6400xi32, #tpu.memory_space<vmem>>) target_semaphore(%arg16 : memref<!tpu.dma_semaphore, #tpu.memory_space<semaphore_mem>>)
    %dma_wait3A_518 = arith.constant 0 : i32
    %dma_wait3A_519 = tpu.memref_slice %arg2[%dma_wait3A_518] : memref<3276800xi32, #tpu.memory_space<hbm>> -> memref<6400xi32, #tpu.memory_space<hbm>>
    %dma_wait3A_520 = arith.constant 0 : i32
    %dma_wait3A_521 = tpu.memref_slice %arg2[%dma_wait3A_520] : memref<3276800xi32, #tpu.memory_space<hbm>> -> memref<6400xi32, #tpu.memory_space<hbm>>
    tpu.wait_dma2 semaphore(%arg16 : memref<!tpu.dma_semaphore, #tpu.memory_space<semaphore_mem>>) src(%dma_wait3A_521 : memref<6400xi32, #tpu.memory_space<hbm>>) dst(%arg7 : memref<6400xi32, #tpu.memory_space<vmem>>)
    %dma_wait3A_522 = arith.constant 0 : i32
    %dma_wait3A_523 = tpu.memref_slice %arg3[%dma_wait3A_522] : memref<3276800xi32, #tpu.memory_space<hbm>> -> memref<6400xi32, #tpu.memory_space<hbm>>
    %dma_wait3A_524 = arith.constant 0 : i32
    %dma_wait3A_525 = tpu.memref_slice %arg3[%dma_wait3A_524] : memref<3276800xi32, #tpu.memory_space<hbm>> -> memref<6400xi32, #tpu.memory_space<hbm>>
    tpu.wait_dma2 semaphore(%arg16 : memref<!tpu.dma_semaphore, #tpu.memory_space<semaphore_mem>>) src(%dma_wait3A_525 : memref<6400xi32, #tpu.memory_space<hbm>>) dst(%arg8 : memref<6400xi32, #tpu.memory_space<vmem>>)
    %scan3A_526 = arith.constant 0 : i32
    %scan3A_527 = arith.constant 0 : i32
    %scan3A_528 = arith.constant 400 : i32
    %scan3A_529 = arith.addi %scan3A_527, %scan3A_528 : i32
    %scan3A_530 = arith.constant 1 : i32
    scf.for %scan3A_608 = %scan3A_527 to %scan3A_529 step %scan3A_530  : i32 {
      %mul3A_609 = arith.constant 16 : i32
      %mul3A_610 = arith.muli %scan3A_608, %mul3A_609 : i32
      %get3A = arith.index_cast %mul3A_610 : i32 to index
      %get3A_611 = tpu.vector_load %arg7[%get3A] {strides = array<i32>} : memref<6400xi32, #tpu.memory_space<vmem>>, vector<16xi32>,
      %mul3A_612 = arith.constant 8192 : i32
      %mul3A_613 = vector.broadcast %mul3A_612 : i32 to vector<16xi32>
      %mul3A_614 = arith.muli %get3A_611, %mul3A_613 : vector<16xi32>
      %get3A_615 = arith.index_cast %mul3A_610 : i32 to index
      %get3A_616 = tpu.vector_load %arg8[%get3A_615] {strides = array<i32>} : memref<6400xi32, #tpu.memory_space<vmem>>, vector<16xi32>,
      %add3A_617 = arith.addi %mul3A_614, %get3A_616 : vector<16xi32>
      %swap3A = arith.index_cast %mul3A_610 : i32 to index
      %swap3A_618 = tpu.vector_load %arg9[%swap3A] {strides = array<i32>} : memref<6400xi32, #tpu.memory_space<vmem>>, vector<16xi32>,
      tpu.vector_store %arg9[%swap3A], %add3A_617 {strides = array<i32>} : memref<6400xi32, #tpu.memory_space<vmem>>, vector<16xi32>,
    }
    %scan3A_531 = arith.constant 400 : i32
    %dma_wait3A_532 = arith.constant 0 : i32
    %dma_wait3A_533 = tpu.memref_slice %arg6[%dma_wait3A_532] : memref<3276800xf32, #tpu.memory_space<hbm>> -> memref<6400xf32, #tpu.memory_space<hbm>>
    %dma_wait3A_534 = arith.constant 0 : i32
    %dma_wait3A_535 = tpu.memref_slice %arg6[%dma_wait3A_534] : memref<3276800xf32, #tpu.memory_space<hbm>> -> memref<6400xf32, #tpu.memory_space<hbm>>
    tpu.wait_dma2 semaphore(%arg20 : memref<!tpu.dma_semaphore, #tpu.memory_space<semaphore_mem>>) src(%arg10 : memref<6400xf32, #tpu.memory_space<vmem>>) dst(%dma_wait3A_535 : memref<6400xf32, #tpu.memory_space<hbm>>)
    %dma_start3A_536 = arith.constant 0 : i32
    %dma_start3A_537 = tpu.memref_slice %arg5[%dma_start3A_536] : memref<67108864xf32, #tpu.memory_space<hbm>> -> memref<67108864xf32, #tpu.memory_space<hbm>>
    tpu.enqueue_indirect_dma source(%dma_start3A_537 : memref<67108864xf32, #tpu.memory_space<hbm>>) target(%arg10 : memref<6400xf32, #tpu.memory_space<vmem>>) offsets(%arg9 : memref<6400xi32, #tpu.memory_space<vmem>>) semaphore(%arg18 : memref<!tpu.dma_semaphore, #tpu.memory_space<semaphore_mem>>)
    %dma_wait3A_538 = arith.constant 0 : i32
    %dma_wait3A_539 = tpu.memref_slice %arg5[%dma_wait3A_538] : memref<67108864xf32, #tpu.memory_space<hbm>> -> memref<67108864xf32, #tpu.memory_space<hbm>>
    tpu.wait_indirect_dma semaphore(%arg19 : memref<!tpu.dma_semaphore, #tpu.memory_space<semaphore_mem>>) src(%dma_wait3A_539 : memref<67108864xf32, #tpu.memory_space<hbm>>) dst(%arg14 : memref<6400xf32, #tpu.memory_space<vmem>>)
    %scan3A_540 = arith.constant 0 : i32
    %scan3A_541 = arith.constant 0 : i32
    %scan3A_542 = arith.constant 400 : i32
    %scan3A_543 = arith.addi %scan3A_541, %scan3A_542 : i32
    %scan3A_544 = arith.constant 1 : i32
    scf.for %scan3A_608 = %scan3A_541 to %scan3A_543 step %scan3A_544  : i32 {
      %mul3A_609 = arith.constant 16 : i32
      %mul3A_610 = arith.muli %scan3A_608, %mul3A_609 : i32
      %get3A = arith.index_cast %mul3A_610 : i32 to index
      %get3A_611 = tpu.vector_load %arg14[%get3A] {strides = array<i32>} : memref<6400xf32, #tpu.memory_space<vmem>>, vector<16xf32>,
      %get3A_612 = arith.index_cast %mul3A_610 : i32 to index
      %get3A_613 = tpu.vector_load %arg11[%get3A_612] {strides = array<i32>} : memref<6400xi32, #tpu.memory_space<vmem>>, vector<16xi32>,
      %gather3A = tpu.vector_load_idx %arg15[%get3A_613] : memref<8192xf32, #tpu.memory_space<vmem>>[vector<16xi32>], vector<16xf32>,
      %add3A_614 = arith.addf %get3A_611, %gather3A : vector<16xf32>
      %swap3A = arith.index_cast %mul3A_610 : i32 to index
      %swap3A_615 = tpu.vector_load %arg14[%swap3A] {strides = array<i32>} : memref<6400xf32, #tpu.memory_space<vmem>>, vector<16xf32>,
      tpu.vector_store %arg14[%swap3A], %add3A_614 {strides = array<i32>} : memref<6400xf32, #tpu.memory_space<vmem>>, vector<16xf32>,
    }
    %scan3A_545 = arith.constant 400 : i32
    %add3A_546 = arith.constant 83200 : i32
    %add3A_547 = arith.addi %mul3A_2, %add3A_546 : i32
    %dma_start3A_548 = tpu.memref_slice %arg6[%add3A_547] : memref<3276800xf32, #tpu.memory_space<hbm>> -> memref<6400xf32, #tpu.memory_space<hbm>>
    %dma_start3A_549 = tpu.memref_slice %arg6[%add3A_547] : memref<3276800xf32, #tpu.memory_space<hbm>> -> memref<6400xf32, #tpu.memory_space<hbm>>
    tpu.enqueue_dma source(%arg14 : memref<6400xf32, #tpu.memory_space<vmem>>) target(%dma_start3A_549 : memref<6400xf32, #tpu.memory_space<hbm>>) target_semaphore(%arg21 : memref<!tpu.dma_semaphore, #tpu.memory_space<semaphore_mem>>)
    %add3A_550 = arith.constant 96000 : i32
    %add3A_551 = arith.addi %mul3A_2, %add3A_550 : i32
    %dma_start3A_552 = tpu.memref_slice %arg2[%add3A_551] : memref<3276800xi32, #tpu.memory_space<hbm>> -> memref<6400xi32, #tpu.memory_space<hbm>>
    %dma_start3A_553 = tpu.memref_slice %arg2[%add3A_551] : memref<3276800xi32, #tpu.memory_space<hbm>> -> memref<6400xi32, #tpu.memory_space<hbm>>
    tpu.enqueue_dma source(%dma_start3A_553 : memref<6400xi32, #tpu.memory_space<hbm>>) target(%arg11 : memref<6400xi32, #tpu.memory_space<vmem>>) target_semaphore(%arg17 : memref<!tpu.dma_semaphore, #tpu.memory_space<semaphore_mem>>)
    %dma_start3A_554 = tpu.memref_slice %arg3[%add3A_551] : memref<3276800xi32, #tpu.memory_space<hbm>> -> memref<6400xi32, #tpu.memory_space<hbm>>
    %dma_start3A_555 = tpu.memref_slice %arg3[%add3A_551] : memref<3276800xi32, #tpu.memory_space<hbm>> -> memref<6400xi32, #tpu.memory_space<hbm>>
    tpu.enqueue_dma source(%dma_start3A_555 : memref<6400xi32, #tpu.memory_space<hbm>>) target(%arg12 : memref<6400xi32, #tpu.memory_space<vmem>>) target_semaphore(%arg17 : memref<!tpu.dma_semaphore, #tpu.memory_space<semaphore_mem>>)
    %dma_wait3A_556 = arith.constant 0 : i32
    %dma_wait3A_557 = tpu.memref_slice %arg2[%dma_wait3A_556] : memref<3276800xi32, #tpu.memory_space<hbm>> -> memref<6400xi32, #tpu.memory_space<hbm>>
    %dma_wait3A_558 = arith.constant 0 : i32
    %dma_wait3A_559 = tpu.memref_slice %arg2[%dma_wait3A_558] : memref<3276800xi32, #tpu.memory_space<hbm>> -> memref<6400xi32, #tpu.memory_space<hbm>>
    tpu.wait_dma2 semaphore(%arg17 : memref<!tpu.dma_semaphore, #tpu.memory_space<semaphore_mem>>) src(%dma_wait3A_559 : memref<6400xi32, #tpu.memory_space<hbm>>) dst(%arg11 : memref<6400xi32, #tpu.memory_space<vmem>>)
    %dma_wait3A_560 = arith.constant 0 : i32
    %dma_wait3A_561 = tpu.memref_slice %arg3[%dma_wait3A_560] : memref<3276800xi32, #tpu.memory_space<hbm>> -> memref<6400xi32, #tpu.memory_space<hbm>>
    %dma_wait3A_562 = arith.constant 0 : i32
    %dma_wait3A_563 = tpu.memref_slice %arg3[%dma_wait3A_562] : memref<3276800xi32, #tpu.memory_space<hbm>> -> memref<6400xi32, #tpu.memory_space<hbm>>
    tpu.wait_dma2 semaphore(%arg17 : memref<!tpu.dma_semaphore, #tpu.memory_space<semaphore_mem>>) src(%dma_wait3A_563 : memref<6400xi32, #tpu.memory_space<hbm>>) dst(%arg12 : memref<6400xi32, #tpu.memory_space<vmem>>)
    %scan3A_564 = arith.constant 0 : i32
    %scan3A_565 = arith.constant 0 : i32
    %scan3A_566 = arith.constant 400 : i32
    %scan3A_567 = arith.addi %scan3A_565, %scan3A_566 : i32
    %scan3A_568 = arith.constant 1 : i32
    scf.for %scan3A_608 = %scan3A_565 to %scan3A_567 step %scan3A_568  : i32 {
      %mul3A_609 = arith.constant 16 : i32
      %mul3A_610 = arith.muli %scan3A_608, %mul3A_609 : i32
      %get3A = arith.index_cast %mul3A_610 : i32 to index
      %get3A_611 = tpu.vector_load %arg11[%get3A] {strides = array<i32>} : memref<6400xi32, #tpu.memory_space<vmem>>, vector<16xi32>,
      %mul3A_612 = arith.constant 8192 : i32
      %mul3A_613 = vector.broadcast %mul3A_612 : i32 to vector<16xi32>
      %mul3A_614 = arith.muli %get3A_611, %mul3A_613 : vector<16xi32>
      %get3A_615 = arith.index_cast %mul3A_610 : i32 to index
      %get3A_616 = tpu.vector_load %arg12[%get3A_615] {strides = array<i32>} : memref<6400xi32, #tpu.memory_space<vmem>>, vector<16xi32>,
      %add3A_617 = arith.addi %mul3A_614, %get3A_616 : vector<16xi32>
      %swap3A = arith.index_cast %mul3A_610 : i32 to index
      %swap3A_618 = tpu.vector_load %arg13[%swap3A] {strides = array<i32>} : memref<6400xi32, #tpu.memory_space<vmem>>, vector<16xi32>,
      tpu.vector_store %arg13[%swap3A], %add3A_617 {strides = array<i32>} : memref<6400xi32, #tpu.memory_space<vmem>>, vector<16xi32>,
    }
    %scan3A_569 = arith.constant 400 : i32
    %dma_wait3A_570 = arith.constant 0 : i32
    %dma_wait3A_571 = tpu.memref_slice %arg6[%dma_wait3A_570] : memref<3276800xf32, #tpu.memory_space<hbm>> -> memref<6400xf32, #tpu.memory_space<hbm>>
    %dma_wait3A_572 = arith.constant 0 : i32
    %dma_wait3A_573 = tpu.memref_slice %arg6[%dma_wait3A_572] : memref<3276800xf32, #tpu.memory_space<hbm>> -> memref<6400xf32, #tpu.memory_space<hbm>>
    tpu.wait_dma2 semaphore(%arg21 : memref<!tpu.dma_semaphore, #tpu.memory_space<semaphore_mem>>) src(%arg14 : memref<6400xf32, #tpu.memory_space<vmem>>) dst(%dma_wait3A_573 : memref<6400xf32, #tpu.memory_space<hbm>>)
    %dma_start3A_574 = arith.constant 0 : i32
    %dma_start3A_575 = tpu.memref_slice %arg5[%dma_start3A_574] : memref<67108864xf32, #tpu.memory_space<hbm>> -> memref<67108864xf32, #tpu.memory_space<hbm>>
    tpu.enqueue_indirect_dma source(%dma_start3A_575 : memref<67108864xf32, #tpu.memory_space<hbm>>) target(%arg14 : memref<6400xf32, #tpu.memory_space<vmem>>) offsets(%arg13 : memref<6400xi32, #tpu.memory_space<vmem>>) semaphore(%arg19 : memref<!tpu.dma_semaphore, #tpu.memory_space<semaphore_mem>>)
    %dma_wait3A_576 = arith.constant 0 : i32
    %dma_wait3A_577 = tpu.memref_slice %arg5[%dma_wait3A_576] : memref<67108864xf32, #tpu.memory_space<hbm>> -> memref<67108864xf32, #tpu.memory_space<hbm>>
    tpu.wait_indirect_dma semaphore(%arg18 : memref<!tpu.dma_semaphore, #tpu.memory_space<semaphore_mem>>) src(%dma_wait3A_577 : memref<67108864xf32, #tpu.memory_space<hbm>>) dst(%arg10 : memref<6400xf32, #tpu.memory_space<vmem>>)
    %scan3A_578 = arith.constant 0 : i32
    %scan3A_579 = arith.constant 0 : i32
    %scan3A_580 = arith.constant 400 : i32
    %scan3A_581 = arith.addi %scan3A_579, %scan3A_580 : i32
    %scan3A_582 = arith.constant 1 : i32
    scf.for %scan3A_608 = %scan3A_579 to %scan3A_581 step %scan3A_582  : i32 {
      %mul3A_609 = arith.constant 16 : i32
      %mul3A_610 = arith.muli %scan3A_608, %mul3A_609 : i32
      %get3A = arith.index_cast %mul3A_610 : i32 to index
      %get3A_611 = tpu.vector_load %arg10[%get3A] {strides = array<i32>} : memref<6400xf32, #tpu.memory_space<vmem>>, vector<16xf32>,
      %get3A_612 = arith.index_cast %mul3A_610 : i32 to index
      %get3A_613 = tpu.vector_load %arg7[%get3A_612] {strides = array<i32>} : memref<6400xi32, #tpu.memory_space<vmem>>, vector<16xi32>,
      %gather3A = tpu.vector_load_idx %arg15[%get3A_613] : memref<8192xf32, #tpu.memory_space<vmem>>[vector<16xi32>], vector<16xf32>,
      %add3A_614 = arith.addf %get3A_611, %gather3A : vector<16xf32>
      %swap3A = arith.index_cast %mul3A_610 : i32 to index
      %swap3A_615 = tpu.vector_load %arg10[%swap3A] {strides = array<i32>} : memref<6400xf32, #tpu.memory_space<vmem>>, vector<16xf32>,
      tpu.vector_store %arg10[%swap3A], %add3A_614 {strides = array<i32>} : memref<6400xf32, #tpu.memory_space<vmem>>, vector<16xf32>,
    }
    %scan3A_583 = arith.constant 400 : i32
    %add3A_584 = arith.constant 89600 : i32
    %add3A_585 = arith.addi %mul3A_2, %add3A_584 : i32
    %dma_start3A_586 = tpu.memref_slice %arg6[%add3A_585] : memref<3276800xf32, #tpu.memory_space<hbm>> -> memref<6400xf32, #tpu.memory_space<hbm>>
    %dma_start3A_587 = tpu.memref_slice %arg6[%add3A_585] : memref<3276800xf32, #tpu.memory_space<hbm>> -> memref<6400xf32, #tpu.memory_space<hbm>>
    tpu.enqueue_dma source(%arg10 : memref<6400xf32, #tpu.memory_space<vmem>>) target(%dma_start3A_587 : memref<6400xf32, #tpu.memory_space<hbm>>) target_semaphore(%arg20 : memref<!tpu.dma_semaphore, #tpu.memory_space<semaphore_mem>>)
    %dma_wait3A_588 = arith.constant 0 : i32
    %dma_wait3A_589 = tpu.memref_slice %arg5[%dma_wait3A_588] : memref<67108864xf32, #tpu.memory_space<hbm>> -> memref<67108864xf32, #tpu.memory_space<hbm>>
    tpu.wait_indirect_dma semaphore(%arg19 : memref<!tpu.dma_semaphore, #tpu.memory_space<semaphore_mem>>) src(%dma_wait3A_589 : memref<67108864xf32, #tpu.memory_space<hbm>>) dst(%arg14 : memref<6400xf32, #tpu.memory_space<vmem>>)
    %scan3A_590 = arith.constant 0 : i32
    %scan3A_591 = arith.constant 0 : i32
    %scan3A_592 = arith.constant 400 : i32
    %scan3A_593 = arith.addi %scan3A_591, %scan3A_592 : i32
    %scan3A_594 = arith.constant 1 : i32
    scf.for %scan3A_608 = %scan3A_591 to %scan3A_593 step %scan3A_594  : i32 {
      %mul3A_609 = arith.constant 16 : i32
      %mul3A_610 = arith.muli %scan3A_608, %mul3A_609 : i32
      %get3A = arith.index_cast %mul3A_610 : i32 to index
      %get3A_611 = tpu.vector_load %arg14[%get3A] {strides = array<i32>} : memref<6400xf32, #tpu.memory_space<vmem>>, vector<16xf32>,
      %get3A_612 = arith.index_cast %mul3A_610 : i32 to index
      %get3A_613 = tpu.vector_load %arg11[%get3A_612] {strides = array<i32>} : memref<6400xi32, #tpu.memory_space<vmem>>, vector<16xi32>,
      %gather3A = tpu.vector_load_idx %arg15[%get3A_613] : memref<8192xf32, #tpu.memory_space<vmem>>[vector<16xi32>], vector<16xf32>,
      %add3A_614 = arith.addf %get3A_611, %gather3A : vector<16xf32>
      %swap3A = arith.index_cast %mul3A_610 : i32 to index
      %swap3A_615 = tpu.vector_load %arg14[%swap3A] {strides = array<i32>} : memref<6400xf32, #tpu.memory_space<vmem>>, vector<16xf32>,
      tpu.vector_store %arg14[%swap3A], %add3A_614 {strides = array<i32>} : memref<6400xf32, #tpu.memory_space<vmem>>, vector<16xf32>,
    }
    %scan3A_595 = arith.constant 400 : i32
    %add3A_596 = arith.constant 96000 : i32
    %add3A_597 = arith.addi %mul3A_2, %add3A_596 : i32
    %dma_start3A_598 = tpu.memref_slice %arg6[%add3A_597] : memref<3276800xf32, #tpu.memory_space<hbm>> -> memref<6400xf32, #tpu.memory_space<hbm>>
    %dma_start3A_599 = tpu.memref_slice %arg6[%add3A_597] : memref<3276800xf32, #tpu.memory_space<hbm>> -> memref<6400xf32, #tpu.memory_space<hbm>>
    tpu.enqueue_dma source(%arg14 : memref<6400xf32, #tpu.memory_space<vmem>>) target(%dma_start3A_599 : memref<6400xf32, #tpu.memory_space<hbm>>) target_semaphore(%arg21 : memref<!tpu.dma_semaphore, #tpu.memory_space<semaphore_mem>>)
    %dma_wait3A_600 = arith.constant 0 : i32
    %dma_wait3A_601 = tpu.memref_slice %arg6[%dma_wait3A_600] : memref<3276800xf32, #tpu.memory_space<hbm>> -> memref<6400xf32, #tpu.memory_space<hbm>>
    %dma_wait3A_602 = arith.constant 0 : i32
    %dma_wait3A_603 = tpu.memref_slice %arg6[%dma_wait3A_602] : memref<3276800xf32, #tpu.memory_space<hbm>> -> memref<6400xf32, #tpu.memory_space<hbm>>
    tpu.wait_dma2 semaphore(%arg20 : memref<!tpu.dma_semaphore, #tpu.memory_space<semaphore_mem>>) src(%arg10 : memref<6400xf32, #tpu.memory_space<vmem>>) dst(%dma_wait3A_603 : memref<6400xf32, #tpu.memory_space<hbm>>)
    %dma_wait3A_604 = arith.constant 0 : i32
    %dma_wait3A_605 = tpu.memref_slice %arg6[%dma_wait3A_604] : memref<3276800xf32, #tpu.memory_space<hbm>> -> memref<6400xf32, #tpu.memory_space<hbm>>
    %dma_wait3A_606 = arith.constant 0 : i32
    %dma_wait3A_607 = tpu.memref_slice %arg6[%dma_wait3A_606] : memref<3276800xf32, #tpu.memory_space<hbm>> -> memref<6400xf32, #tpu.memory_space<hbm>>
    tpu.wait_dma2 semaphore(%arg21 : memref<!tpu.dma_semaphore, #tpu.memory_space<semaphore_mem>>) src(%arg14 : memref<6400xf32, #tpu.memory_space<vmem>>) dst(%dma_wait3A_607 : memref<6400xf32, #tpu.memory_space<hbm>>)
    return
  }
}

</mosaic_0001>

<sc_bundles>
// kernel: kernel.3.cloned.1.call-start
scs
__scs_entry_jumppad:
0x0: {  	(pc) =	sbr.rel $0x88, $3  }
0x1: {  	(tag) =	ssettag $0x0;
	lr =	simm.s32 $0x1  }
0x2: {  	[smem:$0x3F9D] =	sst lr;
	_ =	strace $0xD0000000  }
0x3: {  	_ = 	snop  }
0x4: {  	_ = 	snop  }
0x5: {  	_ = 	snop  }
0x6: {  	_ = 	snop  }
0x7: {  	_ = 	snop  }
__scs_overlays_trampoline_lowered:
0x8: {  	[smem:$0x3FAC] =	sst s0  }
0x9: {  	[smem:$0x3FAD] =	sst s1  }
0xa: {  	[smem:$0x3FAE] =	sst s2  }
0xb: {  	[smem:$0x3FAF] =	sst s3  }
0xc: {  	[smem:$0x3FB0] =	sst s4  }
0xd: {  	[smem:$0x3FB1] =	sst s5  }
0xe: {  	[smem:$0x3FB2] =	sst s6  }
0xf: {  	[smem:$0x3FB3] =	sst s7  }
0x10: {  	[smem:$0x3FB4] =	sst s8  }
0x11: {  	[smem:$0x3FB5] =	sst s9;
	s0 =	simm.s32 @!p0 $0x0  }
0x12: {  	s1 =	sld [smem:$0x3F9B];
	s0 =	simm.s32 @p0 $0x1  }
0x13: {  	[smem:$0x3FB6] =	sst s0;
	s0 =	simm.s32 @!p1 $0x0  }
0x14: {  	s2 =	sld [smem:$0x3F9A];
	s0 =	simm.s32 @p1 $0x1  }
0x15: {  	[smem:$0x3FB7] =	sst s0;
	s0 =	simm.s32 @!p2 $0x0  }
0x16: {  	s3 =	sld [smem:$0x3FDB];
	s0 =	simm.s32 @p2 $0x1  }
0x17: {  	s4 =	simm.s32 $0x1BF5;
	[smem:$0x3FB9] =	sst s0  }
0x18: {  	s0 =	sld [smem:$0x3F9C];
	_ =	swait.ge [sflag:s4], $0x0  }
0x19: {  	s7 =	sld [smem:$0x3F9D]  }
0x1a: {  	s8 =	sadd.s32 $0xFFFFE003, lr  }
0x1b: {  	s9 =	sadd.s32 $0xFFFFFEF7, lr;
	s5 =	simm.s32 $0xFFFFFFFF;
	p2 =	slt.u32 s8, $0xFFFFF086  }
0x1c: {  	p1 =	slt.u32 s9, $0xF7A;
	s5 =	simm.s32 @!p2 $0x0  }
0x1d: {  	s5 =	simm.s32 @p1 $0x1;
	p0 =	seq.s32 s7, s2  }
0x1e: {  	s7 =	smul.u32 @!p0 $0xF7A, s2;
	p2 =	seq.s32 @!p0 s5, $0x0  }
0x1f: {  	s9 =	smul.u32 $0xF7A, s1;
	s8 =	simm.s32 @!p0 $0x1BF5;
	p2 =	por !p2, p0  }
0x20: {  	[sflag:s8] =	ssyncset.s32 @!p0 $0xFFFFF086;
	s6 =	sadd.s32 @!p0 s3, s7;
	s7 =	simm.s32 @!p0 $0x108  }
0x21: {  	s3 =	sadd.s32 s3, s9;
	s6 =	sadd.s32 @!p0 $0x88, s6;
	s7 =	simm.s32 @p2 $0x1082  }
0x22: {  	[simem:s7], [sflag:s8] =	dma.local @!p0 [hbm:s6], $0xF7A  }
0x23: {  	s9 =	sor.u32 $0xD0000000, s2;
	s6 =	simm.s32 $0x108;
	_ =	swait.ge @!p0 [sflag:s8], $0x0  }
0x24: {  	s3 =	sadd.s32 $0x88, s3;
	s6 =	simm.s32 @!p1 $0x1082;
	[sflag:s4] =	ssyncset.s32 $0xFFFFF086  }
0x25: {  	[simem:s6], [sflag:s4] =	dma.local [hbm:s3], $0xF7A  }
0x26: {  	[smem:$0x3F9D] =	sst s1;
	(tag) =	ssettag s2;
	_ =	strace s9  }
0x27: {  	s1 =	sld [smem:$0x3FAD]  }
0x28: {  	s2 =	sld [smem:$0x3FAE]  }
0x29: {  	s4 =	sld [smem:$0x3FB0]  }
0x2a: {  	p0 =	seq.s32 s5, $0x0;
	s5 =	sld [smem:$0x3FB1]  }
0x2b: {  	s6 =	sld [smem:$0x3FB2]  }
0x2c: {  	s7 =	sld [smem:$0x3FB3]  }
0x2d: {  	s3 =	simm.s32 $0x108;
	s8 =	sld [smem:$0x3FB4]  }
0x2e: {  	s3 =	simm.s32 @!p0 $0x1082;
	s9 =	sld [smem:$0x3FB5]  }
0x2f: {  	lr =	sadd.s32 s0, s3;
	s0 =	sld [smem:$0x3FAC]  }
0x30: {  	s3 =	sld [smem:$0x3FAF]  }
0x31: {  	[smem:$0x3FB8] =	sst s10  }
0x32: {  	s10 =	sld [smem:$0x3FB6];
	_ =	sdelay $0x3  }
0x33: {  	p0 =	seq.s32 s10, $0x1;
	s10 =	sld [smem:$0x3FB8];
	_ =	sdelay $0x3  }
0x34: {  	[smem:$0x3FB8] =	sst s10  }
0x35: {  	s10 =	sld [smem:$0x3FB7];
	_ =	sdelay $0x3  }
0x36: {  	p1 =	seq.s32 s10, $0x1;
	s10 =	sld [smem:$0x3FB8];
	_ =	sdelay $0x3  }
0x37: {  	[smem:$0x3FB8] =	sst s10  }
0x38: {  	s10 =	sld [smem:$0x3FB9]  }
0x39: {  	_ = 	snop;
	(pc) =	sbr.ind lr, $3  }
0x3a: {  	_ = 	snop  }
0x3b: {  	_ = 	snop  }
0x3c: {  	p2 =	seq.s32 s10, $0x1;
	s10 =	sld [smem:$0x3FB8]  }
0x3d: {  	_ =	shalt  }
0x3e: {  	_ =	shalt  }
0x3f: {  	_ =	shalt  }
0x40: {  	_ =	shalt  }
0x41: {  	_ =	shalt  }
0x42: {  	_ =	shalt  }
0x43: {  	_ =	shalt  }
0x44: {  	_ =	shalt  }
0x45: {  	_ =	shalt  }
0x46: {  	_ =	shalt  }
0x47: {  	_ =	shalt  }
0x48: {  	_ =	shalt  }
0x49: {  	_ =	shalt  }
0x4a: {  	_ =	shalt  }
0x4b: {  	_ =	shalt  }
0x4c: {  	_ =	shalt  }
0x4d: {  	_ =	shalt  }
0x4e: {  	_ =	shalt  }
0x4f: {  	_ =	shalt  }
0x50: {  	_ =	shalt  }
0x51: {  	_ =	shalt  }
0x52: {  	_ =	shalt  }
0x53: {  	_ =	shalt  }
0x54: {  	_ =	shalt  }
0x55: {  	_ =	shalt  }
0x56: {  	_ =	shalt  }
0x57: {  	_ =	shalt  }
0x58: {  	_ =	shalt  }
0x59: {  	_ =	shalt  }
0x5a: {  	_ =	shalt  }
0x5b: {  	_ =	shalt  }
0x5c: {  	_ =	shalt  }
0x5d: {  	_ =	shalt  }
0x5e: {  	_ =	shalt  }
0x5f: {  	_ =	shalt  }
0x60: {  	_ =	shalt  }
0x61: {  	_ =	shalt  }
0x62: {  	_ =	shalt  }
0x63: {  	_ =	shalt  }
0x64: {  	_ =	shalt  }
0x65: {  	_ =	shalt  }
0x66: {  	_ =	shalt  }
0x67: {  	_ =	shalt  }
0x68: {  	_ =	shalt  }
0x69: {  	_ =	shalt  }
0x6a: {  	_ =	shalt  }
0x6b: {  	_ =	shalt  }
0x6c: {  	_ =	shalt  }
0x6d: {  	_ =	shalt  }
0x6e: {  	_ =	shalt  }
0x6f: {  	_ =	shalt  }
0x70: {  	_ =	shalt  }
0x71: {  	_ =	shalt  }
0x72: {  	_ =	shalt  }
0x73: {  	_ =	shalt  }
0x74: {  	_ =	shalt  }
0x75: {  	_ =	shalt  }
0x76: {  	_ =	shalt  }
0x77: {  	_ =	shalt  }
0x78: {  	_ =	shalt  }
0x79: {  	_ =	shalt  }
0x7a: {  	_ =	shalt  }
0x7b: {  	_ =	shalt  }
0x7c: {  	_ =	shalt  }
0x7d: {  	_ =	shalt  }
0x7e: {  	_ =	shalt  }
0x7f: {  	_ =	shalt  }
0x80: {  	_ =	shalt  }
0x81: {  	_ =	shalt  }
0x82: {  	_ =	shalt  }
0x83: {  	_ =	shalt  }
0x84: {  	_ =	shalt  }
0x85: {  	_ =	shalt  }
0x86: {  	_ =	shalt  }
0x87: {  	_ =	shalt  }
.Lfunc_end0:
.L_simem_size_0:
called_computation.1_lowered:
.L_overlay_start_0:
0x88: {  	s2 =	sld [smem:$0x3FD9]  }
0x89: {  	s3 =	sld [smem:$0x3FFE];
	_ =	sdelay $0x1  }
0x8a: {  	s1 =	srdreg.scid  }
0x8b: {  	s0 =	sand.u32 $0x1, s1  }
0x8c: {  	s17 =	sshll.u32 s0, $0xA;
	s2 =	sadd.s32 s3, s2  }
0x8d: {  	s2 =	sadd.s32 s2, s17  }
0x8e: {  	[smem:$0x3FC4] =	sst s2  }
0x8f: {  	_ = 	snop  }
0x90: {  	s2 =	sld [smem:$0x3FC7]  }
0x91: {  	s18 =	sld [smem:$0x3FD0];
	(tm) =	ssettm $0x1  }
0x92: {  	s4 =	sld [smem:$0x3FFB];
	_ =	sdelay $0x3  }
0x93: {  	_ =	strace s4  }
0x94: {  	s4 =	sld [smem:$0x3FFC];
	_ =	sdelay $0x3  }
0x95: {  	_ =	strace s4  }
0x96: {  	s4 =	sld [smem:$0x3FFD];
	_ =	sdelay $0x3  }
0x97: {  	_ =	strace s4  }
0x98: {  	_ =	strace $0x8FFFFFFF  }
0x99: {  	s19 =	sld [smem:$0x3FDB];
	_ =	sdelay $0x1  }
0x9a: {  	s5 =	simm.s32 $_scs_section_size  }
0x9b: {  	s6 =	simm.s32 $_size__tile_overlayer_lowered;
	s7 =	simm.s32 $_tile_overlayer_lowered  }
0x9c: {  	s22 =	simm.s32 $0x1BFF;
	s21 =	sshll.u32 s7, $0x1;
	s4 =	sadd.s32 s5, s19  }
0x9d: {  	s8 =	simm.s32 $0x0;
	s20 =	sshll.u32 s6, $0x1;
	s6 =	sadd.s32 s21, s4  }
0x9e: {  	[timem:s8], [sflag:s22] =	dma.local [hbm:s6], s20  }
0x9f: {  	_ =	swait.ge [sflag:s22], s20  }
0xa0: {  	s5 =	ssub.s32 $0x0, s20;
	[sflag:s22] =	ssyncset.done $0x0  }
0xa1: {  	[sflag:s22] =	ssyncadd.s32 s5;
	_ =	sdelay $0x1  }
0xa2: {  	s23 =	simm.s32 $0x1B8B  }
0xa3: {  	_ =	swait.ge [sflag:s23], $0x1  }
0xa4: {  	[sflag:s23] =	ssyncset.done $0x0  }
0xa5: {  	s25 =	simm.s32 $0x1B8E;
	s24 =	sld [smem:$0x3FFE];
	[sflag:s23] =	ssyncadd.s32 $0xFFFFFFFF  }
0xa6: {  	s26 =	simm.s32 $execute0_lowered;
	[smem:$0x3FD2] =	sst s25  }
0xa7: {  	s6 =	sshll.u32 s26, $0x1;
	_ =	strace $0x80000049;
	[dreg:$0x1] =	wrdreg $0xFFFFFFFF  }
0xa8: {  	s28 =	simm.s32 $_size_execute0_lowered;
	s4 =	sadd.s32 s4, s6;
	[dreg:$0x0] =	wrdreg $0x0  }
0xa9: {  	s6 =	sshll.u32 s28, $0x1;
	[dreg:$0x2] =	wrdreg s4  }
0xaa: {  	[dreg:$0x3] =	wrdreg s6  }
0xab: {  	[dreg:$0x4] =	wrdreg $0xC0  }
0xac: {  	_ =	task [dreg:s8], $0x5FFFF  }
0xad: {  	[dreg:$0x1] =	wrdreg $0xFFFFFFFF  }
0xae: {  	[dreg:$0x0] =	wrdreg $0x60  }
0xaf: {  	[dreg:$0x2] =	wrdreg s18  }
0xb0: {  	[dreg:$0x3] =	wrdreg s24  }
0xb1: {  	[dreg:$0x4] =	wrdreg s2  }
0xb2: {  	[dreg:$0x5] =	wrdreg $0x9  }
0xb3: {  	_ =	task.clear_ibuf [dreg:s8], $0x6FFFF;
	_ =	strace $0x90000049  }
0xb4: {  	s29 =	simm.s32 $0x9;
	_ =	strace $0x8000004B  }
0xb5: {  	_ =	swait.ge [sflag:s29], $0x1  }
0xb6: {  	[sflag:s29] =	ssyncadd.s32 $0xFFFFFFFF  }
0xb7: {  	_ =	strace $0x9000004B  }
0xb8: {  	_ =	sfence  }
0xb9: {  	s30 =	sld [smem:$0x0];
	_ =	sdelay $0x2  }
0xba: {  	s31 =	sshll.u32 s1, $0xD;
	s1 =	sshrl.u32 s1, $0x2  }
0xbb: {  	s3 =	sand.u32 $0x4000, s31;
	s1 =	sadd.s32 s1, s30  }
0xbc: {  	s0 =	sor.u32 s3, s0;
	s1 =	sshll.u32 s1, $0x11  }
0xbd: {  	s0 =	sor.u32 s1, s0  }
0xbe: {  	s0 =	sadd.s32 $0x8F2B, s0  }
0xbf: {  	[sflag:s0] =	ssyncadd.remote.s32 $0x1  }
0xc0: {  	_ =	sfence.sel $0xFFFF  }
0xc1: {  	[dreg:$0x0] =	wrdreg $0xFFFFFFFF;
	(pc) =	sbr.abs _section_cstart, $3  }
0xc2: {  	[dreg:$0x1] =	wrdreg $0xFFFFFFFF  }
0xc3: {  	_ =	task.clear_ibuf [dreg:s8], $0x2FFFF;
	_ =	strace $0x9FFFFFFF  }
0xc4: {  	(tm) =	ssettm $0x7FFFFFFF  }
0xc5: {  	_ =	shalt  }
tec
execute0_lowered:
.L_overlay_start_1:
0x0: {  	(tag) =	ssettag $0x1  }
0x1: {  	s0 =	srdreg.scid;
	s1 =	stileid.u32  }
0x2: {  	s4 =	sand.u32 $0x1, s0;
	s18 =	sshll.u32 s1, $0x1  }
0x3: {  	s3 =	sor.u32 s4, s18  }
0x4: {  	s5 =	smul.u32 $0x19000, s3;
	_ =	sdelay $0x1  }
0x5: {  	s2 =	rddreg [dreg:$0x0];
	s7 =	sshrl.u32 s5, $0x3  }
0x6: {  	s0 =	rddreg [dreg:$0x1];
	s1 =	simm.s32 $0x0;
	s8 =	sadd.s32 $0x320, s7  }
0x7: {  	[smem:$0x7FF] =	sst s1;
	s3 =	sadd.s32 $0x800C00, s0;
	s20 =	sadd.s32 s2, s8  }
0x8: {  	s21 =	sadd.s32 $0x640, s7;
	s9 =	sadd.s32 s3, s8;
	[dreg:$0x4] =	wrdreg s20  }
0x9: {  	s6 =	ssub.s32 $0x2, s4;
	s22 =	sadd.s32 s2, s21;
	[dreg:$0x5] =	wrdreg s9  }
0xa: {  	s4 =	sadd.s32 $0x864C00, s0;
	s10 =	sadd.s32 s3, s21;
	[dreg:$0x6] =	wrdreg s22  }
0xb: {  	s23 =	sadd.s32 $0x960, s7;
	s8 =	sadd.s32 s4, s8;
	[dreg:$0x7] =	wrdreg s10  }
0xc: {  	s19 =	sshrl.u32 s6, $0x1;
	s24 =	sadd.s32 s2, s23;
	[dreg:$0x8] =	wrdreg s8  }
0xd: {  	s5 =	ssub.s32 s6, s19;
	s25 =	sadd.s32 s3, s23;
	[dreg:$0x9] =	wrdreg s24  }
0xe: {  	s26 =	sadd.s32 $0xC80, s7;
	s6 =	sadd.s32 s4, s21;
	[dreg:$0xa] =	wrdreg s25  }
0xf: {  	s11 =	sadd.s32 s2, s26;
	[dreg:$0xb] =	wrdreg s6  }
0x10: {  	s13 =	sadd.s32 $0xFA0, s7;
	s12 =	sadd.s32 s3, s26;
	[dreg:$0xc] =	wrdreg s11  }
0x11: {  	s14 =	sadd.s32 s2, s13;
	[dreg:$0xd] =	wrdreg s12  }
0x12: {  	s15 =	sadd.s32 $0x12C0, s7;
	s16 =	sadd.s32 s3, s13;
	[dreg:$0xf] =	wrdreg s14  }
0x13: {  	s17 =	sadd.s32 s2, s15;
	[dreg:$0x10] =	wrdreg s16  }
0x14: {  	s18 =	sadd.s32 s3, s15;
	[dreg:$0x12] =	wrdreg s17  }
0x15: {  	s19 =	sadd.s32 s4, s13;
	[dreg:$0x13] =	wrdreg s18  }
0x16: {  	s21 =	sadd.s32 s4, s15;
	[dreg:$0x14] =	wrdreg s19  }
0x17: {  	s9 =	sadd.s32 s4, s23;
	[dreg:$0x15] =	wrdreg s21  }
0x18: {  	s6 =	sadd.s32 s4, s26;
	s20 =	sadd.s32 $0x15E0, s7;
	[dreg:$0xe] =	wrdreg s9  }
0x19: {  	[dreg:$0x11] =	wrdreg s6;
	s22 =	sadd.s32 s2, s20  }
0x1a: {  	s28 =	simm.s32 $0x4B00;
	s24 =	sadd.s32 s3, s20;
	[dreg:$0x16] =	wrdreg s22  }
0x1b: {  	s23 =	sadd.s32 $0x1900, s7;
	s6 =	sadd.s32 s4, s20;
	[dreg:$0x17] =	wrdreg s24  }
0x1c: {  	s29 =	simm.s32 $0x6400;
	s25 =	sadd.s32 s2, s23;
	[dreg:$0x18] =	wrdreg s6  }
0x1d: {  	s30 =	simm.s32 $0x7D00;
	s26 =	sadd.s32 s3, s23;
	[dreg:$0x19] =	wrdreg s25  }
0x1e: {  	s12 =	sadd.s32 $0x1F40, s7;
	s8 =	sadd.s32 s4, s23;
	[dreg:$0x1a] =	wrdreg s26  }
0x1f: {  	s31 =	simm.s32 $0x2;
	s13 =	sadd.s32 s2, s12;
	[dreg:$0x1b] =	wrdreg s8  }
0x20: {  	s14 =	sadd.s32 $0x2260, s7;
	s15 =	sadd.s32 s3, s12;
	[dreg:$0x1f] =	wrdreg s13  }
0x21: {  	s18 =	sadd.s32 $0x2580, s7;
	s16 =	sadd.s32 s2, s14;
	[smem:$0x7F2] =	sst s15  }
0x22: {  	s21 =	sadd.s32 $0x28A0, s7;
	s17 =	sadd.s32 s3, s14;
	[smem:$0x7F4] =	sst s16  }
0x23: {  	s9 =	sadd.s32 $0x1C20, s7;
	s19 =	sadd.s32 s2, s18;
	[smem:$0x7F5] =	sst s17  }
0x24: {  	s20 =	sadd.s32 s3, s18;
	s23 =	sadd.s32 s3, s21;
	[smem:$0x7F7] =	sst s19  }
0x25: {  	s10 =	sadd.s32 s2, s9;
	s11 =	sadd.s32 s3, s9;
	[smem:$0x7F8] =	sst s20  }
0x26: {  	s6 =	sadd.s32 s4, s9;
	s8 =	sadd.s32 s4, s12;
	[smem:$0x7FB] =	sst s23  }
0x27: {  	s22 =	sadd.s32 s2, s21;
	s24 =	sadd.s32 s4, s21;
	[dreg:$0x1c] =	wrdreg s10  }
0x28: {  	s25 =	sadd.s32 s2, s7;
	s12 =	sadd.s32 s3, s7;
	[dreg:$0x1d] =	wrdreg s11  }
0x29: {  	s13 =	sadd.s32 s4, s7;
	s26 =	sadd.s32 $0x2BC0, s7;
	[dreg:$0x1e] =	wrdreg s6  }
0x2a: {  	s7 =	sadd.s32 $0x2EE0, s7;
	s20 =	sadd.s32 $0xC00, s0;
	[smem:$0x7F3] =	sst s8  }
0x2b: {  	s21 =	smax.u32 s5, $0x1;
	s23 =	simm.s32 $0x7;
	[smem:$0x7FA] =	sst s22  }
0x2c: {  	s0 =	simm.s32 $0x9600;
	s5 =	simm.s32 $0x4;
	[smem:$0x7FC] =	sst s24  }
0x2d: {  	s6 =	sadd.s32 s4, s14;
	[smem:$0x7FD] =	sst s25;
	s14 =	sadd.s32 s2, s26  }
0x2e: {  	s15 =	sadd.s32 s2, s7;
	s16 =	sadd.s32 s3, s26;
	s17 =	sadd.s32 s3, s7  }
0x2f: {  	s19 =	sadd.s32 s4, s7;
	s22 =	simm.s32 $0xC800;
	s24 =	simm.s32 $0x1900  }
0x30: {  	s25 =	simm.s32 $0x1;
	s2 =	simm.s32 $0xAF00;
	s3 =	simm.s32 $0x3  }
0x31: {  	s7 =	simm.s32 $0x0;
	[smem:$0x7F6] =	sst s6;
	s6 =	sadd.s32 s4, s18  }
0x32: {  	s18 =	sadd.s32 s4, s26;
	s26 =	simm.s32 $0x3200;
	[smem:$0x7F9] =	sst s6  }
0x33: {  	s4 =	simm.s32 $0x5;
	s6 =	simm.s32 $0x6;
	_ =	strace $0x8000004A  }
.LBB2_1:
0x34: {  	s8 =	rddreg [dreg:$0x2]  }
0x35: {  	[tilespmem:s22], [sflag:$0x7] =	stream.linear.gather [hbm4b:s8+s1], $0x2000, $0x38;
	[tilespmem:$0xE800] =	vst v63  }
0x36: {  	_ =	swait.ge [sflag:s23], $0x2000  }
0x37: {  	s11 =	sld [smem:$0x7FD]  }
0x38: {  	[sflag:s23] =	ssyncset.done $0x0  }
0x39: {  	[sflag:s23] =	ssyncadd.s32 $0xFFFFE000  }
0x3a: {  	[tilespmem:s1], [sflag:$0x1] =	stream.linear.gather [hbm4b:s11+s1], $0x1900, $0x38;
	[tilespmem:$0xE800] =	vst v63  }
0x3b: {  	_ = 	snop  }
0x3c: {  	[tilespmem:s24], [sflag:$0x1] =	stream.linear.gather [hbm4b:s12+s1], $0x1900, $0x38;
	[tilespmem:$0xE800] =	vst v63  }
0x3d: {  	_ =	swait.ge [sflag:s25], $0x1900  }
0x3e: {  	[sflag:s25] =	ssyncset.done $0x0  }
0x3f: {  	[sflag:s25] =	ssyncadd.s32 $0xFFFFE700  }
0x40: {  	_ =	swait.ge [sflag:s25], $0x1900  }
0x41: {  	[sflag:s25] =	ssyncset.done $0x0  }
0x42: {  	s8 =	simm.s32 $0x0;
	[sflag:s25] =	ssyncadd.s32 $0xFFFFE700  }
0x43: {  	v0 =	vld [tilespmem:s8+$0x0]  }
0x44: {  	s9 =	simm.s32 $0x40;
	v1 =	vld [tilespmem:s8+$0x1900]  }
.LBB2_2:
0x45: {  	p0 =	sne.s32 s9, $0x63C0  }
.Ltmp0:
0x46: {  	_ = 	snop;
	(pc) =	sbr.rel @p0 .LBB2_2-.Ltmp0, $4  }
0x47: {  	_ = 	snop  }
0x48: {  	s10 =	sshra.s32 s9, $0x2;
	s9 =	sadd.s32 $0x40, s9;
	v2 =	vshll.u32 v0, $0xD  }
0x49: {  	v0 =	vld [tilespmem:s10+$0x0];
	v2 =	vadd.s32 v1, v2  }
0x4a: {  	v1 =	vld [tilespmem:s10+$0x1900];
	[tilespmem:s8+$0x3200] =	vst v2;
	s8 =	smov.u32 s10  }
0x4b: {  	_ =	sdelay $0x2  }
0x4c: {  	v0 =	vshll.u32 v0, $0xD  }
0x4d: {  	v0 =	vadd.s32 v1, v0  }
0x4e: {  	[tilespmem:s8+$0x3200] =	vst v0  }
0x4f: {  	[tilespmem:s28], [sflag:$0x3] =	stream.indirect.gather [hbm4b:s20+s24], $0x1, s26, s24, $0xb8;
	[tilespmem:$0xE800] =	vst v63  }
0x50: {  	s10 =	simm.s32 $0x0;
	s9 =	rddreg [dreg:$0x4]  }
0x51: {  	[tilespmem:s29], [sflag:$0x2] =	stream.linear.gather [hbm4b:s9+s10], $0x1900, $0x38;
	[tilespmem:$0xE800] =	vst v63  }
0x52: {  	s11 =	rddreg [dreg:$0x5]  }
0x53: {  	[tilespmem:s30], [sflag:$0x2] =	stream.linear.gather [hbm4b:s11+s10], $0x1900, $0x38;
	[tilespmem:$0xE800] =	vst v63  }
0x54: {  	_ =	swait.ge [sflag:s31], $0x1900  }
0x55: {  	[sflag:s31] =	ssyncset.done $0x0  }
0x56: {  	[sflag:s31] =	ssyncadd.s32 $0xFFFFE700  }
0x57: {  	_ =	swait.ge [sflag:s31], $0x1900  }
0x58: {  	[sflag:s31] =	ssyncset.done $0x0  }
0x59: {  	s8 =	simm.s32 $0x0;
	[sflag:s31] =	ssyncadd.s32 $0xFFFFE700  }
0x5a: {  	v0 =	vld [tilespmem:s8+$0x6400]  }
0x5b: {  	s9 =	simm.s32 $0x40;
	v1 =	vld [tilespmem:s8+$0x7D00]  }
.LBB2_4:
0x5c: {  	p0 =	sne.s32 s9, $0x63C0  }
.Ltmp1:
0x5d: {  	_ = 	snop;
	(pc) =	sbr.rel @p0 .LBB2_4-.Ltmp1, $4  }
0x5e: {  	_ = 	snop  }
0x5f: {  	s10 =	sshra.s32 s9, $0x2;
	s9 =	sadd.s32 $0x40, s9;
	v2 =	vshll.u32 v0, $0xD  }
0x60: {  	v0 =	vld [tilespmem:s10+$0x6400];
	v2 =	vadd.s32 v1, v2  }
0x61: {  	v1 =	vld [tilespmem:s10+$0x7D00];
	[tilespmem:s8+$0x9600] =	vst v2;
	s8 =	smov.u32 s10  }
0x62: {  	_ =	sdelay $0x2  }
0x63: {  	v0 =	vshll.u32 v0, $0xD  }
0x64: {  	v0 =	vadd.s32 v1, v0  }
0x65: {  	[tilespmem:s8+$0x9600] =	vst v0  }
0x66: {  	[tilespmem:s2], [sflag:$0x4] =	stream.indirect.gather [hbm4b:s20+s24], $0x1, s0, s24, $0xb8;
	[tilespmem:$0xE800] =	vst v63  }
0x67: {  	_ =	swait.ge [sflag:s3], $0x1900  }
0x68: {  	[sflag:s3] =	ssyncset.done $0x0  }
0x69: {  	s9 =	simm.s32 $0x0;
	[sflag:s3] =	ssyncadd.s32 $0xFFFFE700  }
0x6a: {  	v1 =	vld [tilespmem:s9+$0x0];
	_ =	sdelay $0x5  }
0x6b: {  	s8 =	simm.s32 $0x10  }
0x6c: {  	v0 =	vld [tilespmem:s8+$0x0]  }
0x6d: {  	s10 =	simm.s32 $0x80;
	v1 =	vld.idx.msk [tilespmem:v1+s22+$0x0], $0xffff  }
.LBB2_6:
0x6e: {  	p0 =	sne.s32 s10, $0x63C0;
	v2 =	vld [tilespmem:s9+$0x4B00];
	_ =	sdelay $0x2  }
0x6f: {  	v3 =	vmov v0  }
.Ltmp2:
0x70: {  	(pc) =	sbr.rel @p0 .LBB2_6-.Ltmp2, $4  }
0x71: {  	v1 =	vadd.f32 v1, v2  }
0x72: {  	s11 =	sshra.s32 s10, $0x2  }
0x73: {  	v0 =	vld [tilespmem:s11+$0x0];
	[tilespmem:s9+$0x4B00] =	vst v1;
	s9 =	smov.u32 s8;
	s8 =	smov.u32 s11  }
0x74: {  	s10 =	sadd.s32 $0x40, s10;
	v1 =	vld.idx.msk [tilespmem:v3+s22+$0x0], $0xffff  }
0x75: {  	v2 =	vld [tilespmem:s9+$0x4B00];
	_ =	sdelay $0x4  }
0x76: {  	v1 =	vadd.f32 v1, v2;
	_ =	sdelay $0x1  }
0x77: {  	[tilespmem:s9+$0x4B00] =	vst v1  }
0x78: {  	v0 =	vld.idx.msk [tilespmem:v0+s22+$0x0], $0xffff  }
0x79: {  	v1 =	vld [tilespmem:s8+$0x4B00];
	_ =	sdelay $0x4  }
0x7a: {  	v0 =	vadd.f32 v0, v1;
	_ =	sdelay $0x1  }
0x7b: {  	[tilespmem:s8+$0x4B00] =	vst v0;
	s8 =	simm.s32 $0x0  }
0x7c: {  	[hbm4b:s13+s8] =	stream.linear.scatter [tilespmem:s28], [sflag:$0x5], $0x1900, $0x38;
	[tilespmem:$0xE800] =	vst v63  }
0x7d: {  	s10 =	rddreg [dreg:$0x6]  }
0x7e: {  	[tilespmem:s8], [sflag:$0x1] =	stream.linear.gather [hbm4b:s10+s8], $0x1900, $0x38;
	[tilespmem:$0xE800] =	vst v63  }
0x7f: {  	s11 =	rddreg [dreg:$0x7]  }
0x80: {  	[tilespmem:s24], [sflag:$0x1] =	stream.linear.gather [hbm4b:s11+s8], $0x1900, $0x38;
	[tilespmem:$0xE800] =	vst v63  }
0x81: {  	_ =	swait.ge [sflag:s25], $0x1900  }
0x82: {  	[sflag:s25] =	ssyncset.done $0x0  }
0x83: {  	[sflag:s25] =	ssyncadd.s32 $0xFFFFE700  }
0x84: {  	_ =	swait.ge [sflag:s25], $0x1900  }
0x85: {  	[sflag:s25] =	ssyncset.done $0x0  }
0x86: {  	s8 =	simm.s32 $0x0;
	[sflag:s25] =	ssyncadd.s32 $0xFFFFE700  }
0x87: {  	v0 =	vld [tilespmem:s8+$0x0]  }
0x88: {  	s9 =	simm.s32 $0x40;
	v1 =	vld [tilespmem:s8+$0x1900]  }
.LBB2_8:
0x89: {  	p0 =	sne.s32 s9, $0x63C0  }
.Ltmp3:
0x8a: {  	_ = 	snop;
	(pc) =	sbr.rel @p0 .LBB2_8-.Ltmp3, $4  }
0x8b: {  	_ = 	snop  }
0x8c: {  	s10 =	sshra.s32 s9, $0x2;
	s9 =	sadd.s32 $0x40, s9;
	v2 =	vshll.u32 v0, $0xD  }
0x8d: {  	v0 =	vld [tilespmem:s10+$0x0];
	v2 =	vadd.s32 v1, v2  }
0x8e: {  	v1 =	vld [tilespmem:s10+$0x1900];
	[tilespmem:s8+$0x3200] =	vst v2;
	s8 =	smov.u32 s10  }
0x8f: {  	_ =	sdelay $0x2  }
0x90: {  	v0 =	vshll.u32 v0, $0xD  }
0x91: {  	v0 =	vadd.s32 v1, v0  }
0x92: {  	[tilespmem:s8+$0x3200] =	vst v0  }
0x93: {  	_ =	swait.ge [sflag:s4], $0x1900  }
0x94: {  	[sflag:s4] =	ssyncset.done $0x0  }
0x95: {  	[sflag:s4] =	ssyncadd.s32 $0xFFFFE700  }
0x96: {  	[tilespmem:s28], [sflag:$0x3] =	stream.indirect.gather [hbm4b:s20+s24], $0x1, s26, s24, $0xb8;
	[tilespmem:$0xE800] =	vst v63  }
0x97: {  	_ =	swait.ge [sflag:s5], $0x1900  }
0x98: {  	[sflag:s5] =	ssyncset.done $0x0  }
0x99: {  	s9 =	simm.s32 $0x0;
	[sflag:s5] =	ssyncadd.s32 $0xFFFFE700  }
0x9a: {  	v1 =	vld [tilespmem:s9+$0x6400];
	_ =	sdelay $0x5  }
0x9b: {  	s8 =	simm.s32 $0x10  }
0x9c: {  	v0 =	vld [tilespmem:s8+$0x6400]  }
0x9d: {  	s10 =	simm.s32 $0x80;
	v1 =	vld.idx.msk [tilespmem:v1+s22+$0x0], $0xffff  }
.LBB2_10:
0x9e: {  	p0 =	sne.s32 s10, $0x63C0;
	v2 =	vld [tilespmem:s9+$0xAF00];
	_ =	sdelay $0x2  }
0x9f: {  	v3 =	vmov v0  }
.Ltmp4:
0xa0: {  	(pc) =	sbr.rel @p0 .LBB2_10-.Ltmp4, $4  }
0xa1: {  	v1 =	vadd.f32 v1, v2  }
0xa2: {  	s11 =	sshra.s32 s10, $0x2  }
0xa3: {  	v0 =	vld [tilespmem:s11+$0x6400];
	[tilespmem:s9+$0xAF00] =	vst v1;
	s9 =	smov.u32 s8;
	s8 =	smov.u32 s11  }
0xa4: {  	s10 =	sadd.s32 $0x40, s10;
	v1 =	vld.idx.msk [tilespmem:v3+s22+$0x0], $0xffff  }
0xa5: {  	v2 =	vld [tilespmem:s9+$0xAF00];
	_ =	sdelay $0x4  }
0xa6: {  	v1 =	vadd.f32 v1, v2;
	_ =	sdelay $0x1  }
0xa7: {  	[tilespmem:s9+$0xAF00] =	vst v1  }
0xa8: {  	v0 =	vld.idx.msk [tilespmem:v0+s22+$0x0], $0xffff  }
0xa9: {  	v1 =	vld [tilespmem:s8+$0xAF00];
	_ =	sdelay $0x4  }
0xaa: {  	v0 =	vadd.f32 v0, v1;
	_ =	sdelay $0x1  }
0xab: {  	s11 =	rddreg [dreg:$0x8];
	[tilespmem:s8+$0xAF00] =	vst v0;
	s8 =	simm.s32 $0x0  }
0xac: {  	[hbm4b:s11+s8] =	stream.linear.scatter [tilespmem:s2], [sflag:$0x6], $0x1900, $0x38;
	[tilespmem:$0xE800] =	vst v63  }
0xad: {  	s10 =	rddreg [dreg:$0x9]  }
0xae: {  	[tilespmem:s29], [sflag:$0x2] =	stream.linear.gather [hbm4b:s10+s8], $0x1900, $0x38;
	[tilespmem:$0xE800] =	vst v63  }
0xaf: {  	s11 =	rddreg [dreg:$0xa]  }
0xb0: {  	[tilespmem:s30], [sflag:$0x2] =	stream.linear.gather [hbm4b:s11+s8], $0x1900, $0x38;
	[tilespmem:$0xE800] =	vst v63  }
0xb1: {  	_ =	swait.ge [sflag:s31], $0x1900  }
0xb2: {  	[sflag:s31] =	ssyncset.done $0x0  }
0xb3: {  	[sflag:s31] =	ssyncadd.s32 $0xFFFFE700  }
0xb4: {  	_ =	swait.ge [sflag:s31], $0x1900  }
0xb5: {  	[sflag:s31] =	ssyncset.done $0x0  }
0xb6: {  	s8 =	simm.s32 $0x0;
	[sflag:s31] =	ssyncadd.s32 $0xFFFFE700  }
0xb7: {  	v0 =	vld [tilespmem:s8+$0x6400]  }
0xb8: {  	s9 =	simm.s32 $0x40;
	v1 =	vld [tilespmem:s8+$0x7D00]  }
.LBB2_12:
0xb9: {  	p0 =	sne.s32 s9, $0x63C0  }
.Ltmp5:
0xba: {  	_ = 	snop;
	(pc) =	sbr.rel @p0 .LBB2_12-.Ltmp5, $4  }
0xbb: {  	_ = 	snop  }
0xbc: {  	s10 =	sshra.s32 s9, $0x2;
	s9 =	sadd.s32 $0x40, s9;
	v2 =	vshll.u32 v0, $0xD  }
0xbd: {  	v0 =	vld [tilespmem:s10+$0x6400];
	v2 =	vadd.s32 v1, v2  }
0xbe: {  	v1 =	vld [tilespmem:s10+$0x7D00];
	[tilespmem:s8+$0x9600] =	vst v2;
	s8 =	smov.u32 s10  }
0xbf: {  	_ =	sdelay $0x2  }
0xc0: {  	v0 =	vshll.u32 v0, $0xD  }
0xc1: {  	v0 =	vadd.s32 v1, v0  }
0xc2: {  	[tilespmem:s8+$0x9600] =	vst v0  }
0xc3: {  	_ =	swait.ge [sflag:s6], $0x1900  }
0xc4: {  	[sflag:s6] =	ssyncset.done $0x0  }
0xc5: {  	[sflag:s6] =	ssyncadd.s32 $0xFFFFE700  }
0xc6: {  	[tilespmem:s2], [sflag:$0x4] =	stream.indirect.gather [hbm4b:s20+s24], $0x1, s0, s24, $0xb8;
	[tilespmem:$0xE800] =	vst v63  }
0xc7: {  	_ =	swait.ge [sflag:s3], $0x1900  }
0xc8: {  	[sflag:s3] =	ssyncset.done $0x0  }
0xc9: {  	s9 =	simm.s32 $0x0;
	[sflag:s3] =	ssyncadd.s32 $0xFFFFE700  }
0xca: {  	v1 =	vld [tilespmem:s9+$0x0];
	_ =	sdelay $0x5  }
0xcb: {  	s8 =	simm.s32 $0x10  }
0xcc: {  	v0 =	vld [tilespmem:s8+$0x0]  }
0xcd: {  	s10 =	simm.s32 $0x80;
	v1 =	vld.idx.msk [tilespmem:v1+s22+$0x0], $0xffff  }
.LBB2_14:
0xce: {  	p0 =	sne.s32 s10, $0x63C0;
	v2 =	vld [tilespmem:s9+$0x4B00];
	_ =	sdelay $0x2  }
0xcf: {  	v3 =	vmov v0  }
.Ltmp6:
0xd0: {  	(pc) =	sbr.rel @p0 .LBB2_14-.Ltmp6, $4  }
0xd1: {  	v1 =	vadd.f32 v1, v2  }
0xd2: {  	s11 =	sshra.s32 s10, $0x2  }
0xd3: {  	v0 =	vld [tilespmem:s11+$0x0];
	[tilespmem:s9+$0x4B00] =	vst v1;
	s9 =	smov.u32 s8;
	s8 =	smov.u32 s11  }
0xd4: {  	s10 =	sadd.s32 $0x40, s10;
	v1 =	vld.idx.msk [tilespmem:v3+s22+$0x0], $0xffff  }
0xd5: {  	v2 =	vld [tilespmem:s9+$0x4B00];
	_ =	sdelay $0x4  }
0xd6: {  	v1 =	vadd.f32 v1, v2;
	_ =	sdelay $0x1  }
0xd7: {  	[tilespmem:s9+$0x4B00] =	vst v1  }
0xd8: {  	v0 =	vld.idx.msk [tilespmem:v0+s22+$0x0], $0xffff  }
0xd9: {  	v1 =	vld [tilespmem:s8+$0x4B00];
	_ =	sdelay $0x4  }
0xda: {  	v0 =	vadd.f32 v0, v1;
	_ =	sdelay $0x1  }
0xdb: {  	s11 =	rddreg [dreg:$0xb];
	[tilespmem:s8+$0x4B00] =	vst v0;
	s8 =	simm.s32 $0x0  }
0xdc: {  	[hbm4b:s11+s8] =	stream.linear.scatter [tilespmem:s28], [sflag:$0x5], $0x1900, $0x38;
	[tilespmem:$0xE800] =	vst v63  }
0xdd: {  	s10 =	rddreg [dreg:$0xc]  }
0xde: {  	[tilespmem:s8], [sflag:$0x1] =	stream.linear.gather [hbm4b:s10+s8], $0x1900, $0x38;
	[tilespmem:$0xE800] =	vst v63  }
0xdf: {  	s11 =	rddreg [dreg:$0xd]  }
0xe0: {  	[tilespmem:s24], [sflag:$0x1] =	stream.linear.gather [hbm4b:s11+s8], $0x1900, $0x38;
	[tilespmem:$0xE800] =	vst v63  }
0xe1: {  	_ =	swait.ge [sflag:s25], $0x1900  }
0xe2: {  	[sflag:s25] =	ssyncset.done $0x0  }
0xe3: {  	[sflag:s25] =	ssyncadd.s32 $0xFFFFE700  }
0xe4: {  	_ =	swait.ge [sflag:s25], $0x1900  }
0xe5: {  	[sflag:s25] =	ssyncset.done $0x0  }
0xe6: {  	s8 =	simm.s32 $0x0;
	[sflag:s25] =	ssyncadd.s32 $0xFFFFE700  }
0xe7: {  	v0 =	vld [tilespmem:s8+$0x0]  }
0xe8: {  	s9 =	simm.s32 $0x40;
	v1 =	vld [tilespmem:s8+$0x1900]  }
.LBB2_16:
0xe9: {  	p0 =	sne.s32 s9, $0x63C0  }
.Ltmp7:
0xea: {  	_ = 	snop;
	(pc) =	sbr.rel @p0 .LBB2_16-.Ltmp7, $4  }
0xeb: {  	_ = 	snop  }
0xec: {  	s10 =	sshra.s32 s9, $0x2;
	s9 =	sadd.s32 $0x40, s9;
	v2 =	vshll.u32 v0, $0xD  }
0xed: {  	v0 =	vld [tilespmem:s10+$0x0];
	v2 =	vadd.s32 v1, v2  }
0xee: {  	v1 =	vld [tilespmem:s10+$0x1900];
	[tilespmem:s8+$0x3200] =	vst v2;
	s8 =	smov.u32 s10  }
0xef: {  	_ =	sdelay $0x2  }
0xf0: {  	v0 =	vshll.u32 v0, $0xD  }
0xf1: {  	v0 =	vadd.s32 v1, v0  }
0xf2: {  	[tilespmem:s8+$0x3200] =	vst v0  }
0xf3: {  	_ =	swait.ge [sflag:s4], $0x1900  }
0xf4: {  	[sflag:s4] =	ssyncset.done $0x0  }
0xf5: {  	[sflag:s4] =	ssyncadd.s32 $0xFFFFE700  }
0xf6: {  	[tilespmem:s28], [sflag:$0x3] =	stream.indirect.gather [hbm4b:s20+s24], $0x1, s26, s24, $0xb8;
	[tilespmem:$0xE800] =	vst v63  }
0xf7: {  	_ =	swait.ge [sflag:s5], $0x1900  }
0xf8: {  	[sflag:s5] =	ssyncset.done $0x0  }
0xf9: {  	s9 =	simm.s32 $0x0;
	[sflag:s5] =	ssyncadd.s32 $0xFFFFE700  }
0xfa: {  	v1 =	vld [tilespmem:s9+$0x6400];
	_ =	sdelay $0x5  }
0xfb: {  	s8 =	simm.s32 $0x10  }
0xfc: {  	v0 =	vld [tilespmem:s8+$0x6400]  }
0xfd: {  	s10 =	simm.s32 $0x80;
	v1 =	vld.idx.msk [tilespmem:v1+s22+$0x0], $0xffff  }
.LBB2_18:
0xfe: {  	p0 =	sne.s32 s10, $0x63C0;
	v2 =	vld [tilespmem:s9+$0xAF00];
	_ =	sdelay $0x2  }
0xff: {  	v3 =	vmov v0  }
.Ltmp8:
0x100: {  	(pc) =	sbr.rel @p0 .LBB2_18-.Ltmp8, $4  }
0x101: {  	v1 =	vadd.f32 v1, v2  }
0x102: {  	s11 =	sshra.s32 s10, $0x2  }
0x103: {  	v0 =	vld [tilespmem:s11+$0x6400];
	[tilespmem:s9+$0xAF00] =	vst v1;
	s9 =	smov.u32 s8;
	s8 =	smov.u32 s11  }
0x104: {  	s10 =	sadd.s32 $0x40, s10;
	v1 =	vld.idx.msk [tilespmem:v3+s22+$0x0], $0xffff  }
0x105: {  	v2 =	vld [tilespmem:s9+$0xAF00];
	_ =	sdelay $0x4  }
0x106: {  	v1 =	vadd.f32 v1, v2;
	_ =	sdelay $0x1  }
0x107: {  	[tilespmem:s9+$0xAF00] =	vst v1  }
0x108: {  	v0 =	vld.idx.msk [tilespmem:v0+s22+$0x0], $0xffff  }
0x109: {  	v1 =	vld [tilespmem:s8+$0xAF00];
	_ =	sdelay $0x4  }
0x10a: {  	v0 =	vadd.f32 v0, v1;
	_ =	sdelay $0x1  }
0x10b: {  	s11 =	rddreg [dreg:$0xe];
	[tilespmem:s8+$0xAF00] =	vst v0;
	s8 =	simm.s32 $0x0  }
0x10c: {  	[hbm4b:s11+s8] =	stream.linear.scatter [tilespmem:s2], [sflag:$0x6], $0x1900, $0x38;
	[tilespmem:$0xE800] =	vst v63  }
0x10d: {  	s10 =	rddreg [dreg:$0xf]  }
0x10e: {  	[tilespmem:s29], [sflag:$0x2] =	stream.linear.gather [hbm4b:s10+s8], $0x1900, $0x38;
	[tilespmem:$0xE800] =	vst v63  }
0x10f: {  	s11 =	rddreg [dreg:$0x10]  }
0x110: {  	[tilespmem:s30], [sflag:$0x2] =	stream.linear.gather [hbm4b:s11+s8], $0x1900, $0x38;
	[tilespmem:$0xE800] =	vst v63  }
0x111: {  	_ =	swait.ge [sflag:s31], $0x1900  }
0x112: {  	[sflag:s31] =	ssyncset.done $0x0  }
0x113: {  	[sflag:s31] =	ssyncadd.s32 $0xFFFFE700  }
0x114: {  	_ =	swait.ge [sflag:s31], $0x1900  }
0x115: {  	[sflag:s31] =	ssyncset.done $0x0  }
0x116: {  	s8 =	simm.s32 $0x0;
	[sflag:s31] =	ssyncadd.s32 $0xFFFFE700  }
0x117: {  	v0 =	vld [tilespmem:s8+$0x6400]  }
0x118: {  	s9 =	simm.s32 $0x40;
	v1 =	vld [tilespmem:s8+$0x7D00]  }
.LBB2_20:
0x119: {  	p0 =	sne.s32 s9, $0x63C0  }
.Ltmp9:
0x11a: {  	_ = 	snop;
	(pc) =	sbr.rel @p0 .LBB2_20-.Ltmp9, $4  }
0x11b: {  	_ = 	snop  }
0x11c: {  	s10 =	sshra.s32 s9, $0x2;
	s9 =	sadd.s32 $0x40, s9;
	v2 =	vshll.u32 v0, $0xD  }
0x11d: {  	v0 =	vld [tilespmem:s10+$0x6400];
	v2 =	vadd.s32 v1, v2  }
0x11e: {  	v1 =	vld [tilespmem:s10+$0x7D00];
	[tilespmem:s8+$0x9600] =	vst v2;
	s8 =	smov.u32 s10  }
0x11f: {  	_ =	sdelay $0x2  }
0x120: {  	v0 =	vshll.u32 v0, $0xD  }
0x121: {  	v0 =	vadd.s32 v1, v0  }
0x122: {  	[tilespmem:s8+$0x9600] =	vst v0  }
0x123: {  	_ =	swait.ge [sflag:s6], $0x1900  }
0x124: {  	[sflag:s6] =	ssyncset.done $0x0  }
0x125: {  	[sflag:s6] =	ssyncadd.s32 $0xFFFFE700  }
0x126: {  	[tilespmem:s2], [sflag:$0x4] =	stream.indirect.gather [hbm4b:s20+s24], $0x1, s0, s24, $0xb8;
	[tilespmem:$0xE800] =	vst v63  }
0x127: {  	_ =	swait.ge [sflag:s3], $0x1900  }
0x128: {  	[sflag:s3] =	ssyncset.done $0x0  }
0x129: {  	s9 =	simm.s32 $0x0;
	[sflag:s3] =	ssyncadd.s32 $0xFFFFE700  }
0x12a: {  	v1 =	vld [tilespmem:s9+$0x0];
	_ =	sdelay $0x5  }
0x12b: {  	s8 =	simm.s32 $0x10  }
0x12c: {  	v0 =	vld [tilespmem:s8+$0x0]  }
0x12d: {  	s10 =	simm.s32 $0x80;
	v1 =	vld.idx.msk [tilespmem:v1+s22+$0x0], $0xffff  }
.LBB2_22:
0x12e: {  	p0 =	sne.s32 s10, $0x63C0;
	v2 =	vld [tilespmem:s9+$0x4B00];
	_ =	sdelay $0x2  }
0x12f: {  	v3 =	vmov v0  }
.Ltmp10:
0x130: {  	(pc) =	sbr.rel @p0 .LBB2_22-.Ltmp10, $4  }
0x131: {  	v1 =	vadd.f32 v1, v2  }
0x132: {  	s11 =	sshra.s32 s10, $0x2  }
0x133: {  	v0 =	vld [tilespmem:s11+$0x0];
	[tilespmem:s9+$0x4B00] =	vst v1;
	s9 =	smov.u32 s8;
	s8 =	smov.u32 s11  }
0x134: {  	s10 =	sadd.s32 $0x40, s10;
	v1 =	vld.idx.msk [tilespmem:v3+s22+$0x0], $0xffff  }
0x135: {  	v2 =	vld [tilespmem:s9+$0x4B00];
	_ =	sdelay $0x4  }
0x136: {  	v1 =	vadd.f32 v1, v2;
	_ =	sdelay $0x1  }
0x137: {  	[tilespmem:s9+$0x4B00] =	vst v1  }
0x138: {  	v0 =	vld.idx.msk [tilespmem:v0+s22+$0x0], $0xffff  }
0x139: {  	v1 =	vld [tilespmem:s8+$0x4B00];
	_ =	sdelay $0x4  }
0x13a: {  	v0 =	vadd.f32 v0, v1;
	_ =	sdelay $0x1  }
0x13b: {  	s11 =	rddreg [dreg:$0x11];
	[tilespmem:s8+$0x4B00] =	vst v0;
	s8 =	simm.s32 $0x0  }
0x13c: {  	[hbm4b:s11+s8] =	stream.linear.scatter [tilespmem:s28], [sflag:$0x5], $0x1900, $0x38;
	[tilespmem:$0xE800] =	vst v63  }
0x13d: {  	s10 =	rddreg [dreg:$0x12]  }
0x13e: {  	[tilespmem:s8], [sflag:$0x1] =	stream.linear.gather [hbm4b:s10+s8], $0x1900, $0x38;
	[tilespmem:$0xE800] =	vst v63  }
0x13f: {  	s11 =	rddreg [dreg:$0x13]  }
0x140: {  	[tilespmem:s24], [sflag:$0x1] =	stream.linear.gather [hbm4b:s11+s8], $0x1900, $0x38;
	[tilespmem:$0xE800] =	vst v63  }
0x141: {  	_ =	swait.ge [sflag:s25], $0x1900  }
0x142: {  	[sflag:s25] =	ssyncset.done $0x0  }
0x143: {  	[sflag:s25] =	ssyncadd.s32 $0xFFFFE700  }
0x144: {  	_ =	swait.ge [sflag:s25], $0x1900  }
0x145: {  	[sflag:s25] =	ssyncset.done $0x0  }
0x146: {  	s8 =	simm.s32 $0x0;
	[sflag:s25] =	ssyncadd.s32 $0xFFFFE700  }
0x147: {  	v0 =	vld [tilespmem:s8+$0x0]  }
0x148: {  	s9 =	simm.s32 $0x40;
	v1 =	vld [tilespmem:s8+$0x1900]  }
.LBB2_24:
0x149: {  	p0 =	sne.s32 s9, $0x63C0  }
.Ltmp11:
0x14a: {  	_ = 	snop;
	(pc) =	sbr.rel @p0 .LBB2_24-.Ltmp11, $4  }
0x14b: {  	_ = 	snop  }
0x14c: {  	s10 =	sshra.s32 s9, $0x2;
	s9 =	sadd.s32 $0x40, s9;
	v2 =	vshll.u32 v0, $0xD  }
0x14d: {  	v0 =	vld [tilespmem:s10+$0x0];
	v2 =	vadd.s32 v1, v2  }
0x14e: {  	v1 =	vld [tilespmem:s10+$0x1900];
	[tilespmem:s8+$0x3200] =	vst v2;
	s8 =	smov.u32 s10  }
0x14f: {  	_ =	sdelay $0x2  }
0x150: {  	v0 =	vshll.u32 v0, $0xD  }
0x151: {  	v0 =	vadd.s32 v1, v0  }
0x152: {  	[tilespmem:s8+$0x3200] =	vst v0  }
0x153: {  	_ =	swait.ge [sflag:s4], $0x1900  }
0x154: {  	[sflag:s4] =	ssyncset.done $0x0  }
0x155: {  	[sflag:s4] =	ssyncadd.s32 $0xFFFFE700  }
0x156: {  	[tilespmem:s28], [sflag:$0x3] =	stream.indirect.gather [hbm4b:s20+s24], $0x1, s26, s24, $0xb8;
	[tilespmem:$0xE800] =	vst v63  }
0x157: {  	_ =	swait.ge [sflag:s5], $0x1900  }
0x158: {  	[sflag:s5] =	ssyncset.done $0x0  }
0x159: {  	s9 =	simm.s32 $0x0;
	[sflag:s5] =	ssyncadd.s32 $0xFFFFE700  }
0x15a: {  	v1 =	vld [tilespmem:s9+$0x6400];
	_ =	sdelay $0x5  }
0x15b: {  	s8 =	simm.s32 $0x10  }
0x15c: {  	v0 =	vld [tilespmem:s8+$0x6400]  }
0x15d: {  	s10 =	simm.s32 $0x80;
	v1 =	vld.idx.msk [tilespmem:v1+s22+$0x0], $0xffff  }
.LBB2_26:
0x15e: {  	p0 =	sne.s32 s10, $0x63C0;
	v2 =	vld [tilespmem:s9+$0xAF00];
	_ =	sdelay $0x2  }
0x15f: {  	v3 =	vmov v0  }
.Ltmp12:
0x160: {  	(pc) =	sbr.rel @p0 .LBB2_26-.Ltmp12, $4  }
0x161: {  	v1 =	vadd.f32 v1, v2  }
0x162: {  	s11 =	sshra.s32 s10, $0x2  }
0x163: {  	v0 =	vld [tilespmem:s11+$0x6400];
	[tilespmem:s9+$0xAF00] =	vst v1;
	s9 =	smov.u32 s8;
	s8 =	smov.u32 s11  }
0x164: {  	s10 =	sadd.s32 $0x40, s10;
	v1 =	vld.idx.msk [tilespmem:v3+s22+$0x0], $0xffff  }
0x165: {  	v2 =	vld [tilespmem:s9+$0xAF00];
	_ =	sdelay $0x4  }
0x166: {  	v1 =	vadd.f32 v1, v2;
	_ =	sdelay $0x1  }
0x167: {  	[tilespmem:s9+$0xAF00] =	vst v1  }
0x168: {  	v0 =	vld.idx.msk [tilespmem:v0+s22+$0x0], $0xffff  }
0x169: {  	v1 =	vld [tilespmem:s8+$0xAF00];
	_ =	sdelay $0x4  }
0x16a: {  	v0 =	vadd.f32 v0, v1;
	_ =	sdelay $0x1  }
0x16b: {  	s11 =	rddreg [dreg:$0x14];
	[tilespmem:s8+$0xAF00] =	vst v0;
	s8 =	simm.s32 $0x0  }
0x16c: {  	[hbm4b:s11+s8] =	stream.linear.scatter [tilespmem:s2], [sflag:$0x6], $0x1900, $0x38;
	[tilespmem:$0xE800] =	vst v63  }
0x16d: {  	s10 =	rddreg [dreg:$0x16]  }
0x16e: {  	[tilespmem:s29], [sflag:$0x2] =	stream.linear.gather [hbm4b:s10+s8], $0x1900, $0x38;
	[tilespmem:$0xE800] =	vst v63  }
0x16f: {  	s11 =	rddreg [dreg:$0x17]  }
0x170: {  	[tilespmem:s30], [sflag:$0x2] =	stream.linear.gather [hbm4b:s11+s8], $0x1900, $0x38;
	[tilespmem:$0xE800] =	vst v63  }
0x171: {  	_ =	swait.ge [sflag:s31], $0x1900  }
0x172: {  	[sflag:s31] =	ssyncset.done $0x0  }
0x173: {  	[sflag:s31] =	ssyncadd.s32 $0xFFFFE700  }
0x174: {  	_ =	swait.ge [sflag:s31], $0x1900  }
0x175: {  	[sflag:s31] =	ssyncset.done $0x0  }
0x176: {  	s8 =	simm.s32 $0x0;
	[sflag:s31] =	ssyncadd.s32 $0xFFFFE700  }
0x177: {  	v0 =	vld [tilespmem:s8+$0x6400]  }
0x178: {  	s9 =	simm.s32 $0x40;
	v1 =	vld [tilespmem:s8+$0x7D00]  }
.LBB2_28:
0x179: {  	p0 =	sne.s32 s9, $0x63C0  }
.Ltmp13:
0x17a: {  	_ = 	snop;
	(pc) =	sbr.rel @p0 .LBB2_28-.Ltmp13, $4  }
0x17b: {  	_ = 	snop  }
0x17c: {  	s10 =	sshra.s32 s9, $0x2;
	s9 =	sadd.s32 $0x40, s9;
	v2 =	vshll.u32 v0, $0xD  }
0x17d: {  	v0 =	vld [tilespmem:s10+$0x6400];
	v2 =	vadd.s32 v1, v2  }
0x17e: {  	v1 =	vld [tilespmem:s10+$0x7D00];
	[tilespmem:s8+$0x9600] =	vst v2;
	s8 =	smov.u32 s10  }
0x17f: {  	_ =	sdelay $0x2  }
0x180: {  	v0 =	vshll.u32 v0, $0xD  }
0x181: {  	v0 =	vadd.s32 v1, v0  }
0x182: {  	[tilespmem:s8+$0x9600] =	vst v0  }
0x183: {  	_ =	swait.ge [sflag:s6], $0x1900  }
0x184: {  	[sflag:s6] =	ssyncset.done $0x0  }
0x185: {  	[sflag:s6] =	ssyncadd.s32 $0xFFFFE700  }
0x186: {  	[tilespmem:s2], [sflag:$0x4] =	stream.indirect.gather [hbm4b:s20+s24], $0x1, s0, s24, $0xb8;
	[tilespmem:$0xE800] =	vst v63  }
0x187: {  	_ =	swait.ge [sflag:s3], $0x1900  }
0x188: {  	[sflag:s3] =	ssyncset.done $0x0  }
0x189: {  	s9 =	simm.s32 $0x0;
	[sflag:s3] =	ssyncadd.s32 $0xFFFFE700  }
0x18a: {  	v1 =	vld [tilespmem:s9+$0x0];
	_ =	sdelay $0x5  }
0x18b: {  	s8 =	simm.s32 $0x10  }
0x18c: {  	v0 =	vld [tilespmem:s8+$0x0]  }
0x18d: {  	s10 =	simm.s32 $0x80;
	v1 =	vld.idx.msk [tilespmem:v1+s22+$0x0], $0xffff  }
.LBB2_30:
0x18e: {  	p0 =	sne.s32 s10, $0x63C0;
	v2 =	vld [tilespmem:s9+$0x4B00];
	_ =	sdelay $0x2  }
0x18f: {  	v3 =	vmov v0  }
.Ltmp14:
0x190: {  	(pc) =	sbr.rel @p0 .LBB2_30-.Ltmp14, $4  }
0x191: {  	v1 =	vadd.f32 v1, v2  }
0x192: {  	s11 =	sshra.s32 s10, $0x2  }
0x193: {  	v0 =	vld [tilespmem:s11+$0x0];
	[tilespmem:s9+$0x4B00] =	vst v1;
	s9 =	smov.u32 s8;
	s8 =	smov.u32 s11  }
0x194: {  	s10 =	sadd.s32 $0x40, s10;
	v1 =	vld.idx.msk [tilespmem:v3+s22+$0x0], $0xffff  }
0x195: {  	v2 =	vld [tilespmem:s9+$0x4B00];
	_ =	sdelay $0x4  }
0x196: {  	v1 =	vadd.f32 v1, v2;
	_ =	sdelay $0x1  }
0x197: {  	[tilespmem:s9+$0x4B00] =	vst v1  }
0x198: {  	v0 =	vld.idx.msk [tilespmem:v0+s22+$0x0], $0xffff  }
0x199: {  	v1 =	vld [tilespmem:s8+$0x4B00];
	_ =	sdelay $0x4  }
0x19a: {  	v0 =	vadd.f32 v0, v1;
	_ =	sdelay $0x1  }
0x19b: {  	s11 =	rddreg [dreg:$0x15];
	[tilespmem:s8+$0x4B00] =	vst v0;
	s8 =	simm.s32 $0x0  }
0x19c: {  	[hbm4b:s11+s8] =	stream.linear.scatter [tilespmem:s28], [sflag:$0x5], $0x1900, $0x38;
	[tilespmem:$0xE800] =	vst v63  }
0x19d: {  	s10 =	rddreg [dreg:$0x19]  }
0x19e: {  	[tilespmem:s8], [sflag:$0x1] =	stream.linear.gather [hbm4b:s10+s8], $0x1900, $0x38;
	[tilespmem:$0xE800] =	vst v63  }
0x19f: {  	s11 =	rddreg [dreg:$0x1a]  }
0x1a0: {  	[tilespmem:s24], [sflag:$0x1] =	stream.linear.gather [hbm4b:s11+s8], $0x1900, $0x38;
	[tilespmem:$0xE800] =	vst v63  }
0x1a1: {  	_ =	swait.ge [sflag:s25], $0x1900  }
0x1a2: {  	[sflag:s25] =	ssyncset.done $0x0  }
0x1a3: {  	[sflag:s25] =	ssyncadd.s32 $0xFFFFE700  }
0x1a4: {  	_ =	swait.ge [sflag:s25], $0x1900  }
0x1a5: {  	[sflag:s25] =	ssyncset.done $0x0  }
0x1a6: {  	s8 =	simm.s32 $0x0;
	[sflag:s25] =	ssyncadd.s32 $0xFFFFE700  }
0x1a7: {  	v0 =	vld [tilespmem:s8+$0x0]  }
0x1a8: {  	s9 =	simm.s32 $0x40;
	v1 =	vld [tilespmem:s8+$0x1900]  }
.LBB2_32:
0x1a9: {  	p0 =	sne.s32 s9, $0x63C0  }
.Ltmp15:
0x1aa: {  	_ = 	snop;
	(pc) =	sbr.rel @p0 .LBB2_32-.Ltmp15, $4  }
0x1ab: {  	_ = 	snop  }
0x1ac: {  	s10 =	sshra.s32 s9, $0x2;
	s9 =	sadd.s32 $0x40, s9;
	v2 =	vshll.u32 v0, $0xD  }
0x1ad: {  	v0 =	vld [tilespmem:s10+$0x0];
	v2 =	vadd.s32 v1, v2  }
0x1ae: {  	v1 =	vld [tilespmem:s10+$0x1900];
	[tilespmem:s8+$0x3200] =	vst v2;
	s8 =	smov.u32 s10  }
0x1af: {  	_ =	sdelay $0x2  }
0x1b0: {  	v0 =	vshll.u32 v0, $0xD  }
0x1b1: {  	v0 =	vadd.s32 v1, v0  }
0x1b2: {  	[tilespmem:s8+$0x3200] =	vst v0  }
0x1b3: {  	_ =	swait.ge [sflag:s4], $0x1900  }
0x1b4: {  	[sflag:s4] =	ssyncset.done $0x0  }
0x1b5: {  	[sflag:s4] =	ssyncadd.s32 $0xFFFFE700  }
0x1b6: {  	[tilespmem:s28], [sflag:$0x3] =	stream.indirect.gather [hbm4b:s20+s24], $0x1, s26, s24, $0xb8;
	[tilespmem:$0xE800] =	vst v63  }
0x1b7: {  	_ =	swait.ge [sflag:s5], $0x1900  }
0x1b8: {  	[sflag:s5] =	ssyncset.done $0x0  }
0x1b9: {  	s9 =	simm.s32 $0x0;
	[sflag:s5] =	ssyncadd.s32 $0xFFFFE700  }
0x1ba: {  	v1 =	vld [tilespmem:s9+$0x6400];
	_ =	sdelay $0x5  }
0x1bb: {  	s8 =	simm.s32 $0x10  }
0x1bc: {  	v0 =	vld [tilespmem:s8+$0x6400]  }
0x1bd: {  	s10 =	simm.s32 $0x80;
	v1 =	vld.idx.msk [tilespmem:v1+s22+$0x0], $0xffff  }
.LBB2_34:
0x1be: {  	p0 =	sne.s32 s10, $0x63C0;
	v2 =	vld [tilespmem:s9+$0xAF00];
	_ =	sdelay $0x2  }
0x1bf: {  	v3 =	vmov v0  }
.Ltmp16:
0x1c0: {  	(pc) =	sbr.rel @p0 .LBB2_34-.Ltmp16, $4  }
0x1c1: {  	v1 =	vadd.f32 v1, v2  }
0x1c2: {  	s11 =	sshra.s32 s10, $0x2  }
0x1c3: {  	v0 =	vld [tilespmem:s11+$0x6400];
	[tilespmem:s9+$0xAF00] =	vst v1;
	s9 =	smov.u32 s8;
	s8 =	smov.u32 s11  }
0x1c4: {  	s10 =	sadd.s32 $0x40, s10;
	v1 =	vld.idx.msk [tilespmem:v3+s22+$0x0], $0xffff  }
0x1c5: {  	v2 =	vld [tilespmem:s9+$0xAF00];
	_ =	sdelay $0x4  }
0x1c6: {  	v1 =	vadd.f32 v1, v2;
	_ =	sdelay $0x1  }
0x1c7: {  	[tilespmem:s9+$0xAF00] =	vst v1  }
0x1c8: {  	v0 =	vld.idx.msk [tilespmem:v0+s22+$0x0], $0xffff  }
0x1c9: {  	v1 =	vld [tilespmem:s8+$0xAF00];
	_ =	sdelay $0x4  }
0x1ca: {  	v0 =	vadd.f32 v0, v1;
	_ =	sdelay $0x1  }
0x1cb: {  	s11 =	rddreg [dreg:$0x18];
	[tilespmem:s8+$0xAF00] =	vst v0;
	s8 =	simm.s32 $0x0  }
0x1cc: {  	[hbm4b:s11+s8] =	stream.linear.scatter [tilespmem:s2], [sflag:$0x6], $0x1900, $0x38;
	[tilespmem:$0xE800] =	vst v63  }
0x1cd: {  	s10 =	rddreg [dreg:$0x1c]  }
0x1ce: {  	[tilespmem:s29], [sflag:$0x2] =	stream.linear.gather [hbm4b:s10+s8], $0x1900, $0x38;
	[tilespmem:$0xE800] =	vst v63  }
0x1cf: {  	s11 =	rddreg [dreg:$0x1d]  }
0x1d0: {  	[tilespmem:s30], [sflag:$0x2] =	stream.linear.gather [hbm4b:s11+s8], $0x1900, $0x38;
	[tilespmem:$0xE800] =	vst v63  }
0x1d1: {  	_ =	swait.ge [sflag:s31], $0x1900  }
0x1d2: {  	[sflag:s31] =	ssyncset.done $0x0  }
0x1d3: {  	[sflag:s31] =	ssyncadd.s32 $0xFFFFE700  }
0x1d4: {  	_ =	swait.ge [sflag:s31], $0x1900  }
0x1d5: {  	[sflag:s31] =	ssyncset.done $0x0  }
0x1d6: {  	s8 =	simm.s32 $0x0;
	[sflag:s31] =	ssyncadd.s32 $0xFFFFE700  }
0x1d7: {  	v0 =	vld [tilespmem:s8+$0x6400]  }
0x1d8: {  	s9 =	simm.s32 $0x40;
	v1 =	vld [tilespmem:s8+$0x7D00]  }
.LBB2_36:
0x1d9: {  	p0 =	sne.s32 s9, $0x63C0  }
.Ltmp17:
0x1da: {  	_ = 	snop;
	(pc) =	sbr.rel @p0 .LBB2_36-.Ltmp17, $4  }
0x1db: {  	_ = 	snop  }
0x1dc: {  	s10 =	sshra.s32 s9, $0x2;
	s9 =	sadd.s32 $0x40, s9;
	v2 =	vshll.u32 v0, $0xD  }
0x1dd: {  	v0 =	vld [tilespmem:s10+$0x6400];
	v2 =	vadd.s32 v1, v2  }
0x1de: {  	v1 =	vld [tilespmem:s10+$0x7D00];
	[tilespmem:s8+$0x9600] =	vst v2;
	s8 =	smov.u32 s10  }
0x1df: {  	_ =	sdelay $0x2  }
0x1e0: {  	v0 =	vshll.u32 v0, $0xD  }
0x1e1: {  	v0 =	vadd.s32 v1, v0  }
0x1e2: {  	[tilespmem:s8+$0x9600] =	vst v0  }
0x1e3: {  	_ =	swait.ge [sflag:s6], $0x1900  }
0x1e4: {  	[sflag:s6] =	ssyncset.done $0x0  }
0x1e5: {  	[sflag:s6] =	ssyncadd.s32 $0xFFFFE700  }
0x1e6: {  	[tilespmem:s2], [sflag:$0x4] =	stream.indirect.gather [hbm4b:s20+s24], $0x1, s0, s24, $0xb8;
	[tilespmem:$0xE800] =	vst v63  }
0x1e7: {  	_ =	swait.ge [sflag:s3], $0x1900  }
0x1e8: {  	[sflag:s3] =	ssyncset.done $0x0  }
0x1e9: {  	s9 =	simm.s32 $0x0;
	[sflag:s3] =	ssyncadd.s32 $0xFFFFE700  }
0x1ea: {  	v1 =	vld [tilespmem:s9+$0x0];
	_ =	sdelay $0x5  }
0x1eb: {  	s8 =	simm.s32 $0x10  }
0x1ec: {  	v0 =	vld [tilespmem:s8+$0x0]  }
0x1ed: {  	s10 =	simm.s32 $0x80;
	v1 =	vld.idx.msk [tilespmem:v1+s22+$0x0], $0xffff  }
.LBB2_38:
0x1ee: {  	p0 =	sne.s32 s10, $0x63C0;
	v2 =	vld [tilespmem:s9+$0x4B00];
	_ =	sdelay $0x2  }
0x1ef: {  	v3 =	vmov v0  }
.Ltmp18:
0x1f0: {  	(pc) =	sbr.rel @p0 .LBB2_38-.Ltmp18, $4  }
0x1f1: {  	v1 =	vadd.f32 v1, v2  }
0x1f2: {  	s11 =	sshra.s32 s10, $0x2  }
0x1f3: {  	v0 =	vld [tilespmem:s11+$0x0];
	[tilespmem:s9+$0x4B00] =	vst v1;
	s9 =	smov.u32 s8;
	s8 =	smov.u32 s11  }
0x1f4: {  	s10 =	sadd.s32 $0x40, s10;
	v1 =	vld.idx.msk [tilespmem:v3+s22+$0x0], $0xffff  }
0x1f5: {  	v2 =	vld [tilespmem:s9+$0x4B00];
	_ =	sdelay $0x4  }
0x1f6: {  	v1 =	vadd.f32 v1, v2;
	_ =	sdelay $0x1  }
0x1f7: {  	[tilespmem:s9+$0x4B00] =	vst v1  }
0x1f8: {  	v0 =	vld.idx.msk [tilespmem:v0+s22+$0x0], $0xffff  }
0x1f9: {  	v1 =	vld [tilespmem:s8+$0x4B00];
	_ =	sdelay $0x4  }
0x1fa: {  	v0 =	vadd.f32 v0, v1  }
0x1fb: {  	s11 =	rddreg [dreg:$0x1b]  }
0x1fc: {  	s10 =	rddreg [dreg:$0x1f];
	[tilespmem:s8+$0x4B00] =	vst v0;
	s8 =	simm.s32 $0x0  }
0x1fd: {  	[hbm4b:s11+s8] =	stream.linear.scatter [tilespmem:s28], [sflag:$0x5], $0x1900, $0x38;
	[tilespmem:$0xE800] =	vst v63  }
0x1fe: {  	s11 =	sld [smem:$0x7F2]  }
0x1ff: {  	[tilespmem:s8], [sflag:$0x1] =	stream.linear.gather [hbm4b:s10+s8], $0x1900, $0x38;
	[tilespmem:$0xE800] =	vst v63  }
0x200: {  	_ = 	snop  }
0x201: {  	[tilespmem:s24], [sflag:$0x1] =	stream.linear.gather [hbm4b:s11+s8], $0x1900, $0x38;
	[tilespmem:$0xE800] =	vst v63  }
0x202: {  	_ =	swait.ge [sflag:s25], $0x1900  }
0x203: {  	[sflag:s25] =	ssyncset.done $0x0  }
0x204: {  	[sflag:s25] =	ssyncadd.s32 $0xFFFFE700  }
0x205: {  	_ =	swait.ge [sflag:s25], $0x1900  }
0x206: {  	[sflag:s25] =	ssyncset.done $0x0  }
0x207: {  	s8 =	simm.s32 $0x0;
	[sflag:s25] =	ssyncadd.s32 $0xFFFFE700  }
0x208: {  	v0 =	vld [tilespmem:s8+$0x0]  }
0x209: {  	s9 =	simm.s32 $0x40;
	v1 =	vld [tilespmem:s8+$0x1900]  }
.LBB2_40:
0x20a: {  	p0 =	sne.s32 s9, $0x63C0  }
.Ltmp19:
0x20b: {  	_ = 	snop;
	(pc) =	sbr.rel @p0 .LBB2_40-.Ltmp19, $4  }
0x20c: {  	_ = 	snop  }
0x20d: {  	s10 =	sshra.s32 s9, $0x2;
	s9 =	sadd.s32 $0x40, s9;
	v2 =	vshll.u32 v0, $0xD  }
0x20e: {  	v0 =	vld [tilespmem:s10+$0x0];
	v2 =	vadd.s32 v1, v2  }
0x20f: {  	v1 =	vld [tilespmem:s10+$0x1900];
	[tilespmem:s8+$0x3200] =	vst v2;
	s8 =	smov.u32 s10  }
0x210: {  	_ =	sdelay $0x2  }
0x211: {  	v0 =	vshll.u32 v0, $0xD  }
0x212: {  	v0 =	vadd.s32 v1, v0  }
0x213: {  	[tilespmem:s8+$0x3200] =	vst v0  }
0x214: {  	_ =	swait.ge [sflag:s4], $0x1900  }
0x215: {  	[sflag:s4] =	ssyncset.done $0x0  }
0x216: {  	[sflag:s4] =	ssyncadd.s32 $0xFFFFE700  }
0x217: {  	[tilespmem:s28], [sflag:$0x3] =	stream.indirect.gather [hbm4b:s20+s24], $0x1, s26, s24, $0xb8;
	[tilespmem:$0xE800] =	vst v63  }
0x218: {  	_ =	swait.ge [sflag:s5], $0x1900  }
0x219: {  	[sflag:s5] =	ssyncset.done $0x0  }
0x21a: {  	s9 =	simm.s32 $0x0;
	[sflag:s5] =	ssyncadd.s32 $0xFFFFE700  }
0x21b: {  	v1 =	vld [tilespmem:s9+$0x6400];
	_ =	sdelay $0x5  }
0x21c: {  	s8 =	simm.s32 $0x10  }
0x21d: {  	v0 =	vld [tilespmem:s8+$0x6400]  }
0x21e: {  	s10 =	simm.s32 $0x80;
	v1 =	vld.idx.msk [tilespmem:v1+s22+$0x0], $0xffff  }
.LBB2_42:
0x21f: {  	p0 =	sne.s32 s10, $0x63C0;
	v2 =	vld [tilespmem:s9+$0xAF00];
	_ =	sdelay $0x2  }
0x220: {  	v3 =	vmov v0  }
.Ltmp20:
0x221: {  	(pc) =	sbr.rel @p0 .LBB2_42-.Ltmp20, $4  }
0x222: {  	v1 =	vadd.f32 v1, v2  }
0x223: {  	s11 =	sshra.s32 s10, $0x2  }
0x224: {  	v0 =	vld [tilespmem:s11+$0x6400];
	[tilespmem:s9+$0xAF00] =	vst v1;
	s9 =	smov.u32 s8;
	s8 =	smov.u32 s11  }
0x225: {  	s10 =	sadd.s32 $0x40, s10;
	v1 =	vld.idx.msk [tilespmem:v3+s22+$0x0], $0xffff  }
0x226: {  	v2 =	vld [tilespmem:s9+$0xAF00];
	_ =	sdelay $0x4  }
0x227: {  	v1 =	vadd.f32 v1, v2;
	_ =	sdelay $0x1  }
0x228: {  	[tilespmem:s9+$0xAF00] =	vst v1  }
0x229: {  	v0 =	vld.idx.msk [tilespmem:v0+s22+$0x0], $0xffff  }
0x22a: {  	v1 =	vld [tilespmem:s8+$0xAF00];
	_ =	sdelay $0x4  }
0x22b: {  	v0 =	vadd.f32 v0, v1  }
0x22c: {  	s11 =	rddreg [dreg:$0x1e]  }
0x22d: {  	s10 =	sld [smem:$0x7F4];
	[tilespmem:s8+$0xAF00] =	vst v0;
	s8 =	simm.s32 $0x0  }
0x22e: {  	[hbm4b:s11+s8] =	stream.linear.scatter [tilespmem:s2], [sflag:$0x6], $0x1900, $0x38;
	[tilespmem:$0xE800] =	vst v63  }
0x22f: {  	s11 =	sld [smem:$0x7F5]  }
0x230: {  	[tilespmem:s29], [sflag:$0x2] =	stream.linear.gather [hbm4b:s10+s8], $0x1900, $0x38;
	[tilespmem:$0xE800] =	vst v63  }
0x231: {  	_ = 	snop  }
0x232: {  	[tilespmem:s30], [sflag:$0x2] =	stream.linear.gather [hbm4b:s11+s8], $0x1900, $0x38;
	[tilespmem:$0xE800] =	vst v63  }
0x233: {  	_ =	swait.ge [sflag:s31], $0x1900  }
0x234: {  	[sflag:s31] =	ssyncset.done $0x0  }
0x235: {  	[sflag:s31] =	ssyncadd.s32 $0xFFFFE700  }
0x236: {  	_ =	swait.ge [sflag:s31], $0x1900  }
0x237: {  	[sflag:s31] =	ssyncset.done $0x0  }
0x238: {  	s8 =	simm.s32 $0x0;
	[sflag:s31] =	ssyncadd.s32 $0xFFFFE700  }
0x239: {  	v0 =	vld [tilespmem:s8+$0x6400]  }
0x23a: {  	s9 =	simm.s32 $0x40;
	v1 =	vld [tilespmem:s8+$0x7D00]  }
.LBB2_44:
0x23b: {  	p0 =	sne.s32 s9, $0x63C0  }
.Ltmp21:
0x23c: {  	_ = 	snop;
	(pc) =	sbr.rel @p0 .LBB2_44-.Ltmp21, $4  }
0x23d: {  	_ = 	snop  }
0x23e: {  	s10 =	sshra.s32 s9, $0x2;
	s9 =	sadd.s32 $0x40, s9;
	v2 =	vshll.u32 v0, $0xD  }
0x23f: {  	v0 =	vld [tilespmem:s10+$0x6400];
	v2 =	vadd.s32 v1, v2  }
0x240: {  	v1 =	vld [tilespmem:s10+$0x7D00];
	[tilespmem:s8+$0x9600] =	vst v2;
	s8 =	smov.u32 s10  }
0x241: {  	_ =	sdelay $0x2  }
0x242: {  	v0 =	vshll.u32 v0, $0xD  }
0x243: {  	v0 =	vadd.s32 v1, v0  }
0x244: {  	[tilespmem:s8+$0x9600] =	vst v0  }
0x245: {  	_ =	swait.ge [sflag:s6], $0x1900  }
0x246: {  	[sflag:s6] =	ssyncset.done $0x0  }
0x247: {  	[sflag:s6] =	ssyncadd.s32 $0xFFFFE700  }
0x248: {  	[tilespmem:s2], [sflag:$0x4] =	stream.indirect.gather [hbm4b:s20+s24], $0x1, s0, s24, $0xb8;
	[tilespmem:$0xE800] =	vst v63  }
0x249: {  	_ =	swait.ge [sflag:s3], $0x1900  }
0x24a: {  	[sflag:s3] =	ssyncset.done $0x0  }
0x24b: {  	s9 =	simm.s32 $0x0;
	[sflag:s3] =	ssyncadd.s32 $0xFFFFE700  }
0x24c: {  	v1 =	vld [tilespmem:s9+$0x0];
	_ =	sdelay $0x5  }
0x24d: {  	s8 =	simm.s32 $0x10  }
0x24e: {  	v0 =	vld [tilespmem:s8+$0x0]  }
0x24f: {  	s10 =	simm.s32 $0x80;
	v1 =	vld.idx.msk [tilespmem:v1+s22+$0x0], $0xffff  }
.LBB2_46:
0x250: {  	p0 =	sne.s32 s10, $0x63C0;
	v2 =	vld [tilespmem:s9+$0x4B00];
	_ =	sdelay $0x2  }
0x251: {  	v3 =	vmov v0  }
.Ltmp22:
0x252: {  	(pc) =	sbr.rel @p0 .LBB2_46-.Ltmp22, $4  }
0x253: {  	v1 =	vadd.f32 v1, v2  }
0x254: {  	s11 =	sshra.s32 s10, $0x2  }
0x255: {  	v0 =	vld [tilespmem:s11+$0x0];
	[tilespmem:s9+$0x4B00] =	vst v1;
	s9 =	smov.u32 s8;
	s8 =	smov.u32 s11  }
0x256: {  	s10 =	sadd.s32 $0x40, s10;
	v1 =	vld.idx.msk [tilespmem:v3+s22+$0x0], $0xffff  }
0x257: {  	v2 =	vld [tilespmem:s9+$0x4B00];
	_ =	sdelay $0x4  }
0x258: {  	v1 =	vadd.f32 v1, v2;
	_ =	sdelay $0x1  }
0x259: {  	[tilespmem:s9+$0x4B00] =	vst v1  }
0x25a: {  	v0 =	vld.idx.msk [tilespmem:v0+s22+$0x0], $0xffff  }
0x25b: {  	v1 =	vld [tilespmem:s8+$0x4B00];
	_ =	sdelay $0x4  }
0x25c: {  	s11 =	sld [smem:$0x7F3];
	v0 =	vadd.f32 v0, v1;
	_ =	sdelay $0x1  }
0x25d: {  	s10 =	sld [smem:$0x7F7];
	[tilespmem:s8+$0x4B00] =	vst v0;
	s8 =	simm.s32 $0x0  }
0x25e: {  	[hbm4b:s11+s8] =	stream.linear.scatter [tilespmem:s28], [sflag:$0x5], $0x1900, $0x38;
	[tilespmem:$0xE800] =	vst v63  }
0x25f: {  	s11 =	sld [smem:$0x7F8]  }
0x260: {  	[tilespmem:s8], [sflag:$0x1] =	stream.linear.gather [hbm4b:s10+s8], $0x1900, $0x38;
	[tilespmem:$0xE800] =	vst v63  }
0x261: {  	_ = 	snop  }
0x262: {  	[tilespmem:s24], [sflag:$0x1] =	stream.linear.gather [hbm4b:s11+s8], $0x1900, $0x38;
	[tilespmem:$0xE800] =	vst v63  }
0x263: {  	_ =	swait.ge [sflag:s25], $0x1900  }
0x264: {  	[sflag:s25] =	ssyncset.done $0x0  }
0x265: {  	[sflag:s25] =	ssyncadd.s32 $0xFFFFE700  }
0x266: {  	_ =	swait.ge [sflag:s25], $0x1900  }
0x267: {  	[sflag:s25] =	ssyncset.done $0x0  }
0x268: {  	s8 =	simm.s32 $0x0;
	[sflag:s25] =	ssyncadd.s32 $0xFFFFE700  }
0x269: {  	v0 =	vld [tilespmem:s8+$0x0]  }
0x26a: {  	s9 =	simm.s32 $0x40;
	v1 =	vld [tilespmem:s8+$0x1900]  }
.LBB2_48:
0x26b: {  	p0 =	sne.s32 s9, $0x63C0  }
.Ltmp23:
0x26c: {  	_ = 	snop;
	(pc) =	sbr.rel @p0 .LBB2_48-.Ltmp23, $4  }
0x26d: {  	_ = 	snop  }
0x26e: {  	s10 =	sshra.s32 s9, $0x2;
	s9 =	sadd.s32 $0x40, s9;
	v2 =	vshll.u32 v0, $0xD  }
0x26f: {  	v0 =	vld [tilespmem:s10+$0x0];
	v2 =	vadd.s32 v1, v2  }
0x270: {  	v1 =	vld [tilespmem:s10+$0x1900];
	[tilespmem:s8+$0x3200] =	vst v2;
	s8 =	smov.u32 s10  }
0x271: {  	_ =	sdelay $0x2  }
0x272: {  	v0 =	vshll.u32 v0, $0xD  }
0x273: {  	v0 =	vadd.s32 v1, v0  }
0x274: {  	[tilespmem:s8+$0x3200] =	vst v0  }
0x275: {  	_ =	swait.ge [sflag:s4], $0x1900  }
0x276: {  	[sflag:s4] =	ssyncset.done $0x0  }
0x277: {  	[sflag:s4] =	ssyncadd.s32 $0xFFFFE700  }
0x278: {  	[tilespmem:s28], [sflag:$0x3] =	stream.indirect.gather [hbm4b:s20+s24], $0x1, s26, s24, $0xb8;
	[tilespmem:$0xE800] =	vst v63  }
0x279: {  	_ =	swait.ge [sflag:s5], $0x1900  }
0x27a: {  	[sflag:s5] =	ssyncset.done $0x0  }
0x27b: {  	s9 =	simm.s32 $0x0;
	[sflag:s5] =	ssyncadd.s32 $0xFFFFE700  }
0x27c: {  	v1 =	vld [tilespmem:s9+$0x6400];
	_ =	sdelay $0x5  }
0x27d: {  	s8 =	simm.s32 $0x10  }
0x27e: {  	v0 =	vld [tilespmem:s8+$0x6400]  }
0x27f: {  	s10 =	simm.s32 $0x80;
	v1 =	vld.idx.msk [tilespmem:v1+s22+$0x0], $0xffff  }
.LBB2_50:
0x280: {  	p0 =	sne.s32 s10, $0x63C0;
	v2 =	vld [tilespmem:s9+$0xAF00];
	_ =	sdelay $0x2  }
0x281: {  	v3 =	vmov v0  }
.Ltmp24:
0x282: {  	(pc) =	sbr.rel @p0 .LBB2_50-.Ltmp24, $4  }
0x283: {  	v1 =	vadd.f32 v1, v2  }
0x284: {  	s11 =	sshra.s32 s10, $0x2  }
0x285: {  	v0 =	vld [tilespmem:s11+$0x6400];
	[tilespmem:s9+$0xAF00] =	vst v1;
	s9 =	smov.u32 s8;
	s8 =	smov.u32 s11  }
0x286: {  	s10 =	sadd.s32 $0x40, s10;
	v1 =	vld.idx.msk [tilespmem:v3+s22+$0x0], $0xffff  }
0x287: {  	v2 =	vld [tilespmem:s9+$0xAF00];
	_ =	sdelay $0x4  }
0x288: {  	v1 =	vadd.f32 v1, v2;
	_ =	sdelay $0x1  }
0x289: {  	[tilespmem:s9+$0xAF00] =	vst v1  }
0x28a: {  	v0 =	vld.idx.msk [tilespmem:v0+s22+$0x0], $0xffff  }
0x28b: {  	v1 =	vld [tilespmem:s8+$0xAF00];
	_ =	sdelay $0x4  }
0x28c: {  	s11 =	sld [smem:$0x7F6];
	v0 =	vadd.f32 v0, v1;
	_ =	sdelay $0x1  }
0x28d: {  	s10 =	sld [smem:$0x7FA];
	[tilespmem:s8+$0xAF00] =	vst v0;
	s8 =	simm.s32 $0x0  }
0x28e: {  	[hbm4b:s11+s8] =	stream.linear.scatter [tilespmem:s2], [sflag:$0x6], $0x1900, $0x38;
	[tilespmem:$0xE800] =	vst v63  }
0x28f: {  	s11 =	sld [smem:$0x7FB]  }
0x290: {  	[tilespmem:s29], [sflag:$0x2] =	stream.linear.gather [hbm4b:s10+s8], $0x1900, $0x38;
	[tilespmem:$0xE800] =	vst v63  }
0x291: {  	_ = 	snop  }
0x292: {  	[tilespmem:s30], [sflag:$0x2] =	stream.linear.gather [hbm4b:s11+s8], $0x1900, $0x38;
	[tilespmem:$0xE800] =	vst v63  }
0x293: {  	_ =	swait.ge [sflag:s31], $0x1900  }
0x294: {  	[sflag:s31] =	ssyncset.done $0x0  }
0x295: {  	[sflag:s31] =	ssyncadd.s32 $0xFFFFE700  }
0x296: {  	_ =	swait.ge [sflag:s31], $0x1900  }
0x297: {  	[sflag:s31] =	ssyncset.done $0x0  }
0x298: {  	s8 =	simm.s32 $0x0;
	[sflag:s31] =	ssyncadd.s32 $0xFFFFE700  }
0x299: {  	v0 =	vld [tilespmem:s8+$0x6400]  }
0x29a: {  	s9 =	simm.s32 $0x40;
	v1 =	vld [tilespmem:s8+$0x7D00]  }
.LBB2_52:
0x29b: {  	p0 =	sne.s32 s9, $0x63C0  }
.Ltmp25:
0x29c: {  	_ = 	snop;
	(pc) =	sbr.rel @p0 .LBB2_52-.Ltmp25, $4  }
0x29d: {  	_ = 	snop  }
0x29e: {  	s10 =	sshra.s32 s9, $0x2;
	s9 =	sadd.s32 $0x40, s9;
	v2 =	vshll.u32 v0, $0xD  }
0x29f: {  	v0 =	vld [tilespmem:s10+$0x6400];
	v2 =	vadd.s32 v1, v2  }
0x2a0: {  	v1 =	vld [tilespmem:s10+$0x7D00];
	[tilespmem:s8+$0x9600] =	vst v2;
	s8 =	smov.u32 s10  }
0x2a1: {  	_ =	sdelay $0x2  }
0x2a2: {  	v0 =	vshll.u32 v0, $0xD  }
0x2a3: {  	v0 =	vadd.s32 v1, v0  }
0x2a4: {  	[tilespmem:s8+$0x9600] =	vst v0  }
0x2a5: {  	_ =	swait.ge [sflag:s6], $0x1900  }
0x2a6: {  	[sflag:s6] =	ssyncset.done $0x0  }
0x2a7: {  	[sflag:s6] =	ssyncadd.s32 $0xFFFFE700  }
0x2a8: {  	[tilespmem:s2], [sflag:$0x4] =	stream.indirect.gather [hbm4b:s20+s24], $0x1, s0, s24, $0xb8;
	[tilespmem:$0xE800] =	vst v63  }
0x2a9: {  	_ =	swait.ge [sflag:s3], $0x1900  }
0x2aa: {  	[sflag:s3] =	ssyncset.done $0x0  }
0x2ab: {  	s9 =	simm.s32 $0x0;
	[sflag:s3] =	ssyncadd.s32 $0xFFFFE700  }
0x2ac: {  	v1 =	vld [tilespmem:s9+$0x0];
	_ =	sdelay $0x5  }
0x2ad: {  	s8 =	simm.s32 $0x10  }
0x2ae: {  	v0 =	vld [tilespmem:s8+$0x0]  }
0x2af: {  	s10 =	simm.s32 $0x80;
	v1 =	vld.idx.msk [tilespmem:v1+s22+$0x0], $0xffff  }
.LBB2_54:
0x2b0: {  	p0 =	sne.s32 s10, $0x63C0;
	v2 =	vld [tilespmem:s9+$0x4B00];
	_ =	sdelay $0x2  }
0x2b1: {  	v3 =	vmov v0  }
.Ltmp26:
0x2b2: {  	(pc) =	sbr.rel @p0 .LBB2_54-.Ltmp26, $4  }
0x2b3: {  	v1 =	vadd.f32 v1, v2  }
0x2b4: {  	s11 =	sshra.s32 s10, $0x2  }
0x2b5: {  	v0 =	vld [tilespmem:s11+$0x0];
	[tilespmem:s9+$0x4B00] =	vst v1;
	s9 =	smov.u32 s8;
	s8 =	smov.u32 s11  }
0x2b6: {  	s10 =	sadd.s32 $0x40, s10;
	v1 =	vld.idx.msk [tilespmem:v3+s22+$0x0], $0xffff  }
0x2b7: {  	v2 =	vld [tilespmem:s9+$0x4B00];
	_ =	sdelay $0x4  }
0x2b8: {  	v1 =	vadd.f32 v1, v2;
	_ =	sdelay $0x1  }
0x2b9: {  	[tilespmem:s9+$0x4B00] =	vst v1  }
0x2ba: {  	v0 =	vld.idx.msk [tilespmem:v0+s22+$0x0], $0xffff  }
0x2bb: {  	v1 =	vld [tilespmem:s8+$0x4B00];
	_ =	sdelay $0x4  }
0x2bc: {  	s11 =	sld [smem:$0x7F9];
	v0 =	vadd.f32 v0, v1;
	_ =	sdelay $0x1  }
0x2bd: {  	s10 =	simm.s32 $0x0;
	[tilespmem:s8+$0x4B00] =	vst v0  }
0x2be: {  	[hbm4b:s11+s10] =	stream.linear.scatter [tilespmem:s28], [sflag:$0x5], $0x1900, $0x38;
	[tilespmem:$0xE800] =	vst v63  }
0x2bf: {  	_ = 	snop  }
0x2c0: {  	[tilespmem:s10], [sflag:$0x1] =	stream.linear.gather [hbm4b:s14+s10], $0x1900, $0x38;
	[tilespmem:$0xE800] =	vst v63  }
0x2c1: {  	_ = 	snop  }
0x2c2: {  	[tilespmem:s24], [sflag:$0x1] =	stream.linear.gather [hbm4b:s16+s10], $0x1900, $0x38;
	[tilespmem:$0xE800] =	vst v63  }
0x2c3: {  	_ =	swait.ge [sflag:s25], $0x1900  }
0x2c4: {  	[sflag:s25] =	ssyncset.done $0x0  }
0x2c5: {  	[sflag:s25] =	ssyncadd.s32 $0xFFFFE700  }
0x2c6: {  	_ =	swait.ge [sflag:s25], $0x1900  }
0x2c7: {  	[sflag:s25] =	ssyncset.done $0x0  }
0x2c8: {  	s8 =	simm.s32 $0x0;
	[sflag:s25] =	ssyncadd.s32 $0xFFFFE700  }
0x2c9: {  	v0 =	vld [tilespmem:s8+$0x0]  }
0x2ca: {  	s9 =	simm.s32 $0x40;
	v1 =	vld [tilespmem:s8+$0x1900]  }
.LBB2_56:
0x2cb: {  	p0 =	sne.s32 s9, $0x63C0  }
.Ltmp27:
0x2cc: {  	_ = 	snop;
	(pc) =	sbr.rel @p0 .LBB2_56-.Ltmp27, $4  }
0x2cd: {  	_ = 	snop  }
0x2ce: {  	s10 =	sshra.s32 s9, $0x2;
	s9 =	sadd.s32 $0x40, s9;
	v2 =	vshll.u32 v0, $0xD  }
0x2cf: {  	v0 =	vld [tilespmem:s10+$0x0];
	v2 =	vadd.s32 v1, v2  }
0x2d0: {  	v1 =	vld [tilespmem:s10+$0x1900];
	[tilespmem:s8+$0x3200] =	vst v2;
	s8 =	smov.u32 s10  }
0x2d1: {  	_ =	sdelay $0x2  }
0x2d2: {  	v0 =	vshll.u32 v0, $0xD  }
0x2d3: {  	v0 =	vadd.s32 v1, v0  }
0x2d4: {  	[tilespmem:s8+$0x3200] =	vst v0  }
0x2d5: {  	_ =	swait.ge [sflag:s4], $0x1900  }
0x2d6: {  	[sflag:s4] =	ssyncset.done $0x0  }
0x2d7: {  	[sflag:s4] =	ssyncadd.s32 $0xFFFFE700  }
0x2d8: {  	[tilespmem:s28], [sflag:$0x3] =	stream.indirect.gather [hbm4b:s20+s24], $0x1, s26, s24, $0xb8;
	[tilespmem:$0xE800] =	vst v63  }
0x2d9: {  	_ =	swait.ge [sflag:s5], $0x1900  }
0x2da: {  	[sflag:s5] =	ssyncset.done $0x0  }
0x2db: {  	s9 =	simm.s32 $0x0;
	[sflag:s5] =	ssyncadd.s32 $0xFFFFE700  }
0x2dc: {  	v1 =	vld [tilespmem:s9+$0x6400];
	_ =	sdelay $0x5  }
0x2dd: {  	s8 =	simm.s32 $0x10  }
0x2de: {  	v0 =	vld [tilespmem:s8+$0x6400]  }
0x2df: {  	s10 =	simm.s32 $0x80;
	v1 =	vld.idx.msk [tilespmem:v1+s22+$0x0], $0xffff  }
.LBB2_58:
0x2e0: {  	p0 =	sne.s32 s10, $0x63C0;
	v2 =	vld [tilespmem:s9+$0xAF00];
	_ =	sdelay $0x2  }
0x2e1: {  	v3 =	vmov v0  }
.Ltmp28:
0x2e2: {  	(pc) =	sbr.rel @p0 .LBB2_58-.Ltmp28, $4  }
0x2e3: {  	v1 =	vadd.f32 v1, v2  }
0x2e4: {  	s11 =	sshra.s32 s10, $0x2  }
0x2e5: {  	v0 =	vld [tilespmem:s11+$0x6400];
	[tilespmem:s9+$0xAF00] =	vst v1;
	s9 =	smov.u32 s8;
	s8 =	smov.u32 s11  }
0x2e6: {  	s10 =	sadd.s32 $0x40, s10;
	v1 =	vld.idx.msk [tilespmem:v3+s22+$0x0], $0xffff  }
0x2e7: {  	v2 =	vld [tilespmem:s9+$0xAF00];
	_ =	sdelay $0x4  }
0x2e8: {  	v1 =	vadd.f32 v1, v2;
	_ =	sdelay $0x1  }
0x2e9: {  	[tilespmem:s9+$0xAF00] =	vst v1  }
0x2ea: {  	v0 =	vld.idx.msk [tilespmem:v0+s22+$0x0], $0xffff  }
0x2eb: {  	v1 =	vld [tilespmem:s8+$0xAF00];
	_ =	sdelay $0x4  }
0x2ec: {  	s11 =	sld [smem:$0x7FC];
	v0 =	vadd.f32 v0, v1;
	_ =	sdelay $0x1  }
0x2ed: {  	s10 =	simm.s32 $0x0;
	[tilespmem:s8+$0xAF00] =	vst v0  }
0x2ee: {  	[hbm4b:s11+s10] =	stream.linear.scatter [tilespmem:s2], [sflag:$0x6], $0x1900, $0x38;
	[tilespmem:$0xE800] =	vst v63  }
0x2ef: {  	_ = 	snop  }
0x2f0: {  	[tilespmem:s29], [sflag:$0x2] =	stream.linear.gather [hbm4b:s15+s10], $0x1900, $0x38;
	[tilespmem:$0xE800] =	vst v63  }
0x2f1: {  	_ = 	snop  }
0x2f2: {  	[tilespmem:s30], [sflag:$0x2] =	stream.linear.gather [hbm4b:s17+s10], $0x1900, $0x38;
	[tilespmem:$0xE800] =	vst v63  }
0x2f3: {  	_ =	swait.ge [sflag:s31], $0x1900  }
0x2f4: {  	[sflag:s31] =	ssyncset.done $0x0  }
0x2f5: {  	[sflag:s31] =	ssyncadd.s32 $0xFFFFE700  }
0x2f6: {  	_ =	swait.ge [sflag:s31], $0x1900  }
0x2f7: {  	[sflag:s31] =	ssyncset.done $0x0  }
0x2f8: {  	s8 =	simm.s32 $0x0;
	[sflag:s31] =	ssyncadd.s32 $0xFFFFE700  }
0x2f9: {  	v0 =	vld [tilespmem:s8+$0x6400]  }
0x2fa: {  	s9 =	simm.s32 $0x40;
	v1 =	vld [tilespmem:s8+$0x7D00]  }
.LBB2_60:
0x2fb: {  	p0 =	sne.s32 s9, $0x63C0  }
.Ltmp29:
0x2fc: {  	_ = 	snop;
	(pc) =	sbr.rel @p0 .LBB2_60-.Ltmp29, $4  }
0x2fd: {  	_ = 	snop  }
0x2fe: {  	s10 =	sshra.s32 s9, $0x2;
	s9 =	sadd.s32 $0x40, s9;
	v2 =	vshll.u32 v0, $0xD  }
0x2ff: {  	v0 =	vld [tilespmem:s10+$0x6400];
	v2 =	vadd.s32 v1, v2  }
0x300: {  	v1 =	vld [tilespmem:s10+$0x7D00];
	[tilespmem:s8+$0x9600] =	vst v2;
	s8 =	smov.u32 s10  }
0x301: {  	_ =	sdelay $0x2  }
0x302: {  	v0 =	vshll.u32 v0, $0xD  }
0x303: {  	v0 =	vadd.s32 v1, v0  }
0x304: {  	[tilespmem:s8+$0x9600] =	vst v0  }
0x305: {  	_ =	swait.ge [sflag:s6], $0x1900  }
0x306: {  	[sflag:s6] =	ssyncset.done $0x0  }
0x307: {  	[sflag:s6] =	ssyncadd.s32 $0xFFFFE700  }
0x308: {  	[tilespmem:s2], [sflag:$0x4] =	stream.indirect.gather [hbm4b:s20+s24], $0x1, s0, s24, $0xb8;
	[tilespmem:$0xE800] =	vst v63  }
0x309: {  	_ =	swait.ge [sflag:s3], $0x1900  }
0x30a: {  	[sflag:s3] =	ssyncset.done $0x0  }
0x30b: {  	s9 =	simm.s32 $0x0;
	[sflag:s3] =	ssyncadd.s32 $0xFFFFE700  }
0x30c: {  	v1 =	vld [tilespmem:s9+$0x0];
	_ =	sdelay $0x5  }
0x30d: {  	s8 =	simm.s32 $0x10  }
0x30e: {  	v0 =	vld [tilespmem:s8+$0x0]  }
0x30f: {  	s10 =	simm.s32 $0x80;
	v1 =	vld.idx.msk [tilespmem:v1+s22+$0x0], $0xffff  }
.LBB2_62:
0x310: {  	p0 =	sne.s32 s10, $0x63C0;
	v2 =	vld [tilespmem:s9+$0x4B00];
	_ =	sdelay $0x2  }
0x311: {  	v3 =	vmov v0  }
.Ltmp30:
0x312: {  	(pc) =	sbr.rel @p0 .LBB2_62-.Ltmp30, $4  }
0x313: {  	v1 =	vadd.f32 v1, v2  }
0x314: {  	s11 =	sshra.s32 s10, $0x2  }
0x315: {  	v0 =	vld [tilespmem:s11+$0x0];
	[tilespmem:s9+$0x4B00] =	vst v1;
	s9 =	smov.u32 s8;
	s8 =	smov.u32 s11  }
0x316: {  	s10 =	sadd.s32 $0x40, s10;
	v1 =	vld.idx.msk [tilespmem:v3+s22+$0x0], $0xffff  }
0x317: {  	v2 =	vld [tilespmem:s9+$0x4B00];
	_ =	sdelay $0x4  }
0x318: {  	v1 =	vadd.f32 v1, v2;
	_ =	sdelay $0x1  }
0x319: {  	[tilespmem:s9+$0x4B00] =	vst v1  }
0x31a: {  	v0 =	vld.idx.msk [tilespmem:v0+s22+$0x0], $0xffff  }
0x31b: {  	v1 =	vld [tilespmem:s8+$0x4B00];
	_ =	sdelay $0x4  }
0x31c: {  	v0 =	vadd.f32 v0, v1;
	_ =	sdelay $0x1  }
0x31d: {  	s11 =	simm.s32 $0x0;
	[tilespmem:s8+$0x4B00] =	vst v0  }
0x31e: {  	[hbm4b:s18+s11] =	stream.linear.scatter [tilespmem:s28], [sflag:$0x5], $0x1900, $0x38;
	[tilespmem:$0xE800] =	vst v63  }
0x31f: {  	_ =	swait.ge [sflag:s5], $0x1900  }
0x320: {  	[sflag:s5] =	ssyncset.done $0x0  }
0x321: {  	s9 =	simm.s32 $0x0;
	[sflag:s5] =	ssyncadd.s32 $0xFFFFE700  }
0x322: {  	v1 =	vld [tilespmem:s9+$0x6400];
	_ =	sdelay $0x5  }
0x323: {  	s8 =	simm.s32 $0x10  }
0x324: {  	v0 =	vld [tilespmem:s8+$0x6400]  }
0x325: {  	s10 =	simm.s32 $0x80;
	v1 =	vld.idx.msk [tilespmem:v1+s22+$0x0], $0xffff  }
.LBB2_64:
0x326: {  	p0 =	sne.s32 s10, $0x63C0;
	v2 =	vld [tilespmem:s9+$0xAF00];
	_ =	sdelay $0x2  }
0x327: {  	v3 =	vmov v0  }
.Ltmp31:
0x328: {  	(pc) =	sbr.rel @p0 .LBB2_64-.Ltmp31, $4  }
0x329: {  	v1 =	vadd.f32 v1, v2  }
0x32a: {  	s11 =	sshra.s32 s10, $0x2  }
0x32b: {  	v0 =	vld [tilespmem:s11+$0x6400];
	[tilespmem:s9+$0xAF00] =	vst v1;
	s9 =	smov.u32 s8;
	s8 =	smov.u32 s11  }
0x32c: {  	s10 =	sadd.s32 $0x40, s10;
	v1 =	vld.idx.msk [tilespmem:v3+s22+$0x0], $0xffff  }
0x32d: {  	v2 =	vld [tilespmem:s9+$0xAF00];
	_ =	sdelay $0x4  }
0x32e: {  	v1 =	vadd.f32 v1, v2;
	_ =	sdelay $0x1  }
0x32f: {  	[tilespmem:s9+$0xAF00] =	vst v1  }
0x330: {  	v0 =	vld.idx.msk [tilespmem:v0+s22+$0x0], $0xffff  }
0x331: {  	v1 =	vld [tilespmem:s8+$0xAF00];
	_ =	sdelay $0x4  }
0x332: {  	v0 =	vadd.f32 v0, v1;
	_ =	sdelay $0x1  }
0x333: {  	s7 =	sadd.s32 $0x1, s7;
	[tilespmem:s8+$0xAF00] =	vst v0  }
0x334: {  	[hbm4b:s19+s1] =	stream.linear.scatter [tilespmem:s2], [sflag:$0x6], $0x1900, $0x38;
	[tilespmem:$0xE800] =	vst v63  }
0x335: {  	p0 =	sne.s32 s7, s21;
	_ =	swait.ge [sflag:s4], $0x1900  }
.Ltmp32:
0x336: {  	[sflag:s4] =	ssyncset.done $0x0;
	(pc) =	sbr.rel @p0 .LBB2_1-.Ltmp32, $4  }
0x337: {  	[sflag:s4] =	ssyncadd.s32 $0xFFFFE700  }
0x338: {  	_ =	swait.ge [sflag:s6], $0x1900  }
0x339: {  	[sflag:s6] =	ssyncset.done $0x0  }
0x33a: {  	[sflag:s6] =	ssyncadd.s32 $0xFFFFE700  }
0x33b: {  	_ =	sfence.sel $0x180000  }
0x33c: {  	[bflag:$0x0] =	sbarrier.arrive $0xFFFF  }
0x33d: {  	_ =	strace $0x9000004A  }
0x33e: {  	s0 =	stileid.u32;
	[bflag:$0x2] =	sbarrier.arrive $0xFFFF  }
0x33f: {  	p0 =	sne.s32 s0, $0x0;
	s0 =	rddreg [dreg:$0x3]  }
0x340: {  	s0 =	sadd.s32 @!p0 $0x100000, s0  }
0x341: {  	[sflag:s0] =	ssyncadd.tile.s32 @!p0 $0x1;
	_ =	shalt  }
.Lfunc_end2:
_tile_overlayer_lowered:
.L_overlay_start_2:
0x342: {  	(tag) =	ssettag $0x2  }
0x343: {  	s0 =	rddreg [dreg:$0x0];
	s2 =	stileid.u32  }
0x344: {  	s1 =	rddreg [dreg:$0x1];
	p0 =	sne.s32 s2, $0x0  }
0x345: {  	s3 =	rddreg [dreg:$0x2];
	[bflag:$0x3] =	sbarrier.arrive $0xFFFF;
	s2 =	simm.s32 @!p0 $0x1C07  }
0x346: {  	[timem:s3], [sflag:s2] =	dma.local @!p0 [hbm:s0], s1  }
0x347: {  	s0 =	simm.s32 @!p0 $0x7  }
0x348: {  	_ =	swait.ge @!p0 [sflag:s0], s1  }
0x349: {  	s1 =	ssub.s32 @!p0 $0x0, s1;
	[sflag:s0] =	ssyncset.done @!p0 $0x0  }
0x34a: {  	[sflag:s0] =	ssyncadd.s32 @!p0 s1  }
0x34b: {  	[bflag:$0x3] =	sbarrier.arrive $0xFFFF  }
0x34c: {  	_ =	shalt  }

// kernel: sparse-core-data-format-call.cloned.1.call-start
scs
called_computation_lowered:
.L_overlay_start_0:
0x0: {  	s2 =	sld [smem:$0x3FD9]  }
0x1: {  	s3 =	sld [smem:$0x3FFE];
	_ =	sdelay $0x1  }
0x2: {  	s1 =	srdreg.scid  }
0x3: {  	s0 =	sand.u32 $0x1, s1  }
0x4: {  	s18 =	sshll.u32 s0, $0xA;
	s2 =	sadd.s32 s3, s2  }
0x5: {  	s2 =	sadd.s32 s2, s18  }
0x6: {  	[smem:$0x3FC4] =	sst s2  }
0x7: {  	_ = 	snop  }
0x8: {  	s2 =	sld [smem:$0x3FC6];
	(tm) =	ssettm $0x1  }
0x9: {  	s19 =	sld [smem:$0x3FFB];
	_ =	sdelay $0x3  }
0xa: {  	_ =	strace s19  }
0xb: {  	s3 =	sld [smem:$0x3FFC];
	_ =	sdelay $0x3  }
0xc: {  	_ =	strace s3  }
0xd: {  	s3 =	sld [smem:$0x3FFD];
	_ =	sdelay $0x3  }
0xe: {  	_ =	strace s3  }
0xf: {  	_ =	strace $0x8FFFFFFF  }
0x10: {  	s20 =	sld [smem:$0x3FDB];
	_ =	sdelay $0x1  }
0x11: {  	s4 =	simm.s32 $_scs_section_size  }
0x12: {  	s5 =	simm.s32 $_size__tile_overlayer_lowered;
	s6 =	simm.s32 $_tile_overlayer_lowered  }
0x13: {  	s23 =	simm.s32 $0x1BFF;
	s22 =	sshll.u32 s6, $0x1;
	s3 =	sadd.s32 s4, s20  }
0x14: {  	s7 =	simm.s32 $0x0;
	s21 =	sshll.u32 s5, $0x1;
	s5 =	sadd.s32 s22, s3  }
0x15: {  	[timem:s7], [sflag:s23] =	dma.local [hbm:s5], s21  }
0x16: {  	_ =	swait.ge [sflag:s23], s21  }
0x17: {  	s4 =	ssub.s32 $0x0, s21;
	[sflag:s23] =	ssyncset.done $0x0  }
0x18: {  	[sflag:s23] =	ssyncadd.s32 s4;
	_ =	sdelay $0x1  }
0x19: {  	s24 =	simm.s32 $0x1B8B  }
0x1a: {  	_ =	swait.ge [sflag:s24], $0x1  }
0x1b: {  	[sflag:s24] =	ssyncset.done $0x0  }
0x1c: {  	s26 =	simm.s32 $0x1B8E;
	s25 =	sld [smem:$0x3FFE];
	[sflag:s24] =	ssyncadd.s32 $0xFFFFFFFF  }
0x1d: {  	s27 =	simm.s32 $execute0_lowered;
	[smem:$0x3FD2] =	sst s26  }
0x1e: {  	s5 =	sshll.u32 s27, $0x1;
	_ =	strace $0x80000046;
	[dreg:$0x1] =	wrdreg $0xFFFFFFFF  }
0x1f: {  	s28 =	simm.s32 $_size_execute0_lowered;
	s3 =	sadd.s32 s3, s5;
	[dreg:$0x0] =	wrdreg $0x0  }
0x20: {  	s5 =	sshll.u32 s28, $0x1;
	[dreg:$0x2] =	wrdreg s3  }
0x21: {  	[dreg:$0x3] =	wrdreg s5  }
0x22: {  	[dreg:$0x4] =	wrdreg $0xC0  }
0x23: {  	_ =	task [dreg:s7], $0x5FFFF  }
0x24: {  	[dreg:$0x1] =	wrdreg $0xFFFFFFFF  }
0x25: {  	[dreg:$0x0] =	wrdreg $0x60  }
0x26: {  	[dreg:$0x2] =	wrdreg s2  }
0x27: {  	[dreg:$0x3] =	wrdreg s25  }
0x28: {  	[dreg:$0x4] =	wrdreg $0x9  }
0x29: {  	_ =	task.clear_ibuf [dreg:s7], $0x5FFFF;
	_ =	strace $0x90000046  }
0x2a: {  	s29 =	simm.s32 $0x9;
	_ =	strace $0x80000048  }
0x2b: {  	_ =	swait.ge [sflag:s29], $0x1  }
0x2c: {  	[sflag:s29] =	ssyncadd.s32 $0xFFFFFFFF  }
0x2d: {  	_ =	strace $0x90000048  }
0x2e: {  	_ =	sfence  }
0x2f: {  	s30 =	sld [smem:$0x0];
	_ =	sdelay $0x2  }
0x30: {  	s31 =	sshll.u32 s1, $0xD;
	s1 =	sshrl.u32 s1, $0x2  }
0x31: {  	s3 =	sand.u32 $0x4000, s31;
	s1 =	sadd.s32 s1, s30  }
0x32: {  	s0 =	sor.u32 s3, s0;
	s1 =	sshll.u32 s1, $0x11  }
0x33: {  	s0 =	sor.u32 s1, s0  }
0x34: {  	s0 =	sadd.s32 $0x8F2B, s0  }
0x35: {  	[sflag:s0] =	ssyncadd.remote.s32 $0x1  }
0x36: {  	_ =	sfence.sel $0xFFFF  }
0x37: {  	[dreg:$0x0] =	wrdreg $0xFFFFFFFF;
	(pc) =	sbr.abs _section_cstart, $3  }
0x38: {  	[dreg:$0x1] =	wrdreg $0xFFFFFFFF  }
0x39: {  	_ =	task.clear_ibuf [dreg:s7], $0x2FFFF;
	_ =	strace $0x9FFFFFFF  }
0x3a: {  	(tm) =	ssettm $0x7FFFFFFF  }
0x3b: {  	_ =	shalt  }
tec
execute0_lowered:
.L_overlay_start_1:
0x0: {  	(tag) =	ssettag $0x1  }
0x1: {  	s2 =	rddreg [dreg:$0x0]  }
0x2: {  	s1 =	rddreg [dreg:$0x1]  }
0x3: {  	s0 =	rddreg [dreg:$0x2];
	_ =	strace $0x80000047;
	s4 =	srdreg.scid  }
0x4: {  	s6 =	simm.s32 $0x2;
	s11 =	simm.s32 $0x0;
	p0 =	por $0x0, $0x0  }
.Ltmp0:
0x5: {  	s7 =	simm.s32 $0x2000;
	s12 =	simm.s32 $0x0;
	(pc) =	sbr.rel .LBB1_1-.Ltmp0, $4  }
0x6: {  	s9 =	simm.s32 $0x0;
	s3 =	sadd.s32 $0xC00, s1;
	s5 =	sshll.u32 s4, $0x4  }
0x7: {  	s1 =	stileid.u32;
	s4 =	simm.s32 $0x1;
	s5 =	sand.u32 $0x10, s5  }
0x8: {  	s8 =	simm.s32 $0x0;
	[sflag:s4] =	ssyncpa.u1 $0x0;
	s5 =	sor.u32 s1, s5  }
0x9: {  	[sflag:s6] =	ssyncpa.u1 $0x0;
	s6 =	simm.s32 $0x800;
	s10 =	smov.u32 s5  }
.LBB1_7:
0xa: {  	s13 =	sadd.s32 $0x10, s9  }
0xb: {  	s11 =	sadd.s32 $0x20, s10;
	s15 =	smov.u32 s10;
	p2 =	sgt.s32 s13, $0x3F  }
0xc: {  	p1 =	slt.u32 s8, $0x2;
	s15 =	smov.u32 @p2 s11  }
0xd: {  	s8 =	sadd.s32 $0x1, s8;
	s13 =	simm.s32 @p2 $0x0;
	p2 =	sgt.s32 s15, $0x3FF  }
0xe: {  	s15 =	smov.u32 @p2 s5;
	p2 =	sne.s32 s8, $0x82  }
.Ltmp1:
0xf: {  	_ = 	snop;
	(pc) =	sbr.rel @!p2 .LBB1_8-.Ltmp1, $4  }
0x10: {  	s14 =	simm.s32 @!p1 $0x2  }
0x11: {  	s12 =	smov.u32 s10;
	_ =	swait.ge @!p1 [sflag:s14], $0x4000  }
0x12: {  	p0 =	por !p0, !p0;
	s11 =	smov.u32 s9;
	[sflag:s14] =	ssyncset.done @!p1 $0x0  }
0x13: {  	s9 =	smov.u32 s13;
	[sflag:s14] =	ssyncadd.s32 @!p1 $0xFFFFC000;
	s10 =	smov.u32 s15  }
.LBB1_1:
0x14: {  	p1 =	sgt.u32 s8, $0x7F  }
0x15: {  	s13 =	sxor.u32 @!p1 $0xFFFFFFFF, s8;
	s14 =	sshll.u32 @!p1 s10, $0xD  }
0x16: {  	s15 =	sshll.u32 @!p1 s9, $0x7;
	s13 =	sshll.u32 @!p1 s13, $0xE;
	s14 =	sadd.s32 @!p1 s2, s14  }
0x17: {  	s13 =	sand.u32 @!p1 $0x4000, s13;
	s14 =	sadd.s32 @!p1 s15, s14;
	s15 =	simm.s32 @!p1 $0x0  }
0x18: {  	[tilespmem:s13], [sflag:$0x1] =	stream.linear.gather @!p1 [hbm4b:s14+s15], $0x4000, $0x38;
	[tilespmem:$0x10000] =	vst v63  }
0x19: {  	p1 =	seq.s32 s8, $0x0  }
0x1a: {  	p2 =	seq.s32 @!p1 s8, $0x81  }
0x1b: {  	p1 =	por p1, p2  }
.Ltmp2:
0x1c: {  	_ = 	snop;
	(pc) =	sbr.rel @p1 .LBB1_7-.Ltmp2, $1  }
0x1d: {  	_ =	sdelay $0x3  }
0x1e: {  	s13 =	simm.s32 $0x1;
	_ =	swait.ge [sflag:s4], $0x4000;
	s16 =	sshll.u32 s8, $0xE  }
0x1f: {  	s13 =	simm.s32 @!p0 $0x0;
	[sflag:s4] =	ssyncset.done $0x0;
	s31 =	sand.u32 $0x4000, s16  }
0x20: {  	s16 =	simm.s32 $0x0;
	s14 =	sshll.u32 s13, $0xE;
	[sflag:s4] =	ssyncadd.s32 $0xFFFFC000  }
0x21: {  	s13 =	sor.u32 $0x8040, s14;
	s15 =	sor.u32 $0x40, s14;
	s14 =	sor.u32 $0x8000, s31  }
.LBB1_3:
0x22: {  	v0 =	vmov s15;
	_ =	sdelay $0x3  }
0x23: {  	s18 =	simm.s32 $0x0  }
0x24: {  	v6 =	vld.idx.msk [tilespmem:v0+s18+$0x30 ss:$0x1], $0xffff  }
0x25: {  	v7 =	vld.idx.msk [tilespmem:v0+s18+$0xFFFFFFC0 ss:$0x1], $0xffff  }
0x26: {  	v5 =	vld.idx.msk [tilespmem:v0+s18+$0xFFFFFFD0 ss:$0x1], $0xffff  }
0x27: {  	v4 =	vld.idx.msk [tilespmem:v0+s18+$0xFFFFFFE0 ss:$0x1], $0xffff  }
0x28: {  	v3 =	vld.idx.msk [tilespmem:v0+s18+$0xFFFFFFF0 ss:$0x1], $0xffff  }
0x29: {  	v1 =	vld.idx.msk [tilespmem:v0+s18+$0x0 ss:$0x1], $0xffff  }
0x2a: {  	v2 =	vld.idx.msk [tilespmem:v0+s18+$0x10 ss:$0x1], $0xffff;
	[tilespmem:s13+$0x30] =	vst v6  }
0x2b: {  	s17 =	simm.s32 $0x80;
	s19 =	simm.s32 $0x400;
	[tilespmem:s13+$0xFFFFFFC0] =	vst v7;
	v6 =	vld.idx.msk [tilespmem:v0+s18+$0x20 ss:$0x1], $0xffff;
	s18 =	smov.u32 s13  }
.LBB1_4:
0x2c: {  	p1 =	sne.s32 s19, $0xE00;
	v7 =	vld.idx.msk [tilespmem:v0+s17+$0x30 ss:$0x1], $0xffff;
	[tilespmem:s18+$0xFFFFFFD0] =	vst v5  }
0x2d: {  	v8 =	vld.idx.msk [tilespmem:v0+s17+$0xFFFFFFC0 ss:$0x1], $0xffff;
	[tilespmem:s18+$0xFFFFFFE0] =	vst v4  }
0x2e: {  	v5 =	vld.idx.msk [tilespmem:v0+s17+$0xFFFFFFD0 ss:$0x1], $0xffff;
	[tilespmem:s18+$0xFFFFFFF0] =	vst v3  }
.Ltmp3:
0x2f: {  	v4 =	vld.idx.msk [tilespmem:v0+s17+$0xFFFFFFE0 ss:$0x1], $0xffff;
	[tilespmem:s18+$0x0] =	vst v1;
	(pc) =	sbr.rel @p1 .LBB1_4-.Ltmp3, $4  }
0x30: {  	v3 =	vld.idx.msk [tilespmem:v0+s17+$0xFFFFFFF0 ss:$0x1], $0xffff;
	[tilespmem:s18+$0x10] =	vst v2  }
0x31: {  	v1 =	vld.idx.msk [tilespmem:v0+s17+$0x0 ss:$0x1], $0xffff;
	[tilespmem:s18+$0x20] =	vst v6;
	s18 =	sadd.s32 $0x800, s18  }
0x32: {  	v2 =	vld.idx.msk [tilespmem:v0+s17+$0x10 ss:$0x1], $0xffff;
	[tilespmem:s18+$0x30] =	vst v7  }
0x33: {  	[tilespmem:s18+$0xFFFFFFC0] =	vst v8;
	v6 =	vld.idx.msk [tilespmem:v0+s17+$0x20 ss:$0x1], $0xffff;
	s17 =	sshra.s32 s19, $0x2;
	s19 =	sadd.s32 $0x200, s19  }
0x34: {  	_ =	sdelay $0x2  }
0x35: {  	[tilespmem:s18+$0xFFFFFFD0] =	vst v5  }
0x36: {  	v56 =	vld.idx.msk [tilespmem:v0+s17+$0x30 ss:$0x1], $0xffff;
	[tilespmem:s18+$0xFFFFFFE0] =	vst v4  }
0x37: {  	v57 =	vld.idx.msk [tilespmem:v0+s17+$0xFFFFFFC0 ss:$0x1], $0xffff;
	[tilespmem:s18+$0xFFFFFFF0] =	vst v3  }
0x38: {  	v58 =	vld.idx.msk [tilespmem:v0+s17+$0xFFFFFFD0 ss:$0x1], $0xffff;
	[tilespmem:s18+$0x0] =	vst v1  }
0x39: {  	v59 =	vld.idx.msk [tilespmem:v0+s17+$0xFFFFFFE0 ss:$0x1], $0xffff;
	[tilespmem:s18+$0x10] =	vst v2  }
0x3a: {  	v60 =	vld.idx.msk [tilespmem:v0+s17+$0xFFFFFFF0 ss:$0x1], $0xffff;
	s31 =	sadd.s32 $0x800, s18;
	[tilespmem:s18+$0x20] =	vst v6  }
0x3b: {  	v61 =	vld.idx.msk [tilespmem:v0+s17+$0x0 ss:$0x1], $0xffff;
	[tilespmem:s31+$0x30] =	vst v56  }
0x3c: {  	v62 =	vld.idx.msk [tilespmem:v0+s17+$0x10 ss:$0x1], $0xffff;
	s16 =	sadd.s32 $0x1, s16;
	[tilespmem:s31+$0xFFFFFFC0] =	vst v57  }
0x3d: {  	v63 =	vld.idx.msk [tilespmem:v0+s17+$0x20 ss:$0x1], $0xffff;
	p1 =	sne.s32 s16, $0x10;
	[tilespmem:s31+$0xFFFFFFD0] =	vst v58  }
.Ltmp4:
0x3e: {  	[tilespmem:s31+$0xFFFFFFE0] =	vst v59;
	(pc) =	sbr.rel @p1 .LBB1_3-.Ltmp4, $4  }
0x3f: {  	[tilespmem:s31+$0xFFFFFFF0] =	vst v60  }
0x40: {  	[tilespmem:s31+$0x0] =	vst v61  }
0x41: {  	[tilespmem:s31+$0x10] =	vst v62  }
0x42: {  	s13 =	sadd.s32 $0x80, s13;
	s15 =	sadd.s32 $0x400, s15;
	[tilespmem:s31+$0x20] =	vst v63  }
.Ltmp5:
0x43: {  	(pc) =	sbr.rel .LBB1_7-.Ltmp5, $4  }
0x44: {  	s12 =	sshll.u32 s12, $0xD;
	s11 =	sshll.u32 s11, $0x4  }
0x45: {  	s11 =	sand.u32 $0x3F0, s11;
	s12 =	sadd.s32 s3, s12  }
0x46: {  	s11 =	sadd.s32 s11, s12  }
0x47: {  	[hbm4b:s11+s6] =	stream.strided.scatter [tilespmem:s14], [sflag:$0x2], $0x4000, s7, s6, $0x38;
	[tilespmem:$0x10000] =	vst v63  }
.LBB1_8:
0x48: {  	_ =	sfence.sel $0x180000  }
0x49: {  	s2 =	simm.s32 $0x1;
	[bflag:$0x0] =	sbarrier.arrive $0xFFFF  }
0x4a: {  	s31 =	simm.s32 $0x2;
	[sflag:s2] =	ssyncpa.u1 $0x1  }
0x4b: {  	[sflag:s31] =	ssyncpa.u1 $0x1  }
0x4c: {  	p0 =	sne.s32 s1, $0x0;
	_ =	strace $0x90000047  }
0x4d: {  	s0 =	sadd.s32 @!p0 $0x100000, s0;
	[bflag:$0x2] =	sbarrier.arrive $0xFFFF  }
0x4e: {  	[sflag:s0] =	ssyncadd.tile.s32 @!p0 $0x1;
	_ =	shalt  }
.Lfunc_end1:
_tile_overlayer_lowered:
.L_overlay_start_2:
0x4f: {  	(tag) =	ssettag $0x2  }
0x50: {  	s0 =	rddreg [dreg:$0x0];
	s2 =	stileid.u32  }
0x51: {  	s1 =	rddreg [dreg:$0x1];
	p0 =	sne.s32 s2, $0x0  }
0x52: {  	s3 =	rddreg [dreg:$0x2];
	[bflag:$0x3] =	sbarrier.arrive $0xFFFF;
	s2 =	simm.s32 @!p0 $0x1C01  }
0x53: {  	[timem:s3], [sflag:s2] =	dma.local @!p0 [hbm:s0], s1  }
0x54: {  	s0 =	simm.s32 @!p0 $0x1  }
0x55: {  	_ =	swait.ge @!p0 [sflag:s0], s1  }
0x56: {  	s1 =	ssub.s32 @!p0 $0x0, s1;
	[sflag:s0] =	ssyncset.done @!p0 $0x0  }
0x57: {  	[sflag:s0] =	ssyncadd.s32 @!p0 s1  }
0x58: {  	[bflag:$0x3] =	sbarrier.arrive $0xFFFF  }
0x59: {  	_ =	shalt  }

</sc_bundles>
